<compile_context>
chip_gen: v7x
topology: tpu7x:2x2x1
jax: 0.10.2.dev20260603
libtpu: 0.0.44.dev20260713+nightly
codegen_flags: <defaults>
</compile_context>

<pallas_src>
import functools

import jax
import jax.numpy as jnp
from jax import lax
from jax.experimental import pallas as pl
from jax.experimental.pallas import tpu as pltpu
from jax.experimental.pallas import tpu_sc as plsc

D = 128
CH_BIG = 128
NRING = 4
QSLOT = 8
QDEPTH = 7


@functools.cache
def _build_doc(n_rows, doc_w):
    info = plsc.get_sparse_core_info()
    nc, ns = info.num_cores, info.num_subcores
    nw = nc * ns
    rpw = n_rows // nw
    doc_rg = NRING
    doc_ng = rpw // doc_rg
    gpp = 2
    rps = gpp * doc_rg
    npiece = doc_ng // gpp
    ch_sm = doc_w - CH_BIG
    mesh = plsc.VectorSubcoreMesh(core_axis_name="c", subcore_axis_name="s")

    @functools.partial(
        pl.kernel,
        out_type=jax.ShapeDtypeStruct((n_rows, doc_w, D), jnp.float32),
        mesh=mesh,
        scratch_types=[
            pltpu.VMEM((2, rps, doc_w), jnp.int32),
            pltpu.VMEM((NRING, CH_BIG, D), jnp.float32),
            pltpu.VMEM((NRING, ch_sm, D), jnp.float32),
            pltpu.SemaphoreType.DMA((2 * NRING,)),
            pltpu.SemaphoreType.DMA((2 * NRING,)),
            pltpu.SemaphoreType.DMA,
        ],
    )
    def k(table, doc_idx, doc_out, didx_v, big_v, sm_v, gsem, osem, ssem):
        wid = lax.axis_index("s") * nc + lax.axis_index("c")
        row0 = wid * rpw

        slots = []
        for i in range(doc_rg):
            slots.append((i, 0, CH_BIG, big_v, i, i))
            slots.append((i, CH_BIG, doc_w - CH_BIG, sm_v, i, NRING + i))

        def stage_doc(p, h):
            pltpu.async_copy(
                doc_idx.at[pl.ds(row0 + p * rps, rps)], didx_v.at[h], ssem)

        def wait_stage():
            pltpu.make_async_copy(
                doc_idx.at[pl.ds(row0, rps)], didx_v.at[0], ssem).wait()

        def gather(g, slot):
            i, c, n, buf, bi, si = slot
            h = lax.rem(lax.div(g, gpp), 2)
            lr = lax.rem(g, gpp) * doc_rg + i
            pltpu.async_copy(
                table.at[didx_v.at[h, lr, pl.ds(c, n)]],
                buf.at[bi, pl.ds(0, n)], gsem.at[si])

        def wait_gather(slot):
            _, c, n, buf, bi, si = slot
            pltpu.make_async_copy(
                table.at[pl.ds(0, n)], buf.at[bi, pl.ds(0, n)],
                gsem.at[si]).wait()

        def put(g, slot):
            i, c, n, buf, bi, si = slot
            pltpu.async_copy(
                buf.at[bi, pl.ds(0, n)],
                doc_out.at[row0 + g * doc_rg + i, pl.ds(c, n)], osem.at[si])

        def wait_put(slot):
            _, c, n, buf, bi, si = slot
            pltpu.make_async_copy(
                buf.at[bi, pl.ds(0, n)], doc_out.at[0, pl.ds(c, n)],
                osem.at[si]).wait()

        stage_doc(0, 0)
        wait_stage()
        for slot in slots:
            gather(0, slot)
        stage_doc(1, 1)

        def body(g, carry):
            for slot in slots:
                wait_gather(slot)
                put(g, slot)

            @pl.when(
                jnp.logical_and(lax.rem(g, gpp) == gpp - 1,
                                g + 1 < doc_ng))
            def _():
                wait_stage()

            @pl.when(g + 1 < doc_ng)
            def _():
                for slot in slots:
                    wait_put(slot)
                    gather(g + 1, slot)

            @pl.when(g + 1 == doc_ng)
            def _():
                for slot in slots:
                    wait_put(slot)

            @pl.when(
                jnp.logical_and(lax.rem(g, gpp) == gpp - 1,
                                lax.div(g, gpp) + 2 < npiece))
            def _():
                p_next = lax.div(g, gpp) + 2
                stage_doc(p_next, lax.rem(p_next, 2))

            return carry

        lax.fori_loop(0, doc_ng, body, 0)

    return k


@functools.cache
def _build_qry(n_rows, qry_w):
    info = plsc.get_sparse_core_info()
    nc, ns = info.num_cores, info.num_subcores
    nw = nc * ns
    rpw = n_rows // nw
    mesh = plsc.VectorSubcoreMesh(core_axis_name="c", subcore_axis_name="s")

    @functools.partial(
        pl.kernel,
        out_type=jax.ShapeDtypeStruct((n_rows, qry_w, D), jnp.float32),
        mesh=mesh,
        scratch_types=[
            pltpu.VMEM((rpw, qry_w), jnp.int32),
            pltpu.VMEM((QSLOT, qry_w, D), jnp.float32),
            pltpu.SemaphoreType.DMA((QSLOT,)),
            pltpu.SemaphoreType.DMA((QSLOT,)),
        ],
    )
    def k(table, qry_idx, qry_out, qidx_v, bufs, gsem, osem):
        wid = lax.axis_index("s") * nc + lax.axis_index("c")
        row0 = wid * rpw
        pltpu.sync_copy(qry_idx.at[pl.ds(row0, rpw)], qidx_v)

        def gather(j):
            pltpu.async_copy(
                table.at[qidx_v.at[j]], bufs.at[lax.rem(j, QSLOT)],
                gsem.at[lax.rem(j, QSLOT)])

        def wait_gather(s):
            pltpu.make_async_copy(
                qry_out.at[0], bufs.at[s], gsem.at[s]).wait()

        def put(j, s):
            pltpu.async_copy(bufs.at[s], qry_out.at[row0 + j], osem.at[s])

        def wait_put(s):
            pltpu.make_async_copy(
                bufs.at[s], qry_out.at[0], osem.at[s]).wait()

        for j in range(QDEPTH):
            gather(j)

        def body(j, carry):
            s = lax.rem(j, QSLOT)
            wait_gather(s)
            put(j, s)

            @pl.when(j >= QSLOT - QDEPTH)
            def _():
                wait_put(lax.rem(j + QDEPTH, QSLOT))

            @pl.when(j + QDEPTH < rpw)
            def _():
                gather(j + QDEPTH)

            return carry

        lax.fori_loop(0, rpw, body, 0)
        for t in range(QSLOT - QDEPTH):
            wait_put((rpw - (QSLOT - QDEPTH) + t) % QSLOT)

    return k


def kernel(doc, qry, table):
    qk = _build_qry(qry.shape[0], qry.shape[1])
    dk = _build_doc(doc.shape[0], doc.shape[1])
    qry_out = qk(table, qry)
    doc_out = dk(table, doc)
    return (doc_out, qry_out)

# --- scband reference (transcript-rebuilt; emitter-appended) ---
"""Pipeline reference for scband-embed-90589450207563 (READ-ONLY COPY).

The authoritative reference and input builder live on the scoring server;
editing this copy changes nothing except your own understanding.
"""

import jax, jax.numpy as jnp
import numpy as np

VOCAB = 100000
EMBED_DIM = 128


def setup_inputs(seed: int = 0) -> dict:
    key = jax.random.key(seed)
    k1, k2, k3 = jax.random.split(key, 3)
    doc = jax.random.randint(k1, (4096, 200), 0, VOCAB, dtype=jnp.int64 if jax.config.jax_enable_x64 else jnp.int32).astype(jnp.int32)
    qry = jax.random.randint(k2, (4096, 20), 0, VOCAB, dtype=jnp.int64 if jax.config.jax_enable_x64 else jnp.int32).astype(jnp.int32)
    table = jax.random.normal(k3, (VOCAB, EMBED_DIM), dtype=jnp.float32)
    return {"doc": doc, "qry": qry, "table": table}


def reference(doc, qry, table):
    # Embed.forward: doc -> embed -> dropout(p=0.0, identity); qry -> embed -> dropout
    doc_emb = jnp.take(table, doc, axis=0)
    qry_emb = jnp.take(table, qry, axis=0)
    # dropout p=0.0 is identity in both train and eval
    return (doc_emb, qry_emb)

if __name__ == "__main__":
    import jax
    _d = setup_inputs()
    print(jax.jit(kernel)(*tuple(_d.values())))

</pallas_src>

<mosaic_0001>
#map = affine_map<(d0, d1) -> (0, 0)>
#map1 = affine_map<(d0, d1) -> (0, 0, 0)>
module attributes {stable_mosaic.version = 14 : i64} {
  func.func @k(%arg0: i32, %arg1: i32, %arg2: memref<100000x128xf32, #tpu.memory_space<hbm>>, %arg3: memref<4096x20xi32, #tpu.memory_space<hbm>>, %arg4: memref<4096x20x128xf32, #tpu.memory_space<hbm>>, %arg5: memref<128x20xi32, #tpu.memory_space<vmem>>, %arg6: memref<8x20x128xf32, #tpu.memory_space<vmem>>, %arg7: memref<8x!tpu.dma_semaphore, #tpu.memory_space<semaphore_mem>>, %arg8: memref<8x!tpu.dma_semaphore, #tpu.memory_space<semaphore_mem>>) attributes {dimension_semantics = [#tpu.dimension_semantics<core_parallel>, #tpu.dimension_semantics<subcore_parallel>], iteration_bounds = array<i64: 2, 16>, scalar_prefetch = 0 : i64, scratch_operands = 4 : i64, tpu.core_type = #tpu.core_type<sc_vector_subcore>, window_params = [{transform_indices = #map}, {transform_indices = #map}, {transform_indices = #map1}]} {
    %mul3A = arith.constant 2 : i32
    %mul3A_0 = arith.muli %arg1, %mul3A : i32
    %add3A = arith.addi %mul3A_0, %arg0 : i32
    %mul3A_1 = arith.constant 128 : i32
    %mul3A_2 = arith.muli %add3A, %mul3A_1 : i32
    "tpu.region"() ({
      %run_scoped3A = tpu.sem_alloc : memref<!tpu.dma_semaphore, #tpu.memory_space<semaphore_mem>>
      %dma_start3A_159 = arith.constant 0 : i32
      %dma_start3A_160 = tpu.memref_slice %arg3[%mul3A_2, %dma_start3A_159] : memref<4096x20xi32, #tpu.memory_space<hbm>> -> memref<128x20xi32, #tpu.memory_space<hbm>>
      %dma_start3A_161 = arith.constant 0 : i32
      %dma_start3A_162 = tpu.memref_slice %arg3[%mul3A_2, %dma_start3A_161] : memref<4096x20xi32, #tpu.memory_space<hbm>> -> memref<128x20xi32, #tpu.memory_space<hbm>>
      tpu.enqueue_dma source(%dma_start3A_162 : memref<128x20xi32, #tpu.memory_space<hbm>>) target(%arg5 : memref<128x20xi32, #tpu.memory_space<vmem>>) target_semaphore(%run_scoped3A : memref<!tpu.dma_semaphore, #tpu.memory_space<semaphore_mem>>)
      %dma_wait3A_163 = arith.constant 0 : i32
      %dma_wait3A_164 = tpu.memref_slice %arg3[%mul3A_2, %dma_wait3A_163] : memref<4096x20xi32, #tpu.memory_space<hbm>> -> memref<128x20xi32, #tpu.memory_space<hbm>>
      %dma_wait3A_165 = arith.constant 0 : i32
      %dma_wait3A_166 = tpu.memref_slice %arg3[%mul3A_2, %dma_wait3A_165] : memref<4096x20xi32, #tpu.memory_space<hbm>> -> memref<128x20xi32, #tpu.memory_space<hbm>>
      tpu.wait_dma2 semaphore(%run_scoped3A : memref<!tpu.dma_semaphore, #tpu.memory_space<semaphore_mem>>) src(%dma_wait3A_166 : memref<128x20xi32, #tpu.memory_space<hbm>>) dst(%arg5 : memref<128x20xi32, #tpu.memory_space<vmem>>)
      tpu.yield
    }) : () -> ()
    %rem3A = arith.constant 0 : i32
    %rem3A_3 = arith.constant 8 : i32
    %rem3A_4 = arith.remsi %rem3A, %rem3A_3 : i32
    %rem3A_5 = arith.constant 0 : i32
    %rem3A_6 = arith.constant 8 : i32
    %rem3A_7 = arith.remsi %rem3A_5, %rem3A_6 : i32
    %dma_start3A = arith.constant 0 : i32
    %dma_start3A_8 = arith.constant 0 : i32
    %dma_start3A_9 = arith.constant 0 : i32
    %dma_start3A_10 = tpu.memref_slice %arg6[%rem3A_4, %dma_start3A_8, %dma_start3A_9] : memref<8x20x128xf32, #tpu.memory_space<vmem>> -> memref<1x20x128xf32, #tpu.memory_space<vmem>>
    %dma_start3A_11 = tpu.memref_squeeze %dma_start3A_10 : memref<1x20x128xf32, #tpu.memory_space<vmem>> -> memref<20x128xf32, #tpu.memory_space<vmem>>
    %dma_start3A_12 = arith.constant 0 : i32
    %dma_start3A_13 = tpu.memref_slice %arg5[%dma_start3A, %dma_start3A_12] : memref<128x20xi32, #tpu.memory_space<vmem>> -> memref<1x20xi32, #tpu.memory_space<vmem>>
    %dma_start3A_14 = tpu.memref_squeeze %dma_start3A_13 : memref<1x20xi32, #tpu.memory_space<vmem>> -> memref<20xi32, #tpu.memory_space<vmem>>
    %dma_start3A_15 = arith.constant 0 : i32
    %dma_start3A_16 = arith.constant 0 : i32
    %dma_start3A_17 = tpu.memref_slice %arg2[%dma_start3A_15, %dma_start3A_16] : memref<100000x128xf32, #tpu.memory_space<hbm>> -> memref<100000x128xf32, #tpu.memory_space<hbm>>
    %dma_start3A_18 = tpu.memref_slice %arg7[%rem3A_7] : memref<8x!tpu.dma_semaphore, #tpu.memory_space<semaphore_mem>> -> memref<1x!tpu.dma_semaphore, #tpu.memory_space<semaphore_mem>>
    %dma_start3A_19 = tpu.memref_squeeze %dma_start3A_18 : memref<1x!tpu.dma_semaphore, #tpu.memory_space<semaphore_mem>> -> memref<!tpu.dma_semaphore, #tpu.memory_space<semaphore_mem>>
    tpu.enqueue_indirect_dma source(%dma_start3A_17 : memref<100000x128xf32, #tpu.memory_space<hbm>>) target(%dma_start3A_11 : memref<20x128xf32, #tpu.memory_space<vmem>>) offsets(%dma_start3A_14 : memref<20xi32, #tpu.memory_space<vmem>>) semaphore(%dma_start3A_19 : memref<!tpu.dma_semaphore, #tpu.memory_space<semaphore_mem>>)
    %rem3A_20 = arith.constant 1 : i32
    %rem3A_21 = arith.constant 8 : i32
    %rem3A_22 = arith.remsi %rem3A_20, %rem3A_21 : i32
    %rem3A_23 = arith.constant 1 : i32
    %rem3A_24 = arith.constant 8 : i32
    %rem3A_25 = arith.remsi %rem3A_23, %rem3A_24 : i32
    %dma_start3A_26 = arith.constant 1 : i32
    %dma_start3A_27 = arith.constant 0 : i32
    %dma_start3A_28 = arith.constant 0 : i32
    %dma_start3A_29 = tpu.memref_slice %arg6[%rem3A_22, %dma_start3A_27, %dma_start3A_28] : memref<8x20x128xf32, #tpu.memory_space<vmem>> -> memref<1x20x128xf32, #tpu.memory_space<vmem>>
    %dma_start3A_30 = tpu.memref_squeeze %dma_start3A_29 : memref<1x20x128xf32, #tpu.memory_space<vmem>> -> memref<20x128xf32, #tpu.memory_space<vmem>>
    %dma_start3A_31 = arith.constant 0 : i32
    %dma_start3A_32 = tpu.memref_slice %arg5[%dma_start3A_26, %dma_start3A_31] : memref<128x20xi32, #tpu.memory_space<vmem>> -> memref<1x20xi32, #tpu.memory_space<vmem>>
    %dma_start3A_33 = tpu.memref_squeeze %dma_start3A_32 : memref<1x20xi32, #tpu.memory_space<vmem>> -> memref<20xi32, #tpu.memory_space<vmem>>
    %dma_start3A_34 = arith.constant 0 : i32
    %dma_start3A_35 = arith.constant 0 : i32
    %dma_start3A_36 = tpu.memref_slice %arg2[%dma_start3A_34, %dma_start3A_35] : memref<100000x128xf32, #tpu.memory_space<hbm>> -> memref<100000x128xf32, #tpu.memory_space<hbm>>
    %dma_start3A_37 = tpu.memref_slice %arg7[%rem3A_25] : memref<8x!tpu.dma_semaphore, #tpu.memory_space<semaphore_mem>> -> memref<1x!tpu.dma_semaphore, #tpu.memory_space<semaphore_mem>>
    %dma_start3A_38 = tpu.memref_squeeze %dma_start3A_37 : memref<1x!tpu.dma_semaphore, #tpu.memory_space<semaphore_mem>> -> memref<!tpu.dma_semaphore, #tpu.memory_space<semaphore_mem>>
    tpu.enqueue_indirect_dma source(%dma_start3A_36 : memref<100000x128xf32, #tpu.memory_space<hbm>>) target(%dma_start3A_30 : memref<20x128xf32, #tpu.memory_space<vmem>>) offsets(%dma_start3A_33 : memref<20xi32, #tpu.memory_space<vmem>>) semaphore(%dma_start3A_38 : memref<!tpu.dma_semaphore, #tpu.memory_space<semaphore_mem>>)
    %rem3A_39 = arith.constant 2 : i32
    %rem3A_40 = arith.constant 8 : i32
    %rem3A_41 = arith.remsi %rem3A_39, %rem3A_40 : i32
    %rem3A_42 = arith.constant 2 : i32
    %rem3A_43 = arith.constant 8 : i32
    %rem3A_44 = arith.remsi %rem3A_42, %rem3A_43 : i32
    %dma_start3A_45 = arith.constant 2 : i32
    %dma_start3A_46 = arith.constant 0 : i32
    %dma_start3A_47 = arith.constant 0 : i32
    %dma_start3A_48 = tpu.memref_slice %arg6[%rem3A_41, %dma_start3A_46, %dma_start3A_47] : memref<8x20x128xf32, #tpu.memory_space<vmem>> -> memref<1x20x128xf32, #tpu.memory_space<vmem>>
    %dma_start3A_49 = tpu.memref_squeeze %dma_start3A_48 : memref<1x20x128xf32, #tpu.memory_space<vmem>> -> memref<20x128xf32, #tpu.memory_space<vmem>>
    %dma_start3A_50 = arith.constant 0 : i32
    %dma_start3A_51 = tpu.memref_slice %arg5[%dma_start3A_45, %dma_start3A_50] : memref<128x20xi32, #tpu.memory_space<vmem>> -> memref<1x20xi32, #tpu.memory_space<vmem>>
    %dma_start3A_52 = tpu.memref_squeeze %dma_start3A_51 : memref<1x20xi32, #tpu.memory_space<vmem>> -> memref<20xi32, #tpu.memory_space<vmem>>
    %dma_start3A_53 = arith.constant 0 : i32
    %dma_start3A_54 = arith.constant 0 : i32
    %dma_start3A_55 = tpu.memref_slice %arg2[%dma_start3A_53, %dma_start3A_54] : memref<100000x128xf32, #tpu.memory_space<hbm>> -> memref<100000x128xf32, #tpu.memory_space<hbm>>
    %dma_start3A_56 = tpu.memref_slice %arg7[%rem3A_44] : memref<8x!tpu.dma_semaphore, #tpu.memory_space<semaphore_mem>> -> memref<1x!tpu.dma_semaphore, #tpu.memory_space<semaphore_mem>>
    %dma_start3A_57 = tpu.memref_squeeze %dma_start3A_56 : memref<1x!tpu.dma_semaphore, #tpu.memory_space<semaphore_mem>> -> memref<!tpu.dma_semaphore, #tpu.memory_space<semaphore_mem>>
    tpu.enqueue_indirect_dma source(%dma_start3A_55 : memref<100000x128xf32, #tpu.memory_space<hbm>>) target(%dma_start3A_49 : memref<20x128xf32, #tpu.memory_space<vmem>>) offsets(%dma_start3A_52 : memref<20xi32, #tpu.memory_space<vmem>>) semaphore(%dma_start3A_57 : memref<!tpu.dma_semaphore, #tpu.memory_space<semaphore_mem>>)
    %rem3A_58 = arith.constant 3 : i32
    %rem3A_59 = arith.constant 8 : i32
    %rem3A_60 = arith.remsi %rem3A_58, %rem3A_59 : i32
    %rem3A_61 = arith.constant 3 : i32
    %rem3A_62 = arith.constant 8 : i32
    %rem3A_63 = arith.remsi %rem3A_61, %rem3A_62 : i32
    %dma_start3A_64 = arith.constant 3 : i32
    %dma_start3A_65 = arith.constant 0 : i32
    %dma_start3A_66 = arith.constant 0 : i32
    %dma_start3A_67 = tpu.memref_slice %arg6[%rem3A_60, %dma_start3A_65, %dma_start3A_66] : memref<8x20x128xf32, #tpu.memory_space<vmem>> -> memref<1x20x128xf32, #tpu.memory_space<vmem>>
    %dma_start3A_68 = tpu.memref_squeeze %dma_start3A_67 : memref<1x20x128xf32, #tpu.memory_space<vmem>> -> memref<20x128xf32, #tpu.memory_space<vmem>>
    %dma_start3A_69 = arith.constant 0 : i32
    %dma_start3A_70 = tpu.memref_slice %arg5[%dma_start3A_64, %dma_start3A_69] : memref<128x20xi32, #tpu.memory_space<vmem>> -> memref<1x20xi32, #tpu.memory_space<vmem>>
    %dma_start3A_71 = tpu.memref_squeeze %dma_start3A_70 : memref<1x20xi32, #tpu.memory_space<vmem>> -> memref<20xi32, #tpu.memory_space<vmem>>
    %dma_start3A_72 = arith.constant 0 : i32
    %dma_start3A_73 = arith.constant 0 : i32
    %dma_start3A_74 = tpu.memref_slice %arg2[%dma_start3A_72, %dma_start3A_73] : memref<100000x128xf32, #tpu.memory_space<hbm>> -> memref<100000x128xf32, #tpu.memory_space<hbm>>
    %dma_start3A_75 = tpu.memref_slice %arg7[%rem3A_63] : memref<8x!tpu.dma_semaphore, #tpu.memory_space<semaphore_mem>> -> memref<1x!tpu.dma_semaphore, #tpu.memory_space<semaphore_mem>>
    %dma_start3A_76 = tpu.memref_squeeze %dma_start3A_75 : memref<1x!tpu.dma_semaphore, #tpu.memory_space<semaphore_mem>> -> memref<!tpu.dma_semaphore, #tpu.memory_space<semaphore_mem>>
    tpu.enqueue_indirect_dma source(%dma_start3A_74 : memref<100000x128xf32, #tpu.memory_space<hbm>>) target(%dma_start3A_68 : memref<20x128xf32, #tpu.memory_space<vmem>>) offsets(%dma_start3A_71 : memref<20xi32, #tpu.memory_space<vmem>>) semaphore(%dma_start3A_76 : memref<!tpu.dma_semaphore, #tpu.memory_space<semaphore_mem>>)
    %rem3A_77 = arith.constant 4 : i32
    %rem3A_78 = arith.constant 8 : i32
    %rem3A_79 = arith.remsi %rem3A_77, %rem3A_78 : i32
    %rem3A_80 = arith.constant 4 : i32
    %rem3A_81 = arith.constant 8 : i32
    %rem3A_82 = arith.remsi %rem3A_80, %rem3A_81 : i32
    %dma_start3A_83 = arith.constant 4 : i32
    %dma_start3A_84 = arith.constant 0 : i32
    %dma_start3A_85 = arith.constant 0 : i32
    %dma_start3A_86 = tpu.memref_slice %arg6[%rem3A_79, %dma_start3A_84, %dma_start3A_85] : memref<8x20x128xf32, #tpu.memory_space<vmem>> -> memref<1x20x128xf32, #tpu.memory_space<vmem>>
    %dma_start3A_87 = tpu.memref_squeeze %dma_start3A_86 : memref<1x20x128xf32, #tpu.memory_space<vmem>> -> memref<20x128xf32, #tpu.memory_space<vmem>>
    %dma_start3A_88 = arith.constant 0 : i32
    %dma_start3A_89 = tpu.memref_slice %arg5[%dma_start3A_83, %dma_start3A_88] : memref<128x20xi32, #tpu.memory_space<vmem>> -> memref<1x20xi32, #tpu.memory_space<vmem>>
    %dma_start3A_90 = tpu.memref_squeeze %dma_start3A_89 : memref<1x20xi32, #tpu.memory_space<vmem>> -> memref<20xi32, #tpu.memory_space<vmem>>
    %dma_start3A_91 = arith.constant 0 : i32
    %dma_start3A_92 = arith.constant 0 : i32
    %dma_start3A_93 = tpu.memref_slice %arg2[%dma_start3A_91, %dma_start3A_92] : memref<100000x128xf32, #tpu.memory_space<hbm>> -> memref<100000x128xf32, #tpu.memory_space<hbm>>
    %dma_start3A_94 = tpu.memref_slice %arg7[%rem3A_82] : memref<8x!tpu.dma_semaphore, #tpu.memory_space<semaphore_mem>> -> memref<1x!tpu.dma_semaphore, #tpu.memory_space<semaphore_mem>>
    %dma_start3A_95 = tpu.memref_squeeze %dma_start3A_94 : memref<1x!tpu.dma_semaphore, #tpu.memory_space<semaphore_mem>> -> memref<!tpu.dma_semaphore, #tpu.memory_space<semaphore_mem>>
    tpu.enqueue_indirect_dma source(%dma_start3A_93 : memref<100000x128xf32, #tpu.memory_space<hbm>>) target(%dma_start3A_87 : memref<20x128xf32, #tpu.memory_space<vmem>>) offsets(%dma_start3A_90 : memref<20xi32, #tpu.memory_space<vmem>>) semaphore(%dma_start3A_95 : memref<!tpu.dma_semaphore, #tpu.memory_space<semaphore_mem>>)
    %rem3A_96 = arith.constant 5 : i32
    %rem3A_97 = arith.constant 8 : i32
    %rem3A_98 = arith.remsi %rem3A_96, %rem3A_97 : i32
    %rem3A_99 = arith.constant 5 : i32
    %rem3A_100 = arith.constant 8 : i32
    %rem3A_101 = arith.remsi %rem3A_99, %rem3A_100 : i32
    %dma_start3A_102 = arith.constant 5 : i32
    %dma_start3A_103 = arith.constant 0 : i32
    %dma_start3A_104 = arith.constant 0 : i32
    %dma_start3A_105 = tpu.memref_slice %arg6[%rem3A_98, %dma_start3A_103, %dma_start3A_104] : memref<8x20x128xf32, #tpu.memory_space<vmem>> -> memref<1x20x128xf32, #tpu.memory_space<vmem>>
    %dma_start3A_106 = tpu.memref_squeeze %dma_start3A_105 : memref<1x20x128xf32, #tpu.memory_space<vmem>> -> memref<20x128xf32, #tpu.memory_space<vmem>>
    %dma_start3A_107 = arith.constant 0 : i32
    %dma_start3A_108 = tpu.memref_slice %arg5[%dma_start3A_102, %dma_start3A_107] : memref<128x20xi32, #tpu.memory_space<vmem>> -> memref<1x20xi32, #tpu.memory_space<vmem>>
    %dma_start3A_109 = tpu.memref_squeeze %dma_start3A_108 : memref<1x20xi32, #tpu.memory_space<vmem>> -> memref<20xi32, #tpu.memory_space<vmem>>
    %dma_start3A_110 = arith.constant 0 : i32
    %dma_start3A_111 = arith.constant 0 : i32
    %dma_start3A_112 = tpu.memref_slice %arg2[%dma_start3A_110, %dma_start3A_111] : memref<100000x128xf32, #tpu.memory_space<hbm>> -> memref<100000x128xf32, #tpu.memory_space<hbm>>
    %dma_start3A_113 = tpu.memref_slice %arg7[%rem3A_101] : memref<8x!tpu.dma_semaphore, #tpu.memory_space<semaphore_mem>> -> memref<1x!tpu.dma_semaphore, #tpu.memory_space<semaphore_mem>>
    %dma_start3A_114 = tpu.memref_squeeze %dma_start3A_113 : memref<1x!tpu.dma_semaphore, #tpu.memory_space<semaphore_mem>> -> memref<!tpu.dma_semaphore, #tpu.memory_space<semaphore_mem>>
    tpu.enqueue_indirect_dma source(%dma_start3A_112 : memref<100000x128xf32, #tpu.memory_space<hbm>>) target(%dma_start3A_106 : memref<20x128xf32, #tpu.memory_space<vmem>>) offsets(%dma_start3A_109 : memref<20xi32, #tpu.memory_space<vmem>>) semaphore(%dma_start3A_114 : memref<!tpu.dma_semaphore, #tpu.memory_space<semaphore_mem>>)
    %rem3A_115 = arith.constant 6 : i32
    %rem3A_116 = arith.constant 8 : i32
    %rem3A_117 = arith.remsi %rem3A_115, %rem3A_116 : i32
    %rem3A_118 = arith.constant 6 : i32
    %rem3A_119 = arith.constant 8 : i32
    %rem3A_120 = arith.remsi %rem3A_118, %rem3A_119 : i32
    %dma_start3A_121 = arith.constant 6 : i32
    %dma_start3A_122 = arith.constant 0 : i32
    %dma_start3A_123 = arith.constant 0 : i32
    %dma_start3A_124 = tpu.memref_slice %arg6[%rem3A_117, %dma_start3A_122, %dma_start3A_123] : memref<8x20x128xf32, #tpu.memory_space<vmem>> -> memref<1x20x128xf32, #tpu.memory_space<vmem>>
    %dma_start3A_125 = tpu.memref_squeeze %dma_start3A_124 : memref<1x20x128xf32, #tpu.memory_space<vmem>> -> memref<20x128xf32, #tpu.memory_space<vmem>>
    %dma_start3A_126 = arith.constant 0 : i32
    %dma_start3A_127 = tpu.memref_slice %arg5[%dma_start3A_121, %dma_start3A_126] : memref<128x20xi32, #tpu.memory_space<vmem>> -> memref<1x20xi32, #tpu.memory_space<vmem>>
    %dma_start3A_128 = tpu.memref_squeeze %dma_start3A_127 : memref<1x20xi32, #tpu.memory_space<vmem>> -> memref<20xi32, #tpu.memory_space<vmem>>
    %dma_start3A_129 = arith.constant 0 : i32
    %dma_start3A_130 = arith.constant 0 : i32
    %dma_start3A_131 = tpu.memref_slice %arg2[%dma_start3A_129, %dma_start3A_130] : memref<100000x128xf32, #tpu.memory_space<hbm>> -> memref<100000x128xf32, #tpu.memory_space<hbm>>
    %dma_start3A_132 = tpu.memref_slice %arg7[%rem3A_120] : memref<8x!tpu.dma_semaphore, #tpu.memory_space<semaphore_mem>> -> memref<1x!tpu.dma_semaphore, #tpu.memory_space<semaphore_mem>>
    %dma_start3A_133 = tpu.memref_squeeze %dma_start3A_132 : memref<1x!tpu.dma_semaphore, #tpu.memory_space<semaphore_mem>> -> memref<!tpu.dma_semaphore, #tpu.memory_space<semaphore_mem>>
    tpu.enqueue_indirect_dma source(%dma_start3A_131 : memref<100000x128xf32, #tpu.memory_space<hbm>>) target(%dma_start3A_125 : memref<20x128xf32, #tpu.memory_space<vmem>>) offsets(%dma_start3A_128 : memref<20xi32, #tpu.memory_space<vmem>>) semaphore(%dma_start3A_133 : memref<!tpu.dma_semaphore, #tpu.memory_space<semaphore_mem>>)
    %scan3A = arith.constant 0 : i32
    %scan3A_134 = arith.constant 0 : i32
    %scan3A_135 = arith.constant 128 : i32
    %scan3A_136 = arith.addi %scan3A_134, %scan3A_135 : i32
    %scan3A_137 = arith.constant 1 : i32
    scf.for %scan3A_159 = %scan3A_134 to %scan3A_136 step %scan3A_137  : i32 {
      %rem3A_160 = arith.constant 8 : i32
      %rem3A_161 = arith.remsi %scan3A_159, %rem3A_160 : i32
      %dma_wait3A_162 = arith.constant 0 : i32
      %dma_wait3A_163 = arith.constant 0 : i32
      %dma_wait3A_164 = arith.constant 0 : i32
      %dma_wait3A_165 = tpu.memref_slice %arg6[%rem3A_161, %dma_wait3A_163, %dma_wait3A_164] : memref<8x20x128xf32, #tpu.memory_space<vmem>> -> memref<1x20x128xf32, #tpu.memory_space<vmem>>
      %dma_wait3A_166 = tpu.memref_squeeze %dma_wait3A_165 : memref<1x20x128xf32, #tpu.memory_space<vmem>> -> memref<20x128xf32, #tpu.memory_space<vmem>>
      %dma_wait3A_167 = arith.constant 0 : i32
      %dma_wait3A_168 = arith.constant 0 : i32
      %dma_wait3A_169 = tpu.memref_slice %arg4[%dma_wait3A_162, %dma_wait3A_167, %dma_wait3A_168] : memref<4096x20x128xf32, #tpu.memory_space<hbm>> -> memref<1x20x128xf32, #tpu.memory_space<hbm>>
      %dma_wait3A_170 = tpu.memref_squeeze %dma_wait3A_169 : memref<1x20x128xf32, #tpu.memory_space<hbm>> -> memref<20x128xf32, #tpu.memory_space<hbm>>
      %dma_wait3A_171 = tpu.memref_slice %arg7[%rem3A_161] : memref<8x!tpu.dma_semaphore, #tpu.memory_space<semaphore_mem>> -> memref<1x!tpu.dma_semaphore, #tpu.memory_space<semaphore_mem>>
      %dma_wait3A_172 = tpu.memref_squeeze %dma_wait3A_171 : memref<1x!tpu.dma_semaphore, #tpu.memory_space<semaphore_mem>> -> memref<!tpu.dma_semaphore, #tpu.memory_space<semaphore_mem>>
      %dma_wait3A_173 = arith.constant 0 : i32
      %dma_wait3A_174 = arith.constant 0 : i32
      %dma_wait3A_175 = tpu.memref_slice %arg6[%rem3A_161, %dma_wait3A_173, %dma_wait3A_174] : memref<8x20x128xf32, #tpu.memory_space<vmem>> -> memref<1x20x128xf32, #tpu.memory_space<vmem>>
      %dma_wait3A_176 = tpu.memref_squeeze %dma_wait3A_175 : memref<1x20x128xf32, #tpu.memory_space<vmem>> -> memref<20x128xf32, #tpu.memory_space<vmem>>
      %dma_wait3A_177 = arith.constant 0 : i32
      %dma_wait3A_178 = arith.constant 0 : i32
      %dma_wait3A_179 = tpu.memref_slice %arg4[%dma_wait3A_162, %dma_wait3A_177, %dma_wait3A_178] : memref<4096x20x128xf32, #tpu.memory_space<hbm>> -> memref<1x20x128xf32, #tpu.memory_space<hbm>>
      %dma_wait3A_180 = tpu.memref_squeeze %dma_wait3A_179 : memref<1x20x128xf32, #tpu.memory_space<hbm>> -> memref<20x128xf32, #tpu.memory_space<hbm>>
      tpu.wait_dma2 semaphore(%dma_wait3A_172 : memref<!tpu.dma_semaphore, #tpu.memory_space<semaphore_mem>>) src(%dma_wait3A_180 : memref<20x128xf32, #tpu.memory_space<hbm>>) dst(%dma_wait3A_176 : memref<20x128xf32, #tpu.memory_space<vmem>>)
      %add3A_181 = arith.addi %mul3A_2, %scan3A_159 : i32
      %dma_start3A_182 = arith.constant 0 : i32
      %dma_start3A_183 = arith.constant 0 : i32
      %dma_start3A_184 = tpu.memref_slice %arg6[%rem3A_161, %dma_start3A_182, %dma_start3A_183] : memref<8x20x128xf32, #tpu.memory_space<vmem>> -> memref<1x20x128xf32, #tpu.memory_space<vmem>>
      %dma_start3A_185 = tpu.memref_squeeze %dma_start3A_184 : memref<1x20x128xf32, #tpu.memory_space<vmem>> -> memref<20x128xf32, #tpu.memory_space<vmem>>
      %dma_start3A_186 = arith.constant 0 : i32
      %dma_start3A_187 = arith.constant 0 : i32
      %dma_start3A_188 = tpu.memref_slice %arg4[%add3A_181, %dma_start3A_186, %dma_start3A_187] : memref<4096x20x128xf32, #tpu.memory_space<hbm>> -> memref<1x20x128xf32, #tpu.memory_space<hbm>>
      %dma_start3A_189 = tpu.memref_squeeze %dma_start3A_188 : memref<1x20x128xf32, #tpu.memory_space<hbm>> -> memref<20x128xf32, #tpu.memory_space<hbm>>
      %dma_start3A_190 = tpu.memref_slice %arg8[%rem3A_161] : memref<8x!tpu.dma_semaphore, #tpu.memory_space<semaphore_mem>> -> memref<1x!tpu.dma_semaphore, #tpu.memory_space<semaphore_mem>>
      %dma_start3A_191 = tpu.memref_squeeze %dma_start3A_190 : memref<1x!tpu.dma_semaphore, #tpu.memory_space<semaphore_mem>> -> memref<!tpu.dma_semaphore, #tpu.memory_space<semaphore_mem>>
      %dma_start3A_192 = arith.constant 0 : i32
      %dma_start3A_193 = arith.constant 0 : i32
      %dma_start3A_194 = tpu.memref_slice %arg4[%add3A_181, %dma_start3A_192, %dma_start3A_193] : memref<4096x20x128xf32, #tpu.memory_space<hbm>> -> memref<1x20x128xf32, #tpu.memory_space<hbm>>
      %dma_start3A_195 = tpu.memref_squeeze %dma_start3A_194 : memref<1x20x128xf32, #tpu.memory_space<hbm>> -> memref<20x128xf32, #tpu.memory_space<hbm>>
      %dma_start3A_196 = arith.constant 0 : i32
      %dma_start3A_197 = arith.constant 0 : i32
      %dma_start3A_198 = tpu.memref_slice %arg6[%rem3A_161, %dma_start3A_196, %dma_start3A_197] : memref<8x20x128xf32, #tpu.memory_space<vmem>> -> memref<1x20x128xf32, #tpu.memory_space<vmem>>
      %dma_start3A_199 = tpu.memref_squeeze %dma_start3A_198 : memref<1x20x128xf32, #tpu.memory_space<vmem>> -> memref<20x128xf32, #tpu.memory_space<vmem>>
      tpu.enqueue_dma source(%dma_start3A_199 : memref<20x128xf32, #tpu.memory_space<vmem>>) target(%dma_start3A_195 : memref<20x128xf32, #tpu.memory_space<hbm>>) target_semaphore(%dma_start3A_191 : memref<!tpu.dma_semaphore, #tpu.memory_space<semaphore_mem>>)
      %ge3A = arith.constant 1 : i32
      %ge3A_200 = arith.cmpi sge, %scan3A_159, %ge3A : i32
      %convert_element_type3A = arith.extui %ge3A_200 : i1 to i32
      %cond3A = arith.constant 0 : i32
      %cond3A_201 = arith.cmpi ne, %convert_element_type3A, %cond3A : i32
      scf.if %cond3A_201 {
        %add3A_208 = arith.constant 7 : i32
        %add3A_209 = arith.addi %scan3A_159, %add3A_208 : i32
        %rem3A_210 = arith.constant 8 : i32
        %rem3A_211 = arith.remsi %add3A_209, %rem3A_210 : i32
        %dma_wait3A_212 = arith.constant 0 : i32
        %dma_wait3A_213 = arith.constant 0 : i32
        %dma_wait3A_214 = arith.constant 0 : i32
        %dma_wait3A_215 = tpu.memref_slice %arg6[%rem3A_211, %dma_wait3A_213, %dma_wait3A_214] : memref<8x20x128xf32, #tpu.memory_space<vmem>> -> memref<1x20x128xf32, #tpu.memory_space<vmem>>
        %dma_wait3A_216 = tpu.memref_squeeze %dma_wait3A_215 : memref<1x20x128xf32, #tpu.memory_space<vmem>> -> memref<20x128xf32, #tpu.memory_space<vmem>>
        %dma_wait3A_217 = arith.constant 0 : i32
        %dma_wait3A_218 = arith.constant 0 : i32
        %dma_wait3A_219 = tpu.memref_slice %arg4[%dma_wait3A_212, %dma_wait3A_217, %dma_wait3A_218] : memref<4096x20x128xf32, #tpu.memory_space<hbm>> -> memref<1x20x128xf32, #tpu.memory_space<hbm>>
        %dma_wait3A_220 = tpu.memref_squeeze %dma_wait3A_219 : memref<1x20x128xf32, #tpu.memory_space<hbm>> -> memref<20x128xf32, #tpu.memory_space<hbm>>
        %dma_wait3A_221 = tpu.memref_slice %arg8[%rem3A_211] : memref<8x!tpu.dma_semaphore, #tpu.memory_space<semaphore_mem>> -> memref<1x!tpu.dma_semaphore, #tpu.memory_space<semaphore_mem>>
        %dma_wait3A_222 = tpu.memref_squeeze %dma_wait3A_221 : memref<1x!tpu.dma_semaphore, #tpu.memory_space<semaphore_mem>> -> memref<!tpu.dma_semaphore, #tpu.memory_space<semaphore_mem>>
        %dma_wait3A_223 = arith.constant 0 : i32
        %dma_wait3A_224 = arith.constant 0 : i32
        %dma_wait3A_225 = tpu.memref_slice %arg4[%dma_wait3A_212, %dma_wait3A_223, %dma_wait3A_224] : memref<4096x20x128xf32, #tpu.memory_space<hbm>> -> memref<1x20x128xf32, #tpu.memory_space<hbm>>
        %dma_wait3A_226 = tpu.memref_squeeze %dma_wait3A_225 : memref<1x20x128xf32, #tpu.memory_space<hbm>> -> memref<20x128xf32, #tpu.memory_space<hbm>>
        %dma_wait3A_227 = arith.constant 0 : i32
        %dma_wait3A_228 = arith.constant 0 : i32
        %dma_wait3A_229 = tpu.memref_slice %arg6[%rem3A_211, %dma_wait3A_227, %dma_wait3A_228] : memref<8x20x128xf32, #tpu.memory_space<vmem>> -> memref<1x20x128xf32, #tpu.memory_space<vmem>>
        %dma_wait3A_230 = tpu.memref_squeeze %dma_wait3A_229 : memref<1x20x128xf32, #tpu.memory_space<vmem>> -> memref<20x128xf32, #tpu.memory_space<vmem>>
        tpu.wait_dma2 semaphore(%dma_wait3A_222 : memref<!tpu.dma_semaphore, #tpu.memory_space<semaphore_mem>>) src(%dma_wait3A_230 : memref<20x128xf32, #tpu.memory_space<vmem>>) dst(%dma_wait3A_226 : memref<20x128xf32, #tpu.memory_space<hbm>>)
      } else {
      }
      %add3A_202 = arith.constant 7 : i32
      %add3A_203 = arith.addi %scan3A_159, %add3A_202 : i32
      %lt3A = arith.constant 128 : i32
      %lt3A_204 = arith.cmpi slt, %add3A_203, %lt3A : i32
      %convert_element_type3A_205 = arith.extui %lt3A_204 : i1 to i32
      %cond3A_206 = arith.constant 0 : i32
      %cond3A_207 = arith.cmpi ne, %convert_element_type3A_205, %cond3A_206 : i32
      scf.if %cond3A_207 {
        %add3A_208 = arith.constant 7 : i32
        %add3A_209 = arith.addi %scan3A_159, %add3A_208 : i32
        %rem3A_210 = arith.constant 8 : i32
        %rem3A_211 = arith.remsi %add3A_209, %rem3A_210 : i32
        %rem3A_212 = arith.constant 8 : i32
        %rem3A_213 = arith.remsi %add3A_209, %rem3A_212 : i32
        %dma_start3A_214 = arith.constant 0 : i32
        %dma_start3A_215 = arith.constant 0 : i32
        %dma_start3A_216 = tpu.memref_slice %arg6[%rem3A_211, %dma_start3A_214, %dma_start3A_215] : memref<8x20x128xf32, #tpu.memory_space<vmem>> -> memref<1x20x128xf32, #tpu.memory_space<vmem>>
        %dma_start3A_217 = tpu.memref_squeeze %dma_start3A_216 : memref<1x20x128xf32, #tpu.memory_space<vmem>> -> memref<20x128xf32, #tpu.memory_space<vmem>>
        %dma_start3A_218 = arith.constant 0 : i32
        %dma_start3A_219 = tpu.memref_slice %arg5[%add3A_209, %dma_start3A_218] : memref<128x20xi32, #tpu.memory_space<vmem>> -> memref<1x20xi32, #tpu.memory_space<vmem>>
        %dma_start3A_220 = tpu.memref_squeeze %dma_start3A_219 : memref<1x20xi32, #tpu.memory_space<vmem>> -> memref<20xi32, #tpu.memory_space<vmem>>
        %dma_start3A_221 = arith.constant 0 : i32
        %dma_start3A_222 = arith.constant 0 : i32
        %dma_start3A_223 = tpu.memref_slice %arg2[%dma_start3A_221, %dma_start3A_222] : memref<100000x128xf32, #tpu.memory_space<hbm>> -> memref<100000x128xf32, #tpu.memory_space<hbm>>
        %dma_start3A_224 = tpu.memref_slice %arg7[%rem3A_213] : memref<8x!tpu.dma_semaphore, #tpu.memory_space<semaphore_mem>> -> memref<1x!tpu.dma_semaphore, #tpu.memory_space<semaphore_mem>>
        %dma_start3A_225 = tpu.memref_squeeze %dma_start3A_224 : memref<1x!tpu.dma_semaphore, #tpu.memory_space<semaphore_mem>> -> memref<!tpu.dma_semaphore, #tpu.memory_space<semaphore_mem>>
        tpu.enqueue_indirect_dma source(%dma_start3A_223 : memref<100000x128xf32, #tpu.memory_space<hbm>>) target(%dma_start3A_217 : memref<20x128xf32, #tpu.memory_space<vmem>>) offsets(%dma_start3A_220 : memref<20xi32, #tpu.memory_space<vmem>>) semaphore(%dma_start3A_225 : memref<!tpu.dma_semaphore, #tpu.memory_space<semaphore_mem>>)
      } else {
      }
    }
    %scan3A_138 = arith.constant 128 : i32
    %dma_wait3A = arith.constant 7 : i32
    %dma_wait3A_139 = arith.constant 0 : i32
    %dma_wait3A_140 = arith.constant 7 : i32
    %dma_wait3A_141 = arith.constant 0 : i32
    %dma_wait3A_142 = arith.constant 0 : i32
    %dma_wait3A_143 = tpu.memref_slice %arg6[%dma_wait3A, %dma_wait3A_141, %dma_wait3A_142] : memref<8x20x128xf32, #tpu.memory_space<vmem>> -> memref<1x20x128xf32, #tpu.memory_space<vmem>>
    %dma_wait3A_144 = tpu.memref_squeeze %dma_wait3A_143 : memref<1x20x128xf32, #tpu.memory_space<vmem>> -> memref<20x128xf32, #tpu.memory_space<vmem>>
    %dma_wait3A_145 = arith.constant 0 : i32
    %dma_wait3A_146 = arith.constant 0 : i32
    %dma_wait3A_147 = tpu.memref_slice %arg4[%dma_wait3A_139, %dma_wait3A_145, %dma_wait3A_146] : memref<4096x20x128xf32, #tpu.memory_space<hbm>> -> memref<1x20x128xf32, #tpu.memory_space<hbm>>
    %dma_wait3A_148 = tpu.memref_squeeze %dma_wait3A_147 : memref<1x20x128xf32, #tpu.memory_space<hbm>> -> memref<20x128xf32, #tpu.memory_space<hbm>>
    %dma_wait3A_149 = tpu.memref_slice %arg8[%dma_wait3A_140] : memref<8x!tpu.dma_semaphore, #tpu.memory_space<semaphore_mem>> -> memref<1x!tpu.dma_semaphore, #tpu.memory_space<semaphore_mem>>
    %dma_wait3A_150 = tpu.memref_squeeze %dma_wait3A_149 : memref<1x!tpu.dma_semaphore, #tpu.memory_space<semaphore_mem>> -> memref<!tpu.dma_semaphore, #tpu.memory_space<semaphore_mem>>
    %dma_wait3A_151 = arith.constant 0 : i32
    %dma_wait3A_152 = arith.constant 0 : i32
    %dma_wait3A_153 = tpu.memref_slice %arg4[%dma_wait3A_139, %dma_wait3A_151, %dma_wait3A_152] : memref<4096x20x128xf32, #tpu.memory_space<hbm>> -> memref<1x20x128xf32, #tpu.memory_space<hbm>>
    %dma_wait3A_154 = tpu.memref_squeeze %dma_wait3A_153 : memref<1x20x128xf32, #tpu.memory_space<hbm>> -> memref<20x128xf32, #tpu.memory_space<hbm>>
    %dma_wait3A_155 = arith.constant 0 : i32
    %dma_wait3A_156 = arith.constant 0 : i32
    %dma_wait3A_157 = tpu.memref_slice %arg6[%dma_wait3A, %dma_wait3A_155, %dma_wait3A_156] : memref<8x20x128xf32, #tpu.memory_space<vmem>> -> memref<1x20x128xf32, #tpu.memory_space<vmem>>
    %dma_wait3A_158 = tpu.memref_squeeze %dma_wait3A_157 : memref<1x20x128xf32, #tpu.memory_space<vmem>> -> memref<20x128xf32, #tpu.memory_space<vmem>>
    tpu.wait_dma2 semaphore(%dma_wait3A_150 : memref<!tpu.dma_semaphore, #tpu.memory_space<semaphore_mem>>) src(%dma_wait3A_158 : memref<20x128xf32, #tpu.memory_space<vmem>>) dst(%dma_wait3A_154 : memref<20x128xf32, #tpu.memory_space<hbm>>)
    return
  }
}

#map = affine_map<(d0, d1) -> (0, 0)>
#map1 = affine_map<(d0, d1) -> (0, 0, 0)>
module attributes {stable_mosaic.version = 14 : i64} {
  func.func @k(%arg0: i32, %arg1: i32, %arg2: memref<100000x128xf32, #tpu.memory_space<hbm>>, %arg3: memref<4096x200xi32, #tpu.memory_space<hbm>>, %arg4: memref<4096x200x128xf32, #tpu.memory_space<hbm>>, %arg5: memref<2x8x200xi32, #tpu.memory_space<vmem>>, %arg6: memref<4x128x128xf32, #tpu.memory_space<vmem>>, %arg7: memref<4x72x128xf32, #tpu.memory_space<vmem>>, %arg8: memref<8x!tpu.dma_semaphore, #tpu.memory_space<semaphore_mem>>, %arg9: memref<8x!tpu.dma_semaphore, #tpu.memory_space<semaphore_mem>>, %arg10: memref<!tpu.dma_semaphore, #tpu.memory_space<semaphore_mem>>) attributes {dimension_semantics = [#tpu.dimension_semantics<core_parallel>, #tpu.dimension_semantics<subcore_parallel>], iteration_bounds = array<i64: 2, 16>, scalar_prefetch = 0 : i64, scratch_operands = 6 : i64, tpu.core_type = #tpu.core_type<sc_vector_subcore>, window_params = [{transform_indices = #map}, {transform_indices = #map}, {transform_indices = #map1}]} {
    %mul3A = arith.constant 2 : i32
    %mul3A_0 = arith.muli %arg1, %mul3A : i32
    %add3A = arith.addi %mul3A_0, %arg0 : i32
    %mul3A_1 = arith.constant 128 : i32
    %mul3A_2 = arith.muli %add3A, %mul3A_1 : i32
    %add3A_3 = arith.constant 0 : i32
    %add3A_4 = arith.addi %mul3A_2, %add3A_3 : i32
    %dma_start3A = arith.constant 0 : i32
    %dma_start3A_5 = arith.constant 0 : i32
    %dma_start3A_6 = arith.constant 0 : i32
    %dma_start3A_7 = tpu.memref_slice %arg5[%dma_start3A, %dma_start3A_5, %dma_start3A_6] : memref<2x8x200xi32, #tpu.memory_space<vmem>> -> memref<1x8x200xi32, #tpu.memory_space<vmem>>
    %dma_start3A_8 = tpu.memref_squeeze %dma_start3A_7 : memref<1x8x200xi32, #tpu.memory_space<vmem>> -> memref<8x200xi32, #tpu.memory_space<vmem>>
    %dma_start3A_9 = arith.constant 0 : i32
    %dma_start3A_10 = tpu.memref_slice %arg3[%add3A_4, %dma_start3A_9] : memref<4096x200xi32, #tpu.memory_space<hbm>> -> memref<8x200xi32, #tpu.memory_space<hbm>>
    %dma_start3A_11 = arith.constant 0 : i32
    %dma_start3A_12 = arith.constant 0 : i32
    %dma_start3A_13 = tpu.memref_slice %arg5[%dma_start3A, %dma_start3A_11, %dma_start3A_12] : memref<2x8x200xi32, #tpu.memory_space<vmem>> -> memref<1x8x200xi32, #tpu.memory_space<vmem>>
    %dma_start3A_14 = tpu.memref_squeeze %dma_start3A_13 : memref<1x8x200xi32, #tpu.memory_space<vmem>> -> memref<8x200xi32, #tpu.memory_space<vmem>>
    %dma_start3A_15 = arith.constant 0 : i32
    %dma_start3A_16 = tpu.memref_slice %arg3[%add3A_4, %dma_start3A_15] : memref<4096x200xi32, #tpu.memory_space<hbm>> -> memref<8x200xi32, #tpu.memory_space<hbm>>
    tpu.enqueue_dma source(%dma_start3A_16 : memref<8x200xi32, #tpu.memory_space<hbm>>) target(%dma_start3A_14 : memref<8x200xi32, #tpu.memory_space<vmem>>) target_semaphore(%arg10 : memref<!tpu.dma_semaphore, #tpu.memory_space<semaphore_mem>>)
    %dma_wait3A = arith.constant 0 : i32
    %dma_wait3A_17 = arith.constant 0 : i32
    %dma_wait3A_18 = arith.constant 0 : i32
    %dma_wait3A_19 = tpu.memref_slice %arg5[%dma_wait3A, %dma_wait3A_17, %dma_wait3A_18] : memref<2x8x200xi32, #tpu.memory_space<vmem>> -> memref<1x8x200xi32, #tpu.memory_space<vmem>>
    %dma_wait3A_20 = tpu.memref_squeeze %dma_wait3A_19 : memref<1x8x200xi32, #tpu.memory_space<vmem>> -> memref<8x200xi32, #tpu.memory_space<vmem>>
    %dma_wait3A_21 = arith.constant 0 : i32
    %dma_wait3A_22 = tpu.memref_slice %arg3[%mul3A_2, %dma_wait3A_21] : memref<4096x200xi32, #tpu.memory_space<hbm>> -> memref<8x200xi32, #tpu.memory_space<hbm>>
    %dma_wait3A_23 = arith.constant 0 : i32
    %dma_wait3A_24 = arith.constant 0 : i32
    %dma_wait3A_25 = tpu.memref_slice %arg5[%dma_wait3A, %dma_wait3A_23, %dma_wait3A_24] : memref<2x8x200xi32, #tpu.memory_space<vmem>> -> memref<1x8x200xi32, #tpu.memory_space<vmem>>
    %dma_wait3A_26 = tpu.memref_squeeze %dma_wait3A_25 : memref<1x8x200xi32, #tpu.memory_space<vmem>> -> memref<8x200xi32, #tpu.memory_space<vmem>>
    %dma_wait3A_27 = arith.constant 0 : i32
    %dma_wait3A_28 = tpu.memref_slice %arg3[%mul3A_2, %dma_wait3A_27] : memref<4096x200xi32, #tpu.memory_space<hbm>> -> memref<8x200xi32, #tpu.memory_space<hbm>>
    tpu.wait_dma2 semaphore(%arg10 : memref<!tpu.dma_semaphore, #tpu.memory_space<semaphore_mem>>) src(%dma_wait3A_28 : memref<8x200xi32, #tpu.memory_space<hbm>>) dst(%dma_wait3A_26 : memref<8x200xi32, #tpu.memory_space<vmem>>)
    %div3A = arith.constant 0 : i32
    %div3A_29 = arith.constant 2 : i32
    %div3A_30 = arith.divsi %div3A, %div3A_29 : i32
    %rem3A = arith.constant 2 : i32
    %rem3A_31 = arith.remsi %div3A_30, %rem3A : i32
    %rem3A_32 = arith.constant 0 : i32
    %rem3A_33 = arith.constant 2 : i32
    %rem3A_34 = arith.remsi %rem3A_32, %rem3A_33 : i32
    %mul3A_35 = arith.constant 4 : i32
    %mul3A_36 = arith.muli %rem3A_34, %mul3A_35 : i32
    %add3A_37 = arith.constant 0 : i32
    %add3A_38 = arith.addi %mul3A_36, %add3A_37 : i32
    %dma_start3A_39 = arith.constant 0 : i32
    %dma_start3A_40 = arith.constant 0 : i32
    %dma_start3A_41 = arith.constant 0 : i32
    %dma_start3A_42 = arith.constant 0 : i32
    %dma_start3A_43 = tpu.memref_slice %arg6[%dma_start3A_39, %dma_start3A_41, %dma_start3A_42] : memref<4x128x128xf32, #tpu.memory_space<vmem>> -> memref<1x128x128xf32, #tpu.memory_space<vmem>>
    %dma_start3A_44 = tpu.memref_squeeze %dma_start3A_43 : memref<1x128x128xf32, #tpu.memory_space<vmem>> -> memref<128x128xf32, #tpu.memory_space<vmem>>
    %dma_start3A_45 = arith.constant 0 : i32
    %dma_start3A_46 = tpu.memref_slice %arg5[%rem3A_31, %add3A_38, %dma_start3A_45] : memref<2x8x200xi32, #tpu.memory_space<vmem>> -> memref<1x1x128xi32, #tpu.memory_space<vmem>>
    %dma_start3A_47 = tpu.memref_squeeze %dma_start3A_46 : memref<1x1x128xi32, #tpu.memory_space<vmem>> -> memref<128xi32, #tpu.memory_space<vmem>>
    %dma_start3A_48 = arith.constant 0 : i32
    %dma_start3A_49 = arith.constant 0 : i32
    %dma_start3A_50 = tpu.memref_slice %arg2[%dma_start3A_48, %dma_start3A_49] : memref<100000x128xf32, #tpu.memory_space<hbm>> -> memref<100000x128xf32, #tpu.memory_space<hbm>>
    %dma_start3A_51 = tpu.memref_slice %arg8[%dma_start3A_40] : memref<8x!tpu.dma_semaphore, #tpu.memory_space<semaphore_mem>> -> memref<1x!tpu.dma_semaphore, #tpu.memory_space<semaphore_mem>>
    %dma_start3A_52 = tpu.memref_squeeze %dma_start3A_51 : memref<1x!tpu.dma_semaphore, #tpu.memory_space<semaphore_mem>> -> memref<!tpu.dma_semaphore, #tpu.memory_space<semaphore_mem>>
    tpu.enqueue_indirect_dma source(%dma_start3A_50 : memref<100000x128xf32, #tpu.memory_space<hbm>>) target(%dma_start3A_44 : memref<128x128xf32, #tpu.memory_space<vmem>>) offsets(%dma_start3A_47 : memref<128xi32, #tpu.memory_space<vmem>>) semaphore(%dma_start3A_52 : memref<!tpu.dma_semaphore, #tpu.memory_space<semaphore_mem>>)
    %div3A_53 = arith.constant 0 : i32
    %div3A_54 = arith.constant 2 : i32
    %div3A_55 = arith.divsi %div3A_53, %div3A_54 : i32
    %rem3A_56 = arith.constant 2 : i32
    %rem3A_57 = arith.remsi %div3A_55, %rem3A_56 : i32
    %rem3A_58 = arith.constant 0 : i32
    %rem3A_59 = arith.constant 2 : i32
    %rem3A_60 = arith.remsi %rem3A_58, %rem3A_59 : i32
    %mul3A_61 = arith.constant 4 : i32
    %mul3A_62 = arith.muli %rem3A_60, %mul3A_61 : i32
    %add3A_63 = arith.constant 0 : i32
    %add3A_64 = arith.addi %mul3A_62, %add3A_63 : i32
    %dma_start3A_65 = arith.constant 0 : i32
    %dma_start3A_66 = arith.constant 4 : i32
    %dma_start3A_67 = arith.constant 0 : i32
    %dma_start3A_68 = arith.constant 0 : i32
    %dma_start3A_69 = tpu.memref_slice %arg7[%dma_start3A_65, %dma_start3A_67, %dma_start3A_68] : memref<4x72x128xf32, #tpu.memory_space<vmem>> -> memref<1x72x128xf32, #tpu.memory_space<vmem>>
    %dma_start3A_70 = tpu.memref_squeeze %dma_start3A_69 : memref<1x72x128xf32, #tpu.memory_space<vmem>> -> memref<72x128xf32, #tpu.memory_space<vmem>>
    %dma_start3A_71 = arith.constant 128 : i32
    %dma_start3A_72 = tpu.memref_slice %arg5[%rem3A_57, %add3A_64, %dma_start3A_71] : memref<2x8x200xi32, #tpu.memory_space<vmem>> -> memref<1x1x72xi32, #tpu.memory_space<vmem>>
    %dma_start3A_73 = tpu.memref_squeeze %dma_start3A_72 : memref<1x1x72xi32, #tpu.memory_space<vmem>> -> memref<72xi32, #tpu.memory_space<vmem>>
    %dma_start3A_74 = arith.constant 0 : i32
    %dma_start3A_75 = arith.constant 0 : i32
    %dma_start3A_76 = tpu.memref_slice %arg2[%dma_start3A_74, %dma_start3A_75] : memref<100000x128xf32, #tpu.memory_space<hbm>> -> memref<100000x128xf32, #tpu.memory_space<hbm>>
    %dma_start3A_77 = tpu.memref_slice %arg8[%dma_start3A_66] : memref<8x!tpu.dma_semaphore, #tpu.memory_space<semaphore_mem>> -> memref<1x!tpu.dma_semaphore, #tpu.memory_space<semaphore_mem>>
    %dma_start3A_78 = tpu.memref_squeeze %dma_start3A_77 : memref<1x!tpu.dma_semaphore, #tpu.memory_space<semaphore_mem>> -> memref<!tpu.dma_semaphore, #tpu.memory_space<semaphore_mem>>
    tpu.enqueue_indirect_dma source(%dma_start3A_76 : memref<100000x128xf32, #tpu.memory_space<hbm>>) target(%dma_start3A_70 : memref<72x128xf32, #tpu.memory_space<vmem>>) offsets(%dma_start3A_73 : memref<72xi32, #tpu.memory_space<vmem>>) semaphore(%dma_start3A_78 : memref<!tpu.dma_semaphore, #tpu.memory_space<semaphore_mem>>)
    %div3A_79 = arith.constant 0 : i32
    %div3A_80 = arith.constant 2 : i32
    %div3A_81 = arith.divsi %div3A_79, %div3A_80 : i32
    %rem3A_82 = arith.constant 2 : i32
    %rem3A_83 = arith.remsi %div3A_81, %rem3A_82 : i32
    %rem3A_84 = arith.constant 0 : i32
    %rem3A_85 = arith.constant 2 : i32
    %rem3A_86 = arith.remsi %rem3A_84, %rem3A_85 : i32
    %mul3A_87 = arith.constant 4 : i32
    %mul3A_88 = arith.muli %rem3A_86, %mul3A_87 : i32
    %add3A_89 = arith.constant 1 : i32
    %add3A_90 = arith.addi %mul3A_88, %add3A_89 : i32
    %dma_start3A_91 = arith.constant 1 : i32
    %dma_start3A_92 = arith.constant 1 : i32
    %dma_start3A_93 = arith.constant 0 : i32
    %dma_start3A_94 = arith.constant 0 : i32
    %dma_start3A_95 = tpu.memref_slice %arg6[%dma_start3A_91, %dma_start3A_93, %dma_start3A_94] : memref<4x128x128xf32, #tpu.memory_space<vmem>> -> memref<1x128x128xf32, #tpu.memory_space<vmem>>
    %dma_start3A_96 = tpu.memref_squeeze %dma_start3A_95 : memref<1x128x128xf32, #tpu.memory_space<vmem>> -> memref<128x128xf32, #tpu.memory_space<vmem>>
    %dma_start3A_97 = arith.constant 0 : i32
    %dma_start3A_98 = tpu.memref_slice %arg5[%rem3A_83, %add3A_90, %dma_start3A_97] : memref<2x8x200xi32, #tpu.memory_space<vmem>> -> memref<1x1x128xi32, #tpu.memory_space<vmem>>
    %dma_start3A_99 = tpu.memref_squeeze %dma_start3A_98 : memref<1x1x128xi32, #tpu.memory_space<vmem>> -> memref<128xi32, #tpu.memory_space<vmem>>
    %dma_start3A_100 = arith.constant 0 : i32
    %dma_start3A_101 = arith.constant 0 : i32
    %dma_start3A_102 = tpu.memref_slice %arg2[%dma_start3A_100, %dma_start3A_101] : memref<100000x128xf32, #tpu.memory_space<hbm>> -> memref<100000x128xf32, #tpu.memory_space<hbm>>
    %dma_start3A_103 = tpu.memref_slice %arg8[%dma_start3A_92] : memref<8x!tpu.dma_semaphore, #tpu.memory_space<semaphore_mem>> -> memref<1x!tpu.dma_semaphore, #tpu.memory_space<semaphore_mem>>
    %dma_start3A_104 = tpu.memref_squeeze %dma_start3A_103 : memref<1x!tpu.dma_semaphore, #tpu.memory_space<semaphore_mem>> -> memref<!tpu.dma_semaphore, #tpu.memory_space<semaphore_mem>>
    tpu.enqueue_indirect_dma source(%dma_start3A_102 : memref<100000x128xf32, #tpu.memory_space<hbm>>) target(%dma_start3A_96 : memref<128x128xf32, #tpu.memory_space<vmem>>) offsets(%dma_start3A_99 : memref<128xi32, #tpu.memory_space<vmem>>) semaphore(%dma_start3A_104 : memref<!tpu.dma_semaphore, #tpu.memory_space<semaphore_mem>>)
    %div3A_105 = arith.constant 0 : i32
    %div3A_106 = arith.constant 2 : i32
    %div3A_107 = arith.divsi %div3A_105, %div3A_106 : i32
    %rem3A_108 = arith.constant 2 : i32
    %rem3A_109 = arith.remsi %div3A_107, %rem3A_108 : i32
    %rem3A_110 = arith.constant 0 : i32
    %rem3A_111 = arith.constant 2 : i32
    %rem3A_112 = arith.remsi %rem3A_110, %rem3A_111 : i32
    %mul3A_113 = arith.constant 4 : i32
    %mul3A_114 = arith.muli %rem3A_112, %mul3A_113 : i32
    %add3A_115 = arith.constant 1 : i32
    %add3A_116 = arith.addi %mul3A_114, %add3A_115 : i32
    %dma_start3A_117 = arith.constant 1 : i32
    %dma_start3A_118 = arith.constant 5 : i32
    %dma_start3A_119 = arith.constant 0 : i32
    %dma_start3A_120 = arith.constant 0 : i32
    %dma_start3A_121 = tpu.memref_slice %arg7[%dma_start3A_117, %dma_start3A_119, %dma_start3A_120] : memref<4x72x128xf32, #tpu.memory_space<vmem>> -> memref<1x72x128xf32, #tpu.memory_space<vmem>>
    %dma_start3A_122 = tpu.memref_squeeze %dma_start3A_121 : memref<1x72x128xf32, #tpu.memory_space<vmem>> -> memref<72x128xf32, #tpu.memory_space<vmem>>
    %dma_start3A_123 = arith.constant 128 : i32
    %dma_start3A_124 = tpu.memref_slice %arg5[%rem3A_109, %add3A_116, %dma_start3A_123] : memref<2x8x200xi32, #tpu.memory_space<vmem>> -> memref<1x1x72xi32, #tpu.memory_space<vmem>>
    %dma_start3A_125 = tpu.memref_squeeze %dma_start3A_124 : memref<1x1x72xi32, #tpu.memory_space<vmem>> -> memref<72xi32, #tpu.memory_space<vmem>>
    %dma_start3A_126 = arith.constant 0 : i32
    %dma_start3A_127 = arith.constant 0 : i32
    %dma_start3A_128 = tpu.memref_slice %arg2[%dma_start3A_126, %dma_start3A_127] : memref<100000x128xf32, #tpu.memory_space<hbm>> -> memref<100000x128xf32, #tpu.memory_space<hbm>>
    %dma_start3A_129 = tpu.memref_slice %arg8[%dma_start3A_118] : memref<8x!tpu.dma_semaphore, #tpu.memory_space<semaphore_mem>> -> memref<1x!tpu.dma_semaphore, #tpu.memory_space<semaphore_mem>>
    %dma_start3A_130 = tpu.memref_squeeze %dma_start3A_129 : memref<1x!tpu.dma_semaphore, #tpu.memory_space<semaphore_mem>> -> memref<!tpu.dma_semaphore, #tpu.memory_space<semaphore_mem>>
    tpu.enqueue_indirect_dma source(%dma_start3A_128 : memref<100000x128xf32, #tpu.memory_space<hbm>>) target(%dma_start3A_122 : memref<72x128xf32, #tpu.memory_space<vmem>>) offsets(%dma_start3A_125 : memref<72xi32, #tpu.memory_space<vmem>>) semaphore(%dma_start3A_130 : memref<!tpu.dma_semaphore, #tpu.memory_space<semaphore_mem>>)
    %div3A_131 = arith.constant 0 : i32
    %div3A_132 = arith.constant 2 : i32
    %div3A_133 = arith.divsi %div3A_131, %div3A_132 : i32
    %rem3A_134 = arith.constant 2 : i32
    %rem3A_135 = arith.remsi %div3A_133, %rem3A_134 : i32
    %rem3A_136 = arith.constant 0 : i32
    %rem3A_137 = arith.constant 2 : i32
    %rem3A_138 = arith.remsi %rem3A_136, %rem3A_137 : i32
    %mul3A_139 = arith.constant 4 : i32
    %mul3A_140 = arith.muli %rem3A_138, %mul3A_139 : i32
    %add3A_141 = arith.constant 2 : i32
    %add3A_142 = arith.addi %mul3A_140, %add3A_141 : i32
    %dma_start3A_143 = arith.constant 2 : i32
    %dma_start3A_144 = arith.constant 2 : i32
    %dma_start3A_145 = arith.constant 0 : i32
    %dma_start3A_146 = arith.constant 0 : i32
    %dma_start3A_147 = tpu.memref_slice %arg6[%dma_start3A_143, %dma_start3A_145, %dma_start3A_146] : memref<4x128x128xf32, #tpu.memory_space<vmem>> -> memref<1x128x128xf32, #tpu.memory_space<vmem>>
    %dma_start3A_148 = tpu.memref_squeeze %dma_start3A_147 : memref<1x128x128xf32, #tpu.memory_space<vmem>> -> memref<128x128xf32, #tpu.memory_space<vmem>>
    %dma_start3A_149 = arith.constant 0 : i32
    %dma_start3A_150 = tpu.memref_slice %arg5[%rem3A_135, %add3A_142, %dma_start3A_149] : memref<2x8x200xi32, #tpu.memory_space<vmem>> -> memref<1x1x128xi32, #tpu.memory_space<vmem>>
    %dma_start3A_151 = tpu.memref_squeeze %dma_start3A_150 : memref<1x1x128xi32, #tpu.memory_space<vmem>> -> memref<128xi32, #tpu.memory_space<vmem>>
    %dma_start3A_152 = arith.constant 0 : i32
    %dma_start3A_153 = arith.constant 0 : i32
    %dma_start3A_154 = tpu.memref_slice %arg2[%dma_start3A_152, %dma_start3A_153] : memref<100000x128xf32, #tpu.memory_space<hbm>> -> memref<100000x128xf32, #tpu.memory_space<hbm>>
    %dma_start3A_155 = tpu.memref_slice %arg8[%dma_start3A_144] : memref<8x!tpu.dma_semaphore, #tpu.memory_space<semaphore_mem>> -> memref<1x!tpu.dma_semaphore, #tpu.memory_space<semaphore_mem>>
    %dma_start3A_156 = tpu.memref_squeeze %dma_start3A_155 : memref<1x!tpu.dma_semaphore, #tpu.memory_space<semaphore_mem>> -> memref<!tpu.dma_semaphore, #tpu.memory_space<semaphore_mem>>
    tpu.enqueue_indirect_dma source(%dma_start3A_154 : memref<100000x128xf32, #tpu.memory_space<hbm>>) target(%dma_start3A_148 : memref<128x128xf32, #tpu.memory_space<vmem>>) offsets(%dma_start3A_151 : memref<128xi32, #tpu.memory_space<vmem>>) semaphore(%dma_start3A_156 : memref<!tpu.dma_semaphore, #tpu.memory_space<semaphore_mem>>)
    %div3A_157 = arith.constant 0 : i32
    %div3A_158 = arith.constant 2 : i32
    %div3A_159 = arith.divsi %div3A_157, %div3A_158 : i32
    %rem3A_160 = arith.constant 2 : i32
    %rem3A_161 = arith.remsi %div3A_159, %rem3A_160 : i32
    %rem3A_162 = arith.constant 0 : i32
    %rem3A_163 = arith.constant 2 : i32
    %rem3A_164 = arith.remsi %rem3A_162, %rem3A_163 : i32
    %mul3A_165 = arith.constant 4 : i32
    %mul3A_166 = arith.muli %rem3A_164, %mul3A_165 : i32
    %add3A_167 = arith.constant 2 : i32
    %add3A_168 = arith.addi %mul3A_166, %add3A_167 : i32
    %dma_start3A_169 = arith.constant 2 : i32
    %dma_start3A_170 = arith.constant 6 : i32
    %dma_start3A_171 = arith.constant 0 : i32
    %dma_start3A_172 = arith.constant 0 : i32
    %dma_start3A_173 = tpu.memref_slice %arg7[%dma_start3A_169, %dma_start3A_171, %dma_start3A_172] : memref<4x72x128xf32, #tpu.memory_space<vmem>> -> memref<1x72x128xf32, #tpu.memory_space<vmem>>
    %dma_start3A_174 = tpu.memref_squeeze %dma_start3A_173 : memref<1x72x128xf32, #tpu.memory_space<vmem>> -> memref<72x128xf32, #tpu.memory_space<vmem>>
    %dma_start3A_175 = arith.constant 128 : i32
    %dma_start3A_176 = tpu.memref_slice %arg5[%rem3A_161, %add3A_168, %dma_start3A_175] : memref<2x8x200xi32, #tpu.memory_space<vmem>> -> memref<1x1x72xi32, #tpu.memory_space<vmem>>
    %dma_start3A_177 = tpu.memref_squeeze %dma_start3A_176 : memref<1x1x72xi32, #tpu.memory_space<vmem>> -> memref<72xi32, #tpu.memory_space<vmem>>
    %dma_start3A_178 = arith.constant 0 : i32
    %dma_start3A_179 = arith.constant 0 : i32
    %dma_start3A_180 = tpu.memref_slice %arg2[%dma_start3A_178, %dma_start3A_179] : memref<100000x128xf32, #tpu.memory_space<hbm>> -> memref<100000x128xf32, #tpu.memory_space<hbm>>
    %dma_start3A_181 = tpu.memref_slice %arg8[%dma_start3A_170] : memref<8x!tpu.dma_semaphore, #tpu.memory_space<semaphore_mem>> -> memref<1x!tpu.dma_semaphore, #tpu.memory_space<semaphore_mem>>
    %dma_start3A_182 = tpu.memref_squeeze %dma_start3A_181 : memref<1x!tpu.dma_semaphore, #tpu.memory_space<semaphore_mem>> -> memref<!tpu.dma_semaphore, #tpu.memory_space<semaphore_mem>>
    tpu.enqueue_indirect_dma source(%dma_start3A_180 : memref<100000x128xf32, #tpu.memory_space<hbm>>) target(%dma_start3A_174 : memref<72x128xf32, #tpu.memory_space<vmem>>) offsets(%dma_start3A_177 : memref<72xi32, #tpu.memory_space<vmem>>) semaphore(%dma_start3A_182 : memref<!tpu.dma_semaphore, #tpu.memory_space<semaphore_mem>>)
    %div3A_183 = arith.constant 0 : i32
    %div3A_184 = arith.constant 2 : i32
    %div3A_185 = arith.divsi %div3A_183, %div3A_184 : i32
    %rem3A_186 = arith.constant 2 : i32
    %rem3A_187 = arith.remsi %div3A_185, %rem3A_186 : i32
    %rem3A_188 = arith.constant 0 : i32
    %rem3A_189 = arith.constant 2 : i32
    %rem3A_190 = arith.remsi %rem3A_188, %rem3A_189 : i32
    %mul3A_191 = arith.constant 4 : i32
    %mul3A_192 = arith.muli %rem3A_190, %mul3A_191 : i32
    %add3A_193 = arith.constant 3 : i32
    %add3A_194 = arith.addi %mul3A_192, %add3A_193 : i32
    %dma_start3A_195 = arith.constant 3 : i32
    %dma_start3A_196 = arith.constant 3 : i32
    %dma_start3A_197 = arith.constant 0 : i32
    %dma_start3A_198 = arith.constant 0 : i32
    %dma_start3A_199 = tpu.memref_slice %arg6[%dma_start3A_195, %dma_start3A_197, %dma_start3A_198] : memref<4x128x128xf32, #tpu.memory_space<vmem>> -> memref<1x128x128xf32, #tpu.memory_space<vmem>>
    %dma_start3A_200 = tpu.memref_squeeze %dma_start3A_199 : memref<1x128x128xf32, #tpu.memory_space<vmem>> -> memref<128x128xf32, #tpu.memory_space<vmem>>
    %dma_start3A_201 = arith.constant 0 : i32
    %dma_start3A_202 = tpu.memref_slice %arg5[%rem3A_187, %add3A_194, %dma_start3A_201] : memref<2x8x200xi32, #tpu.memory_space<vmem>> -> memref<1x1x128xi32, #tpu.memory_space<vmem>>
    %dma_start3A_203 = tpu.memref_squeeze %dma_start3A_202 : memref<1x1x128xi32, #tpu.memory_space<vmem>> -> memref<128xi32, #tpu.memory_space<vmem>>
    %dma_start3A_204 = arith.constant 0 : i32
    %dma_start3A_205 = arith.constant 0 : i32
    %dma_start3A_206 = tpu.memref_slice %arg2[%dma_start3A_204, %dma_start3A_205] : memref<100000x128xf32, #tpu.memory_space<hbm>> -> memref<100000x128xf32, #tpu.memory_space<hbm>>
    %dma_start3A_207 = tpu.memref_slice %arg8[%dma_start3A_196] : memref<8x!tpu.dma_semaphore, #tpu.memory_space<semaphore_mem>> -> memref<1x!tpu.dma_semaphore, #tpu.memory_space<semaphore_mem>>
    %dma_start3A_208 = tpu.memref_squeeze %dma_start3A_207 : memref<1x!tpu.dma_semaphore, #tpu.memory_space<semaphore_mem>> -> memref<!tpu.dma_semaphore, #tpu.memory_space<semaphore_mem>>
    tpu.enqueue_indirect_dma source(%dma_start3A_206 : memref<100000x128xf32, #tpu.memory_space<hbm>>) target(%dma_start3A_200 : memref<128x128xf32, #tpu.memory_space<vmem>>) offsets(%dma_start3A_203 : memref<128xi32, #tpu.memory_space<vmem>>) semaphore(%dma_start3A_208 : memref<!tpu.dma_semaphore, #tpu.memory_space<semaphore_mem>>)
    %div3A_209 = arith.constant 0 : i32
    %div3A_210 = arith.constant 2 : i32
    %div3A_211 = arith.divsi %div3A_209, %div3A_210 : i32
    %rem3A_212 = arith.constant 2 : i32
    %rem3A_213 = arith.remsi %div3A_211, %rem3A_212 : i32
    %rem3A_214 = arith.constant 0 : i32
    %rem3A_215 = arith.constant 2 : i32
    %rem3A_216 = arith.remsi %rem3A_214, %rem3A_215 : i32
    %mul3A_217 = arith.constant 4 : i32
    %mul3A_218 = arith.muli %rem3A_216, %mul3A_217 : i32
    %add3A_219 = arith.constant 3 : i32
    %add3A_220 = arith.addi %mul3A_218, %add3A_219 : i32
    %dma_start3A_221 = arith.constant 3 : i32
    %dma_start3A_222 = arith.constant 7 : i32
    %dma_start3A_223 = arith.constant 0 : i32
    %dma_start3A_224 = arith.constant 0 : i32
    %dma_start3A_225 = tpu.memref_slice %arg7[%dma_start3A_221, %dma_start3A_223, %dma_start3A_224] : memref<4x72x128xf32, #tpu.memory_space<vmem>> -> memref<1x72x128xf32, #tpu.memory_space<vmem>>
    %dma_start3A_226 = tpu.memref_squeeze %dma_start3A_225 : memref<1x72x128xf32, #tpu.memory_space<vmem>> -> memref<72x128xf32, #tpu.memory_space<vmem>>
    %dma_start3A_227 = arith.constant 128 : i32
    %dma_start3A_228 = tpu.memref_slice %arg5[%rem3A_213, %add3A_220, %dma_start3A_227] : memref<2x8x200xi32, #tpu.memory_space<vmem>> -> memref<1x1x72xi32, #tpu.memory_space<vmem>>
    %dma_start3A_229 = tpu.memref_squeeze %dma_start3A_228 : memref<1x1x72xi32, #tpu.memory_space<vmem>> -> memref<72xi32, #tpu.memory_space<vmem>>
    %dma_start3A_230 = arith.constant 0 : i32
    %dma_start3A_231 = arith.constant 0 : i32
    %dma_start3A_232 = tpu.memref_slice %arg2[%dma_start3A_230, %dma_start3A_231] : memref<100000x128xf32, #tpu.memory_space<hbm>> -> memref<100000x128xf32, #tpu.memory_space<hbm>>
    %dma_start3A_233 = tpu.memref_slice %arg8[%dma_start3A_222] : memref<8x!tpu.dma_semaphore, #tpu.memory_space<semaphore_mem>> -> memref<1x!tpu.dma_semaphore, #tpu.memory_space<semaphore_mem>>
    %dma_start3A_234 = tpu.memref_squeeze %dma_start3A_233 : memref<1x!tpu.dma_semaphore, #tpu.memory_space<semaphore_mem>> -> memref<!tpu.dma_semaphore, #tpu.memory_space<semaphore_mem>>
    tpu.enqueue_indirect_dma source(%dma_start3A_232 : memref<100000x128xf32, #tpu.memory_space<hbm>>) target(%dma_start3A_226 : memref<72x128xf32, #tpu.memory_space<vmem>>) offsets(%dma_start3A_229 : memref<72xi32, #tpu.memory_space<vmem>>) semaphore(%dma_start3A_234 : memref<!tpu.dma_semaphore, #tpu.memory_space<semaphore_mem>>)
    %add3A_235 = arith.constant 8 : i32
    %add3A_236 = arith.addi %mul3A_2, %add3A_235 : i32
    %dma_start3A_237 = arith.constant 1 : i32
    %dma_start3A_238 = arith.constant 0 : i32
    %dma_start3A_239 = arith.constant 0 : i32
    %dma_start3A_240 = tpu.memref_slice %arg5[%dma_start3A_237, %dma_start3A_238, %dma_start3A_239] : memref<2x8x200xi32, #tpu.memory_space<vmem>> -> memref<1x8x200xi32, #tpu.memory_space<vmem>>
    %dma_start3A_241 = tpu.memref_squeeze %dma_start3A_240 : memref<1x8x200xi32, #tpu.memory_space<vmem>> -> memref<8x200xi32, #tpu.memory_space<vmem>>
    %dma_start3A_242 = arith.constant 0 : i32
    %dma_start3A_243 = tpu.memref_slice %arg3[%add3A_236, %dma_start3A_242] : memref<4096x200xi32, #tpu.memory_space<hbm>> -> memref<8x200xi32, #tpu.memory_space<hbm>>
    %dma_start3A_244 = arith.constant 0 : i32
    %dma_start3A_245 = arith.constant 0 : i32
    %dma_start3A_246 = tpu.memref_slice %arg5[%dma_start3A_237, %dma_start3A_244, %dma_start3A_245] : memref<2x8x200xi32, #tpu.memory_space<vmem>> -> memref<1x8x200xi32, #tpu.memory_space<vmem>>
    %dma_start3A_247 = tpu.memref_squeeze %dma_start3A_246 : memref<1x8x200xi32, #tpu.memory_space<vmem>> -> memref<8x200xi32, #tpu.memory_space<vmem>>
    %dma_start3A_248 = arith.constant 0 : i32
    %dma_start3A_249 = tpu.memref_slice %arg3[%add3A_236, %dma_start3A_248] : memref<4096x200xi32, #tpu.memory_space<hbm>> -> memref<8x200xi32, #tpu.memory_space<hbm>>
    tpu.enqueue_dma source(%dma_start3A_249 : memref<8x200xi32, #tpu.memory_space<hbm>>) target(%dma_start3A_247 : memref<8x200xi32, #tpu.memory_space<vmem>>) target_semaphore(%arg10 : memref<!tpu.dma_semaphore, #tpu.memory_space<semaphore_mem>>)
    %scan3A = arith.constant 0 : i32
    %scan3A_250 = arith.constant 0 : i32
    %scan3A_251 = arith.constant 32 : i32
    %scan3A_252 = arith.addi %scan3A_250, %scan3A_251 : i32
    %scan3A_253 = arith.constant 1 : i32
    scf.for %scan3A_255 = %scan3A_250 to %scan3A_252 step %scan3A_253  : i32 {
      %dma_wait3A_256 = arith.constant 0 : i32
      %dma_wait3A_257 = arith.constant 0 : i32
      %dma_wait3A_258 = arith.constant 0 : i32
      %dma_wait3A_259 = arith.constant 0 : i32
      %dma_wait3A_260 = tpu.memref_slice %arg6[%dma_wait3A_256, %dma_wait3A_258, %dma_wait3A_259] : memref<4x128x128xf32, #tpu.memory_space<vmem>> -> memref<1x128x128xf32, #tpu.memory_space<vmem>>
      %dma_wait3A_261 = tpu.memref_squeeze %dma_wait3A_260 : memref<1x128x128xf32, #tpu.memory_space<vmem>> -> memref<128x128xf32, #tpu.memory_space<vmem>>
      %dma_wait3A_262 = arith.constant 0 : i32
      %dma_wait3A_263 = arith.constant 0 : i32
      %dma_wait3A_264 = tpu.memref_slice %arg2[%dma_wait3A_262, %dma_wait3A_263] : memref<100000x128xf32, #tpu.memory_space<hbm>> -> memref<128x128xf32, #tpu.memory_space<hbm>>
      %dma_wait3A_265 = tpu.memref_slice %arg8[%dma_wait3A_257] : memref<8x!tpu.dma_semaphore, #tpu.memory_space<semaphore_mem>> -> memref<1x!tpu.dma_semaphore, #tpu.memory_space<semaphore_mem>>
      %dma_wait3A_266 = tpu.memref_squeeze %dma_wait3A_265 : memref<1x!tpu.dma_semaphore, #tpu.memory_space<semaphore_mem>> -> memref<!tpu.dma_semaphore, #tpu.memory_space<semaphore_mem>>
      %dma_wait3A_267 = arith.constant 0 : i32
      %dma_wait3A_268 = arith.constant 0 : i32
      %dma_wait3A_269 = tpu.memref_slice %arg6[%dma_wait3A_256, %dma_wait3A_267, %dma_wait3A_268] : memref<4x128x128xf32, #tpu.memory_space<vmem>> -> memref<1x128x128xf32, #tpu.memory_space<vmem>>
      %dma_wait3A_270 = tpu.memref_squeeze %dma_wait3A_269 : memref<1x128x128xf32, #tpu.memory_space<vmem>> -> memref<128x128xf32, #tpu.memory_space<vmem>>
      %dma_wait3A_271 = arith.constant 0 : i32
      %dma_wait3A_272 = arith.constant 0 : i32
      %dma_wait3A_273 = tpu.memref_slice %arg2[%dma_wait3A_271, %dma_wait3A_272] : memref<100000x128xf32, #tpu.memory_space<hbm>> -> memref<128x128xf32, #tpu.memory_space<hbm>>
      tpu.wait_dma2 semaphore(%dma_wait3A_266 : memref<!tpu.dma_semaphore, #tpu.memory_space<semaphore_mem>>) src(%dma_wait3A_273 : memref<128x128xf32, #tpu.memory_space<hbm>>) dst(%dma_wait3A_270 : memref<128x128xf32, #tpu.memory_space<vmem>>)
      %mul3A_274 = arith.constant 4 : i32
      %mul3A_275 = arith.muli %scan3A_255, %mul3A_274 : i32
      %add3A_276 = arith.addi %mul3A_2, %mul3A_275 : i32
      %add3A_277 = arith.constant 0 : i32
      %add3A_278 = arith.addi %add3A_276, %add3A_277 : i32
      %dma_start3A_279 = arith.constant 0 : i32
      %dma_start3A_280 = arith.constant 0 : i32
      %dma_start3A_281 = arith.constant 0 : i32
      %dma_start3A_282 = arith.constant 0 : i32
      %dma_start3A_283 = tpu.memref_slice %arg6[%dma_start3A_279, %dma_start3A_281, %dma_start3A_282] : memref<4x128x128xf32, #tpu.memory_space<vmem>> -> memref<1x128x128xf32, #tpu.memory_space<vmem>>
      %dma_start3A_284 = tpu.memref_squeeze %dma_start3A_283 : memref<1x128x128xf32, #tpu.memory_space<vmem>> -> memref<128x128xf32, #tpu.memory_space<vmem>>
      %dma_start3A_285 = arith.constant 0 : i32
      %dma_start3A_286 = arith.constant 0 : i32
      %dma_start3A_287 = tpu.memref_slice %arg4[%add3A_278, %dma_start3A_285, %dma_start3A_286] : memref<4096x200x128xf32, #tpu.memory_space<hbm>> -> memref<1x128x128xf32, #tpu.memory_space<hbm>>
      %dma_start3A_288 = tpu.memref_squeeze %dma_start3A_287 : memref<1x128x128xf32, #tpu.memory_space<hbm>> -> memref<128x128xf32, #tpu.memory_space<hbm>>
      %dma_start3A_289 = tpu.memref_slice %arg9[%dma_start3A_280] : memref<8x!tpu.dma_semaphore, #tpu.memory_space<semaphore_mem>> -> memref<1x!tpu.dma_semaphore, #tpu.memory_space<semaphore_mem>>
      %dma_start3A_290 = tpu.memref_squeeze %dma_start3A_289 : memref<1x!tpu.dma_semaphore, #tpu.memory_space<semaphore_mem>> -> memref<!tpu.dma_semaphore, #tpu.memory_space<semaphore_mem>>
      %dma_start3A_291 = arith.constant 0 : i32
      %dma_start3A_292 = arith.constant 0 : i32
      %dma_start3A_293 = tpu.memref_slice %arg4[%add3A_278, %dma_start3A_291, %dma_start3A_292] : memref<4096x200x128xf32, #tpu.memory_space<hbm>> -> memref<1x128x128xf32, #tpu.memory_space<hbm>>
      %dma_start3A_294 = tpu.memref_squeeze %dma_start3A_293 : memref<1x128x128xf32, #tpu.memory_space<hbm>> -> memref<128x128xf32, #tpu.memory_space<hbm>>
      %dma_start3A_295 = arith.constant 0 : i32
      %dma_start3A_296 = arith.constant 0 : i32
      %dma_start3A_297 = tpu.memref_slice %arg6[%dma_start3A_279, %dma_start3A_295, %dma_start3A_296] : memref<4x128x128xf32, #tpu.memory_space<vmem>> -> memref<1x128x128xf32, #tpu.memory_space<vmem>>
      %dma_start3A_298 = tpu.memref_squeeze %dma_start3A_297 : memref<1x128x128xf32, #tpu.memory_space<vmem>> -> memref<128x128xf32, #tpu.memory_space<vmem>>
      tpu.enqueue_dma source(%dma_start3A_298 : memref<128x128xf32, #tpu.memory_space<vmem>>) target(%dma_start3A_294 : memref<128x128xf32, #tpu.memory_space<hbm>>) target_semaphore(%dma_start3A_290 : memref<!tpu.dma_semaphore, #tpu.memory_space<semaphore_mem>>)
      %dma_wait3A_299 = arith.constant 0 : i32
      %dma_wait3A_300 = arith.constant 4 : i32
      %dma_wait3A_301 = arith.constant 0 : i32
      %dma_wait3A_302 = arith.constant 0 : i32
      %dma_wait3A_303 = tpu.memref_slice %arg7[%dma_wait3A_299, %dma_wait3A_301, %dma_wait3A_302] : memref<4x72x128xf32, #tpu.memory_space<vmem>> -> memref<1x72x128xf32, #tpu.memory_space<vmem>>
      %dma_wait3A_304 = tpu.memref_squeeze %dma_wait3A_303 : memref<1x72x128xf32, #tpu.memory_space<vmem>> -> memref<72x128xf32, #tpu.memory_space<vmem>>
      %dma_wait3A_305 = arith.constant 0 : i32
      %dma_wait3A_306 = arith.constant 0 : i32
      %dma_wait3A_307 = tpu.memref_slice %arg2[%dma_wait3A_305, %dma_wait3A_306] : memref<100000x128xf32, #tpu.memory_space<hbm>> -> memref<72x128xf32, #tpu.memory_space<hbm>>
      %dma_wait3A_308 = tpu.memref_slice %arg8[%dma_wait3A_300] : memref<8x!tpu.dma_semaphore, #tpu.memory_space<semaphore_mem>> -> memref<1x!tpu.dma_semaphore, #tpu.memory_space<semaphore_mem>>
      %dma_wait3A_309 = tpu.memref_squeeze %dma_wait3A_308 : memref<1x!tpu.dma_semaphore, #tpu.memory_space<semaphore_mem>> -> memref<!tpu.dma_semaphore, #tpu.memory_space<semaphore_mem>>
      %dma_wait3A_310 = arith.constant 0 : i32
      %dma_wait3A_311 = arith.constant 0 : i32
      %dma_wait3A_312 = tpu.memref_slice %arg7[%dma_wait3A_299, %dma_wait3A_310, %dma_wait3A_311] : memref<4x72x128xf32, #tpu.memory_space<vmem>> -> memref<1x72x128xf32, #tpu.memory_space<vmem>>
      %dma_wait3A_313 = tpu.memref_squeeze %dma_wait3A_312 : memref<1x72x128xf32, #tpu.memory_space<vmem>> -> memref<72x128xf32, #tpu.memory_space<vmem>>
      %dma_wait3A_314 = arith.constant 0 : i32
      %dma_wait3A_315 = arith.constant 0 : i32
      %dma_wait3A_316 = tpu.memref_slice %arg2[%dma_wait3A_314, %dma_wait3A_315] : memref<100000x128xf32, #tpu.memory_space<hbm>> -> memref<72x128xf32, #tpu.memory_space<hbm>>
      tpu.wait_dma2 semaphore(%dma_wait3A_309 : memref<!tpu.dma_semaphore, #tpu.memory_space<semaphore_mem>>) src(%dma_wait3A_316 : memref<72x128xf32, #tpu.memory_space<hbm>>) dst(%dma_wait3A_313 : memref<72x128xf32, #tpu.memory_space<vmem>>)
      %mul3A_317 = arith.constant 4 : i32
      %mul3A_318 = arith.muli %scan3A_255, %mul3A_317 : i32
      %add3A_319 = arith.addi %mul3A_2, %mul3A_318 : i32
      %add3A_320 = arith.constant 0 : i32
      %add3A_321 = arith.addi %add3A_319, %add3A_320 : i32
      %dma_start3A_322 = arith.constant 0 : i32
      %dma_start3A_323 = arith.constant 4 : i32
      %dma_start3A_324 = arith.constant 0 : i32
      %dma_start3A_325 = arith.constant 0 : i32
      %dma_start3A_326 = tpu.memref_slice %arg7[%dma_start3A_322, %dma_start3A_324, %dma_start3A_325] : memref<4x72x128xf32, #tpu.memory_space<vmem>> -> memref<1x72x128xf32, #tpu.memory_space<vmem>>
      %dma_start3A_327 = tpu.memref_squeeze %dma_start3A_326 : memref<1x72x128xf32, #tpu.memory_space<vmem>> -> memref<72x128xf32, #tpu.memory_space<vmem>>
      %dma_start3A_328 = arith.constant 128 : i32
      %dma_start3A_329 = arith.constant 0 : i32
      %dma_start3A_330 = tpu.memref_slice %arg4[%add3A_321, %dma_start3A_328, %dma_start3A_329] : memref<4096x200x128xf32, #tpu.memory_space<hbm>> -> memref<1x72x128xf32, #tpu.memory_space<hbm>>
      %dma_start3A_331 = tpu.memref_squeeze %dma_start3A_330 : memref<1x72x128xf32, #tpu.memory_space<hbm>> -> memref<72x128xf32, #tpu.memory_space<hbm>>
      %dma_start3A_332 = tpu.memref_slice %arg9[%dma_start3A_323] : memref<8x!tpu.dma_semaphore, #tpu.memory_space<semaphore_mem>> -> memref<1x!tpu.dma_semaphore, #tpu.memory_space<semaphore_mem>>
      %dma_start3A_333 = tpu.memref_squeeze %dma_start3A_332 : memref<1x!tpu.dma_semaphore, #tpu.memory_space<semaphore_mem>> -> memref<!tpu.dma_semaphore, #tpu.memory_space<semaphore_mem>>
      %dma_start3A_334 = arith.constant 128 : i32
      %dma_start3A_335 = arith.constant 0 : i32
      %dma_start3A_336 = tpu.memref_slice %arg4[%add3A_321, %dma_start3A_334, %dma_start3A_335] : memref<4096x200x128xf32, #tpu.memory_space<hbm>> -> memref<1x72x128xf32, #tpu.memory_space<hbm>>
      %dma_start3A_337 = tpu.memref_squeeze %dma_start3A_336 : memref<1x72x128xf32, #tpu.memory_space<hbm>> -> memref<72x128xf32, #tpu.memory_space<hbm>>
      %dma_start3A_338 = arith.constant 0 : i32
      %dma_start3A_339 = arith.constant 0 : i32
      %dma_start3A_340 = tpu.memref_slice %arg7[%dma_start3A_322, %dma_start3A_338, %dma_start3A_339] : memref<4x72x128xf32, #tpu.memory_space<vmem>> -> memref<1x72x128xf32, #tpu.memory_space<vmem>>
      %dma_start3A_341 = tpu.memref_squeeze %dma_start3A_340 : memref<1x72x128xf32, #tpu.memory_space<vmem>> -> memref<72x128xf32, #tpu.memory_space<vmem>>
      tpu.enqueue_dma source(%dma_start3A_341 : memref<72x128xf32, #tpu.memory_space<vmem>>) target(%dma_start3A_337 : memref<72x128xf32, #tpu.memory_space<hbm>>) target_semaphore(%dma_start3A_333 : memref<!tpu.dma_semaphore, #tpu.memory_space<semaphore_mem>>)
      %dma_wait3A_342 = arith.constant 1 : i32
      %dma_wait3A_343 = arith.constant 1 : i32
      %dma_wait3A_344 = arith.constant 0 : i32
      %dma_wait3A_345 = arith.constant 0 : i32
      %dma_wait3A_346 = tpu.memref_slice %arg6[%dma_wait3A_342, %dma_wait3A_344, %dma_wait3A_345] : memref<4x128x128xf32, #tpu.memory_space<vmem>> -> memref<1x128x128xf32, #tpu.memory_space<vmem>>
      %dma_wait3A_347 = tpu.memref_squeeze %dma_wait3A_346 : memref<1x128x128xf32, #tpu.memory_space<vmem>> -> memref<128x128xf32, #tpu.memory_space<vmem>>
      %dma_wait3A_348 = arith.constant 0 : i32
      %dma_wait3A_349 = arith.constant 0 : i32
      %dma_wait3A_350 = tpu.memref_slice %arg2[%dma_wait3A_348, %dma_wait3A_349] : memref<100000x128xf32, #tpu.memory_space<hbm>> -> memref<128x128xf32, #tpu.memory_space<hbm>>
      %dma_wait3A_351 = tpu.memref_slice %arg8[%dma_wait3A_343] : memref<8x!tpu.dma_semaphore, #tpu.memory_space<semaphore_mem>> -> memref<1x!tpu.dma_semaphore, #tpu.memory_space<semaphore_mem>>
      %dma_wait3A_352 = tpu.memref_squeeze %dma_wait3A_351 : memref<1x!tpu.dma_semaphore, #tpu.memory_space<semaphore_mem>> -> memref<!tpu.dma_semaphore, #tpu.memory_space<semaphore_mem>>
      %dma_wait3A_353 = arith.constant 0 : i32
      %dma_wait3A_354 = arith.constant 0 : i32
      %dma_wait3A_355 = tpu.memref_slice %arg6[%dma_wait3A_342, %dma_wait3A_353, %dma_wait3A_354] : memref<4x128x128xf32, #tpu.memory_space<vmem>> -> memref<1x128x128xf32, #tpu.memory_space<vmem>>
      %dma_wait3A_356 = tpu.memref_squeeze %dma_wait3A_355 : memref<1x128x128xf32, #tpu.memory_space<vmem>> -> memref<128x128xf32, #tpu.memory_space<vmem>>
      %dma_wait3A_357 = arith.constant 0 : i32
      %dma_wait3A_358 = arith.constant 0 : i32
      %dma_wait3A_359 = tpu.memref_slice %arg2[%dma_wait3A_357, %dma_wait3A_358] : memref<100000x128xf32, #tpu.memory_space<hbm>> -> memref<128x128xf32, #tpu.memory_space<hbm>>
      tpu.wait_dma2 semaphore(%dma_wait3A_352 : memref<!tpu.dma_semaphore, #tpu.memory_space<semaphore_mem>>) src(%dma_wait3A_359 : memref<128x128xf32, #tpu.memory_space<hbm>>) dst(%dma_wait3A_356 : memref<128x128xf32, #tpu.memory_space<vmem>>)
      %mul3A_360 = arith.constant 4 : i32
      %mul3A_361 = arith.muli %scan3A_255, %mul3A_360 : i32
      %add3A_362 = arith.addi %mul3A_2, %mul3A_361 : i32
      %add3A_363 = arith.constant 1 : i32
      %add3A_364 = arith.addi %add3A_362, %add3A_363 : i32
      %dma_start3A_365 = arith.constant 1 : i32
      %dma_start3A_366 = arith.constant 1 : i32
      %dma_start3A_367 = arith.constant 0 : i32
      %dma_start3A_368 = arith.constant 0 : i32
      %dma_start3A_369 = tpu.memref_slice %arg6[%dma_start3A_365, %dma_start3A_367, %dma_start3A_368] : memref<4x128x128xf32, #tpu.memory_space<vmem>> -> memref<1x128x128xf32, #tpu.memory_space<vmem>>
      %dma_start3A_370 = tpu.memref_squeeze %dma_start3A_369 : memref<1x128x128xf32, #tpu.memory_space<vmem>> -> memref<128x128xf32, #tpu.memory_space<vmem>>
      %dma_start3A_371 = arith.constant 0 : i32
      %dma_start3A_372 = arith.constant 0 : i32
      %dma_start3A_373 = tpu.memref_slice %arg4[%add3A_364, %dma_start3A_371, %dma_start3A_372] : memref<4096x200x128xf32, #tpu.memory_space<hbm>> -> memref<1x128x128xf32, #tpu.memory_space<hbm>>
      %dma_start3A_374 = tpu.memref_squeeze %dma_start3A_373 : memref<1x128x128xf32, #tpu.memory_space<hbm>> -> memref<128x128xf32, #tpu.memory_space<hbm>>
      %dma_start3A_375 = tpu.memref_slice %arg9[%dma_start3A_366] : memref<8x!tpu.dma_semaphore, #tpu.memory_space<semaphore_mem>> -> memref<1x!tpu.dma_semaphore, #tpu.memory_space<semaphore_mem>>
      %dma_start3A_376 = tpu.memref_squeeze %dma_start3A_375 : memref<1x!tpu.dma_semaphore, #tpu.memory_space<semaphore_mem>> -> memref<!tpu.dma_semaphore, #tpu.memory_space<semaphore_mem>>
      %dma_start3A_377 = arith.constant 0 : i32
      %dma_start3A_378 = arith.constant 0 : i32
      %dma_start3A_379 = tpu.memref_slice %arg4[%add3A_364, %dma_start3A_377, %dma_start3A_378] : memref<4096x200x128xf32, #tpu.memory_space<hbm>> -> memref<1x128x128xf32, #tpu.memory_space<hbm>>
      %dma_start3A_380 = tpu.memref_squeeze %dma_start3A_379 : memref<1x128x128xf32, #tpu.memory_space<hbm>> -> memref<128x128xf32, #tpu.memory_space<hbm>>
      %dma_start3A_381 = arith.constant 0 : i32
      %dma_start3A_382 = arith.constant 0 : i32
      %dma_start3A_383 = tpu.memref_slice %arg6[%dma_start3A_365, %dma_start3A_381, %dma_start3A_382] : memref<4x128x128xf32, #tpu.memory_space<vmem>> -> memref<1x128x128xf32, #tpu.memory_space<vmem>>
      %dma_start3A_384 = tpu.memref_squeeze %dma_start3A_383 : memref<1x128x128xf32, #tpu.memory_space<vmem>> -> memref<128x128xf32, #tpu.memory_space<vmem>>
      tpu.enqueue_dma source(%dma_start3A_384 : memref<128x128xf32, #tpu.memory_space<vmem>>) target(%dma_start3A_380 : memref<128x128xf32, #tpu.memory_space<hbm>>) target_semaphore(%dma_start3A_376 : memref<!tpu.dma_semaphore, #tpu.memory_space<semaphore_mem>>)
      %dma_wait3A_385 = arith.constant 1 : i32
      %dma_wait3A_386 = arith.constant 5 : i32
      %dma_wait3A_387 = arith.constant 0 : i32
      %dma_wait3A_388 = arith.constant 0 : i32
      %dma_wait3A_389 = tpu.memref_slice %arg7[%dma_wait3A_385, %dma_wait3A_387, %dma_wait3A_388] : memref<4x72x128xf32, #tpu.memory_space<vmem>> -> memref<1x72x128xf32, #tpu.memory_space<vmem>>
      %dma_wait3A_390 = tpu.memref_squeeze %dma_wait3A_389 : memref<1x72x128xf32, #tpu.memory_space<vmem>> -> memref<72x128xf32, #tpu.memory_space<vmem>>
      %dma_wait3A_391 = arith.constant 0 : i32
      %dma_wait3A_392 = arith.constant 0 : i32
      %dma_wait3A_393 = tpu.memref_slice %arg2[%dma_wait3A_391, %dma_wait3A_392] : memref<100000x128xf32, #tpu.memory_space<hbm>> -> memref<72x128xf32, #tpu.memory_space<hbm>>
      %dma_wait3A_394 = tpu.memref_slice %arg8[%dma_wait3A_386] : memref<8x!tpu.dma_semaphore, #tpu.memory_space<semaphore_mem>> -> memref<1x!tpu.dma_semaphore, #tpu.memory_space<semaphore_mem>>
      %dma_wait3A_395 = tpu.memref_squeeze %dma_wait3A_394 : memref<1x!tpu.dma_semaphore, #tpu.memory_space<semaphore_mem>> -> memref<!tpu.dma_semaphore, #tpu.memory_space<semaphore_mem>>
      %dma_wait3A_396 = arith.constant 0 : i32
      %dma_wait3A_397 = arith.constant 0 : i32
      %dma_wait3A_398 = tpu.memref_slice %arg7[%dma_wait3A_385, %dma_wait3A_396, %dma_wait3A_397] : memref<4x72x128xf32, #tpu.memory_space<vmem>> -> memref<1x72x128xf32, #tpu.memory_space<vmem>>
      %dma_wait3A_399 = tpu.memref_squeeze %dma_wait3A_398 : memref<1x72x128xf32, #tpu.memory_space<vmem>> -> memref<72x128xf32, #tpu.memory_space<vmem>>
      %dma_wait3A_400 = arith.constant 0 : i32
      %dma_wait3A_401 = arith.constant 0 : i32
      %dma_wait3A_402 = tpu.memref_slice %arg2[%dma_wait3A_400, %dma_wait3A_401] : memref<100000x128xf32, #tpu.memory_space<hbm>> -> memref<72x128xf32, #tpu.memory_space<hbm>>
      tpu.wait_dma2 semaphore(%dma_wait3A_395 : memref<!tpu.dma_semaphore, #tpu.memory_space<semaphore_mem>>) src(%dma_wait3A_402 : memref<72x128xf32, #tpu.memory_space<hbm>>) dst(%dma_wait3A_399 : memref<72x128xf32, #tpu.memory_space<vmem>>)
      %mul3A_403 = arith.constant 4 : i32
      %mul3A_404 = arith.muli %scan3A_255, %mul3A_403 : i32
      %add3A_405 = arith.addi %mul3A_2, %mul3A_404 : i32
      %add3A_406 = arith.constant 1 : i32
      %add3A_407 = arith.addi %add3A_405, %add3A_406 : i32
      %dma_start3A_408 = arith.constant 1 : i32
      %dma_start3A_409 = arith.constant 5 : i32
      %dma_start3A_410 = arith.constant 0 : i32
      %dma_start3A_411 = arith.constant 0 : i32
      %dma_start3A_412 = tpu.memref_slice %arg7[%dma_start3A_408, %dma_start3A_410, %dma_start3A_411] : memref<4x72x128xf32, #tpu.memory_space<vmem>> -> memref<1x72x128xf32, #tpu.memory_space<vmem>>
      %dma_start3A_413 = tpu.memref_squeeze %dma_start3A_412 : memref<1x72x128xf32, #tpu.memory_space<vmem>> -> memref<72x128xf32, #tpu.memory_space<vmem>>
      %dma_start3A_414 = arith.constant 128 : i32
      %dma_start3A_415 = arith.constant 0 : i32
      %dma_start3A_416 = tpu.memref_slice %arg4[%add3A_407, %dma_start3A_414, %dma_start3A_415] : memref<4096x200x128xf32, #tpu.memory_space<hbm>> -> memref<1x72x128xf32, #tpu.memory_space<hbm>>
      %dma_start3A_417 = tpu.memref_squeeze %dma_start3A_416 : memref<1x72x128xf32, #tpu.memory_space<hbm>> -> memref<72x128xf32, #tpu.memory_space<hbm>>
      %dma_start3A_418 = tpu.memref_slice %arg9[%dma_start3A_409] : memref<8x!tpu.dma_semaphore, #tpu.memory_space<semaphore_mem>> -> memref<1x!tpu.dma_semaphore, #tpu.memory_space<semaphore_mem>>
      %dma_start3A_419 = tpu.memref_squeeze %dma_start3A_418 : memref<1x!tpu.dma_semaphore, #tpu.memory_space<semaphore_mem>> -> memref<!tpu.dma_semaphore, #tpu.memory_space<semaphore_mem>>
      %dma_start3A_420 = arith.constant 128 : i32
      %dma_start3A_421 = arith.constant 0 : i32
      %dma_start3A_422 = tpu.memref_slice %arg4[%add3A_407, %dma_start3A_420, %dma_start3A_421] : memref<4096x200x128xf32, #tpu.memory_space<hbm>> -> memref<1x72x128xf32, #tpu.memory_space<hbm>>
      %dma_start3A_423 = tpu.memref_squeeze %dma_start3A_422 : memref<1x72x128xf32, #tpu.memory_space<hbm>> -> memref<72x128xf32, #tpu.memory_space<hbm>>
      %dma_start3A_424 = arith.constant 0 : i32
      %dma_start3A_425 = arith.constant 0 : i32
      %dma_start3A_426 = tpu.memref_slice %arg7[%dma_start3A_408, %dma_start3A_424, %dma_start3A_425] : memref<4x72x128xf32, #tpu.memory_space<vmem>> -> memref<1x72x128xf32, #tpu.memory_space<vmem>>
      %dma_start3A_427 = tpu.memref_squeeze %dma_start3A_426 : memref<1x72x128xf32, #tpu.memory_space<vmem>> -> memref<72x128xf32, #tpu.memory_space<vmem>>
      tpu.enqueue_dma source(%dma_start3A_427 : memref<72x128xf32, #tpu.memory_space<vmem>>) target(%dma_start3A_423 : memref<72x128xf32, #tpu.memory_space<hbm>>) target_semaphore(%dma_start3A_419 : memref<!tpu.dma_semaphore, #tpu.memory_space<semaphore_mem>>)
      %dma_wait3A_428 = arith.constant 2 : i32
      %dma_wait3A_429 = arith.constant 2 : i32
      %dma_wait3A_430 = arith.constant 0 : i32
      %dma_wait3A_431 = arith.constant 0 : i32
      %dma_wait3A_432 = tpu.memref_slice %arg6[%dma_wait3A_428, %dma_wait3A_430, %dma_wait3A_431] : memref<4x128x128xf32, #tpu.memory_space<vmem>> -> memref<1x128x128xf32, #tpu.memory_space<vmem>>
      %dma_wait3A_433 = tpu.memref_squeeze %dma_wait3A_432 : memref<1x128x128xf32, #tpu.memory_space<vmem>> -> memref<128x128xf32, #tpu.memory_space<vmem>>
      %dma_wait3A_434 = arith.constant 0 : i32
      %dma_wait3A_435 = arith.constant 0 : i32
      %dma_wait3A_436 = tpu.memref_slice %arg2[%dma_wait3A_434, %dma_wait3A_435] : memref<100000x128xf32, #tpu.memory_space<hbm>> -> memref<128x128xf32, #tpu.memory_space<hbm>>
      %dma_wait3A_437 = tpu.memref_slice %arg8[%dma_wait3A_429] : memref<8x!tpu.dma_semaphore, #tpu.memory_space<semaphore_mem>> -> memref<1x!tpu.dma_semaphore, #tpu.memory_space<semaphore_mem>>
      %dma_wait3A_438 = tpu.memref_squeeze %dma_wait3A_437 : memref<1x!tpu.dma_semaphore, #tpu.memory_space<semaphore_mem>> -> memref<!tpu.dma_semaphore, #tpu.memory_space<semaphore_mem>>
      %dma_wait3A_439 = arith.constant 0 : i32
      %dma_wait3A_440 = arith.constant 0 : i32
      %dma_wait3A_441 = tpu.memref_slice %arg6[%dma_wait3A_428, %dma_wait3A_439, %dma_wait3A_440] : memref<4x128x128xf32, #tpu.memory_space<vmem>> -> memref<1x128x128xf32, #tpu.memory_space<vmem>>
      %dma_wait3A_442 = tpu.memref_squeeze %dma_wait3A_441 : memref<1x128x128xf32, #tpu.memory_space<vmem>> -> memref<128x128xf32, #tpu.memory_space<vmem>>
      %dma_wait3A_443 = arith.constant 0 : i32
      %dma_wait3A_444 = arith.constant 0 : i32
      %dma_wait3A_445 = tpu.memref_slice %arg2[%dma_wait3A_443, %dma_wait3A_444] : memref<100000x128xf32, #tpu.memory_space<hbm>> -> memref<128x128xf32, #tpu.memory_space<hbm>>
      tpu.wait_dma2 semaphore(%dma_wait3A_438 : memref<!tpu.dma_semaphore, #tpu.memory_space<semaphore_mem>>) src(%dma_wait3A_445 : memref<128x128xf32, #tpu.memory_space<hbm>>) dst(%dma_wait3A_442 : memref<128x128xf32, #tpu.memory_space<vmem>>)
      %mul3A_446 = arith.constant 4 : i32
      %mul3A_447 = arith.muli %scan3A_255, %mul3A_446 : i32
      %add3A_448 = arith.addi %mul3A_2, %mul3A_447 : i32
      %add3A_449 = arith.constant 2 : i32
      %add3A_450 = arith.addi %add3A_448, %add3A_449 : i32
      %dma_start3A_451 = arith.constant 2 : i32
      %dma_start3A_452 = arith.constant 2 : i32
      %dma_start3A_453 = arith.constant 0 : i32
      %dma_start3A_454 = arith.constant 0 : i32
      %dma_start3A_455 = tpu.memref_slice %arg6[%dma_start3A_451, %dma_start3A_453, %dma_start3A_454] : memref<4x128x128xf32, #tpu.memory_space<vmem>> -> memref<1x128x128xf32, #tpu.memory_space<vmem>>
      %dma_start3A_456 = tpu.memref_squeeze %dma_start3A_455 : memref<1x128x128xf32, #tpu.memory_space<vmem>> -> memref<128x128xf32, #tpu.memory_space<vmem>>
      %dma_start3A_457 = arith.constant 0 : i32
      %dma_start3A_458 = arith.constant 0 : i32
      %dma_start3A_459 = tpu.memref_slice %arg4[%add3A_450, %dma_start3A_457, %dma_start3A_458] : memref<4096x200x128xf32, #tpu.memory_space<hbm>> -> memref<1x128x128xf32, #tpu.memory_space<hbm>>
      %dma_start3A_460 = tpu.memref_squeeze %dma_start3A_459 : memref<1x128x128xf32, #tpu.memory_space<hbm>> -> memref<128x128xf32, #tpu.memory_space<hbm>>
      %dma_start3A_461 = tpu.memref_slice %arg9[%dma_start3A_452] : memref<8x!tpu.dma_semaphore, #tpu.memory_space<semaphore_mem>> -> memref<1x!tpu.dma_semaphore, #tpu.memory_space<semaphore_mem>>
      %dma_start3A_462 = tpu.memref_squeeze %dma_start3A_461 : memref<1x!tpu.dma_semaphore, #tpu.memory_space<semaphore_mem>> -> memref<!tpu.dma_semaphore, #tpu.memory_space<semaphore_mem>>
      %dma_start3A_463 = arith.constant 0 : i32
      %dma_start3A_464 = arith.constant 0 : i32
      %dma_start3A_465 = tpu.memref_slice %arg4[%add3A_450, %dma_start3A_463, %dma_start3A_464] : memref<4096x200x128xf32, #tpu.memory_space<hbm>> -> memref<1x128x128xf32, #tpu.memory_space<hbm>>
      %dma_start3A_466 = tpu.memref_squeeze %dma_start3A_465 : memref<1x128x128xf32, #tpu.memory_space<hbm>> -> memref<128x128xf32, #tpu.memory_space<hbm>>
      %dma_start3A_467 = arith.constant 0 : i32
      %dma_start3A_468 = arith.constant 0 : i32
      %dma_start3A_469 = tpu.memref_slice %arg6[%dma_start3A_451, %dma_start3A_467, %dma_start3A_468] : memref<4x128x128xf32, #tpu.memory_space<vmem>> -> memref<1x128x128xf32, #tpu.memory_space<vmem>>
      %dma_start3A_470 = tpu.memref_squeeze %dma_start3A_469 : memref<1x128x128xf32, #tpu.memory_space<vmem>> -> memref<128x128xf32, #tpu.memory_space<vmem>>
      tpu.enqueue_dma source(%dma_start3A_470 : memref<128x128xf32, #tpu.memory_space<vmem>>) target(%dma_start3A_466 : memref<128x128xf32, #tpu.memory_space<hbm>>) target_semaphore(%dma_start3A_462 : memref<!tpu.dma_semaphore, #tpu.memory_space<semaphore_mem>>)
      %dma_wait3A_471 = arith.constant 2 : i32
      %dma_wait3A_472 = arith.constant 6 : i32
      %dma_wait3A_473 = arith.constant 0 : i32
      %dma_wait3A_474 = arith.constant 0 : i32
      %dma_wait3A_475 = tpu.memref_slice %arg7[%dma_wait3A_471, %dma_wait3A_473, %dma_wait3A_474] : memref<4x72x128xf32, #tpu.memory_space<vmem>> -> memref<1x72x128xf32, #tpu.memory_space<vmem>>
      %dma_wait3A_476 = tpu.memref_squeeze %dma_wait3A_475 : memref<1x72x128xf32, #tpu.memory_space<vmem>> -> memref<72x128xf32, #tpu.memory_space<vmem>>
      %dma_wait3A_477 = arith.constant 0 : i32
      %dma_wait3A_478 = arith.constant 0 : i32
      %dma_wait3A_479 = tpu.memref_slice %arg2[%dma_wait3A_477, %dma_wait3A_478] : memref<100000x128xf32, #tpu.memory_space<hbm>> -> memref<72x128xf32, #tpu.memory_space<hbm>>
      %dma_wait3A_480 = tpu.memref_slice %arg8[%dma_wait3A_472] : memref<8x!tpu.dma_semaphore, #tpu.memory_space<semaphore_mem>> -> memref<1x!tpu.dma_semaphore, #tpu.memory_space<semaphore_mem>>
      %dma_wait3A_481 = tpu.memref_squeeze %dma_wait3A_480 : memref<1x!tpu.dma_semaphore, #tpu.memory_space<semaphore_mem>> -> memref<!tpu.dma_semaphore, #tpu.memory_space<semaphore_mem>>
      %dma_wait3A_482 = arith.constant 0 : i32
      %dma_wait3A_483 = arith.constant 0 : i32
      %dma_wait3A_484 = tpu.memref_slice %arg7[%dma_wait3A_471, %dma_wait3A_482, %dma_wait3A_483] : memref<4x72x128xf32, #tpu.memory_space<vmem>> -> memref<1x72x128xf32, #tpu.memory_space<vmem>>
      %dma_wait3A_485 = tpu.memref_squeeze %dma_wait3A_484 : memref<1x72x128xf32, #tpu.memory_space<vmem>> -> memref<72x128xf32, #tpu.memory_space<vmem>>
      %dma_wait3A_486 = arith.constant 0 : i32
      %dma_wait3A_487 = arith.constant 0 : i32
      %dma_wait3A_488 = tpu.memref_slice %arg2[%dma_wait3A_486, %dma_wait3A_487] : memref<100000x128xf32, #tpu.memory_space<hbm>> -> memref<72x128xf32, #tpu.memory_space<hbm>>
      tpu.wait_dma2 semaphore(%dma_wait3A_481 : memref<!tpu.dma_semaphore, #tpu.memory_space<semaphore_mem>>) src(%dma_wait3A_488 : memref<72x128xf32, #tpu.memory_space<hbm>>) dst(%dma_wait3A_485 : memref<72x128xf32, #tpu.memory_space<vmem>>)
      %mul3A_489 = arith.constant 4 : i32
      %mul3A_490 = arith.muli %scan3A_255, %mul3A_489 : i32
      %add3A_491 = arith.addi %mul3A_2, %mul3A_490 : i32
      %add3A_492 = arith.constant 2 : i32
      %add3A_493 = arith.addi %add3A_491, %add3A_492 : i32
      %dma_start3A_494 = arith.constant 2 : i32
      %dma_start3A_495 = arith.constant 6 : i32
      %dma_start3A_496 = arith.constant 0 : i32
      %dma_start3A_497 = arith.constant 0 : i32
      %dma_start3A_498 = tpu.memref_slice %arg7[%dma_start3A_494, %dma_start3A_496, %dma_start3A_497] : memref<4x72x128xf32, #tpu.memory_space<vmem>> -> memref<1x72x128xf32, #tpu.memory_space<vmem>>
      %dma_start3A_499 = tpu.memref_squeeze %dma_start3A_498 : memref<1x72x128xf32, #tpu.memory_space<vmem>> -> memref<72x128xf32, #tpu.memory_space<vmem>>
      %dma_start3A_500 = arith.constant 128 : i32
      %dma_start3A_501 = arith.constant 0 : i32
      %dma_start3A_502 = tpu.memref_slice %arg4[%add3A_493, %dma_start3A_500, %dma_start3A_501] : memref<4096x200x128xf32, #tpu.memory_space<hbm>> -> memref<1x72x128xf32, #tpu.memory_space<hbm>>
      %dma_start3A_503 = tpu.memref_squeeze %dma_start3A_502 : memref<1x72x128xf32, #tpu.memory_space<hbm>> -> memref<72x128xf32, #tpu.memory_space<hbm>>
      %dma_start3A_504 = tpu.memref_slice %arg9[%dma_start3A_495] : memref<8x!tpu.dma_semaphore, #tpu.memory_space<semaphore_mem>> -> memref<1x!tpu.dma_semaphore, #tpu.memory_space<semaphore_mem>>
      %dma_start3A_505 = tpu.memref_squeeze %dma_start3A_504 : memref<1x!tpu.dma_semaphore, #tpu.memory_space<semaphore_mem>> -> memref<!tpu.dma_semaphore, #tpu.memory_space<semaphore_mem>>
      %dma_start3A_506 = arith.constant 128 : i32
      %dma_start3A_507 = arith.constant 0 : i32
      %dma_start3A_508 = tpu.memref_slice %arg4[%add3A_493, %dma_start3A_506, %dma_start3A_507] : memref<4096x200x128xf32, #tpu.memory_space<hbm>> -> memref<1x72x128xf32, #tpu.memory_space<hbm>>
      %dma_start3A_509 = tpu.memref_squeeze %dma_start3A_508 : memref<1x72x128xf32, #tpu.memory_space<hbm>> -> memref<72x128xf32, #tpu.memory_space<hbm>>
      %dma_start3A_510 = arith.constant 0 : i32
      %dma_start3A_511 = arith.constant 0 : i32
      %dma_start3A_512 = tpu.memref_slice %arg7[%dma_start3A_494, %dma_start3A_510, %dma_start3A_511] : memref<4x72x128xf32, #tpu.memory_space<vmem>> -> memref<1x72x128xf32, #tpu.memory_space<vmem>>
      %dma_start3A_513 = tpu.memref_squeeze %dma_start3A_512 : memref<1x72x128xf32, #tpu.memory_space<vmem>> -> memref<72x128xf32, #tpu.memory_space<vmem>>
      tpu.enqueue_dma source(%dma_start3A_513 : memref<72x128xf32, #tpu.memory_space<vmem>>) target(%dma_start3A_509 : memref<72x128xf32, #tpu.memory_space<hbm>>) target_semaphore(%dma_start3A_505 : memref<!tpu.dma_semaphore, #tpu.memory_space<semaphore_mem>>)
      %dma_wait3A_514 = arith.constant 3 : i32
      %dma_wait3A_515 = arith.constant 3 : i32
      %dma_wait3A_516 = arith.constant 0 : i32
      %dma_wait3A_517 = arith.constant 0 : i32
      %dma_wait3A_518 = tpu.memref_slice %arg6[%dma_wait3A_514, %dma_wait3A_516, %dma_wait3A_517] : memref<4x128x128xf32, #tpu.memory_space<vmem>> -> memref<1x128x128xf32, #tpu.memory_space<vmem>>
      %dma_wait3A_519 = tpu.memref_squeeze %dma_wait3A_518 : memref<1x128x128xf32, #tpu.memory_space<vmem>> -> memref<128x128xf32, #tpu.memory_space<vmem>>
      %dma_wait3A_520 = arith.constant 0 : i32
      %dma_wait3A_521 = arith.constant 0 : i32
      %dma_wait3A_522 = tpu.memref_slice %arg2[%dma_wait3A_520, %dma_wait3A_521] : memref<100000x128xf32, #tpu.memory_space<hbm>> -> memref<128x128xf32, #tpu.memory_space<hbm>>
      %dma_wait3A_523 = tpu.memref_slice %arg8[%dma_wait3A_515] : memref<8x!tpu.dma_semaphore, #tpu.memory_space<semaphore_mem>> -> memref<1x!tpu.dma_semaphore, #tpu.memory_space<semaphore_mem>>
      %dma_wait3A_524 = tpu.memref_squeeze %dma_wait3A_523 : memref<1x!tpu.dma_semaphore, #tpu.memory_space<semaphore_mem>> -> memref<!tpu.dma_semaphore, #tpu.memory_space<semaphore_mem>>
      %dma_wait3A_525 = arith.constant 0 : i32
      %dma_wait3A_526 = arith.constant 0 : i32
      %dma_wait3A_527 = tpu.memref_slice %arg6[%dma_wait3A_514, %dma_wait3A_525, %dma_wait3A_526] : memref<4x128x128xf32, #tpu.memory_space<vmem>> -> memref<1x128x128xf32, #tpu.memory_space<vmem>>
      %dma_wait3A_528 = tpu.memref_squeeze %dma_wait3A_527 : memref<1x128x128xf32, #tpu.memory_space<vmem>> -> memref<128x128xf32, #tpu.memory_space<vmem>>
      %dma_wait3A_529 = arith.constant 0 : i32
      %dma_wait3A_530 = arith.constant 0 : i32
      %dma_wait3A_531 = tpu.memref_slice %arg2[%dma_wait3A_529, %dma_wait3A_530] : memref<100000x128xf32, #tpu.memory_space<hbm>> -> memref<128x128xf32, #tpu.memory_space<hbm>>
      tpu.wait_dma2 semaphore(%dma_wait3A_524 : memref<!tpu.dma_semaphore, #tpu.memory_space<semaphore_mem>>) src(%dma_wait3A_531 : memref<128x128xf32, #tpu.memory_space<hbm>>) dst(%dma_wait3A_528 : memref<128x128xf32, #tpu.memory_space<vmem>>)
      %mul3A_532 = arith.constant 4 : i32
      %mul3A_533 = arith.muli %scan3A_255, %mul3A_532 : i32
      %add3A_534 = arith.addi %mul3A_2, %mul3A_533 : i32
      %add3A_535 = arith.constant 3 : i32
      %add3A_536 = arith.addi %add3A_534, %add3A_535 : i32
      %dma_start3A_537 = arith.constant 3 : i32
      %dma_start3A_538 = arith.constant 3 : i32
      %dma_start3A_539 = arith.constant 0 : i32
      %dma_start3A_540 = arith.constant 0 : i32
      %dma_start3A_541 = tpu.memref_slice %arg6[%dma_start3A_537, %dma_start3A_539, %dma_start3A_540] : memref<4x128x128xf32, #tpu.memory_space<vmem>> -> memref<1x128x128xf32, #tpu.memory_space<vmem>>
      %dma_start3A_542 = tpu.memref_squeeze %dma_start3A_541 : memref<1x128x128xf32, #tpu.memory_space<vmem>> -> memref<128x128xf32, #tpu.memory_space<vmem>>
      %dma_start3A_543 = arith.constant 0 : i32
      %dma_start3A_544 = arith.constant 0 : i32
      %dma_start3A_545 = tpu.memref_slice %arg4[%add3A_536, %dma_start3A_543, %dma_start3A_544] : memref<4096x200x128xf32, #tpu.memory_space<hbm>> -> memref<1x128x128xf32, #tpu.memory_space<hbm>>
      %dma_start3A_546 = tpu.memref_squeeze %dma_start3A_545 : memref<1x128x128xf32, #tpu.memory_space<hbm>> -> memref<128x128xf32, #tpu.memory_space<hbm>>
      %dma_start3A_547 = tpu.memref_slice %arg9[%dma_start3A_538] : memref<8x!tpu.dma_semaphore, #tpu.memory_space<semaphore_mem>> -> memref<1x!tpu.dma_semaphore, #tpu.memory_space<semaphore_mem>>
      %dma_start3A_548 = tpu.memref_squeeze %dma_start3A_547 : memref<1x!tpu.dma_semaphore, #tpu.memory_space<semaphore_mem>> -> memref<!tpu.dma_semaphore, #tpu.memory_space<semaphore_mem>>
      %dma_start3A_549 = arith.constant 0 : i32
      %dma_start3A_550 = arith.constant 0 : i32
      %dma_start3A_551 = tpu.memref_slice %arg4[%add3A_536, %dma_start3A_549, %dma_start3A_550] : memref<4096x200x128xf32, #tpu.memory_space<hbm>> -> memref<1x128x128xf32, #tpu.memory_space<hbm>>
      %dma_start3A_552 = tpu.memref_squeeze %dma_start3A_551 : memref<1x128x128xf32, #tpu.memory_space<hbm>> -> memref<128x128xf32, #tpu.memory_space<hbm>>
      %dma_start3A_553 = arith.constant 0 : i32
      %dma_start3A_554 = arith.constant 0 : i32
      %dma_start3A_555 = tpu.memref_slice %arg6[%dma_start3A_537, %dma_start3A_553, %dma_start3A_554] : memref<4x128x128xf32, #tpu.memory_space<vmem>> -> memref<1x128x128xf32, #tpu.memory_space<vmem>>
      %dma_start3A_556 = tpu.memref_squeeze %dma_start3A_555 : memref<1x128x128xf32, #tpu.memory_space<vmem>> -> memref<128x128xf32, #tpu.memory_space<vmem>>
      tpu.enqueue_dma source(%dma_start3A_556 : memref<128x128xf32, #tpu.memory_space<vmem>>) target(%dma_start3A_552 : memref<128x128xf32, #tpu.memory_space<hbm>>) target_semaphore(%dma_start3A_548 : memref<!tpu.dma_semaphore, #tpu.memory_space<semaphore_mem>>)
      %dma_wait3A_557 = arith.constant 3 : i32
      %dma_wait3A_558 = arith.constant 7 : i32
      %dma_wait3A_559 = arith.constant 0 : i32
      %dma_wait3A_560 = arith.constant 0 : i32
      %dma_wait3A_561 = tpu.memref_slice %arg7[%dma_wait3A_557, %dma_wait3A_559, %dma_wait3A_560] : memref<4x72x128xf32, #tpu.memory_space<vmem>> -> memref<1x72x128xf32, #tpu.memory_space<vmem>>
      %dma_wait3A_562 = tpu.memref_squeeze %dma_wait3A_561 : memref<1x72x128xf32, #tpu.memory_space<vmem>> -> memref<72x128xf32, #tpu.memory_space<vmem>>
      %dma_wait3A_563 = arith.constant 0 : i32
      %dma_wait3A_564 = arith.constant 0 : i32
      %dma_wait3A_565 = tpu.memref_slice %arg2[%dma_wait3A_563, %dma_wait3A_564] : memref<100000x128xf32, #tpu.memory_space<hbm>> -> memref<72x128xf32, #tpu.memory_space<hbm>>
      %dma_wait3A_566 = tpu.memref_slice %arg8[%dma_wait3A_558] : memref<8x!tpu.dma_semaphore, #tpu.memory_space<semaphore_mem>> -> memref<1x!tpu.dma_semaphore, #tpu.memory_space<semaphore_mem>>
      %dma_wait3A_567 = tpu.memref_squeeze %dma_wait3A_566 : memref<1x!tpu.dma_semaphore, #tpu.memory_space<semaphore_mem>> -> memref<!tpu.dma_semaphore, #tpu.memory_space<semaphore_mem>>
      %dma_wait3A_568 = arith.constant 0 : i32
      %dma_wait3A_569 = arith.constant 0 : i32
      %dma_wait3A_570 = tpu.memref_slice %arg7[%dma_wait3A_557, %dma_wait3A_568, %dma_wait3A_569] : memref<4x72x128xf32, #tpu.memory_space<vmem>> -> memref<1x72x128xf32, #tpu.memory_space<vmem>>
      %dma_wait3A_571 = tpu.memref_squeeze %dma_wait3A_570 : memref<1x72x128xf32, #tpu.memory_space<vmem>> -> memref<72x128xf32, #tpu.memory_space<vmem>>
      %dma_wait3A_572 = arith.constant 0 : i32
      %dma_wait3A_573 = arith.constant 0 : i32
      %dma_wait3A_574 = tpu.memref_slice %arg2[%dma_wait3A_572, %dma_wait3A_573] : memref<100000x128xf32, #tpu.memory_space<hbm>> -> memref<72x128xf32, #tpu.memory_space<hbm>>
      tpu.wait_dma2 semaphore(%dma_wait3A_567 : memref<!tpu.dma_semaphore, #tpu.memory_space<semaphore_mem>>) src(%dma_wait3A_574 : memref<72x128xf32, #tpu.memory_space<hbm>>) dst(%dma_wait3A_571 : memref<72x128xf32, #tpu.memory_space<vmem>>)
      %mul3A_575 = arith.constant 4 : i32
      %mul3A_576 = arith.muli %scan3A_255, %mul3A_575 : i32
      %add3A_577 = arith.addi %mul3A_2, %mul3A_576 : i32
      %add3A_578 = arith.constant 3 : i32
      %add3A_579 = arith.addi %add3A_577, %add3A_578 : i32
      %dma_start3A_580 = arith.constant 3 : i32
      %dma_start3A_581 = arith.constant 7 : i32
      %dma_start3A_582 = arith.constant 0 : i32
      %dma_start3A_583 = arith.constant 0 : i32
      %dma_start3A_584 = tpu.memref_slice %arg7[%dma_start3A_580, %dma_start3A_582, %dma_start3A_583] : memref<4x72x128xf32, #tpu.memory_space<vmem>> -> memref<1x72x128xf32, #tpu.memory_space<vmem>>
      %dma_start3A_585 = tpu.memref_squeeze %dma_start3A_584 : memref<1x72x128xf32, #tpu.memory_space<vmem>> -> memref<72x128xf32, #tpu.memory_space<vmem>>
      %dma_start3A_586 = arith.constant 128 : i32
      %dma_start3A_587 = arith.constant 0 : i32
      %dma_start3A_588 = tpu.memref_slice %arg4[%add3A_579, %dma_start3A_586, %dma_start3A_587] : memref<4096x200x128xf32, #tpu.memory_space<hbm>> -> memref<1x72x128xf32, #tpu.memory_space<hbm>>
      %dma_start3A_589 = tpu.memref_squeeze %dma_start3A_588 : memref<1x72x128xf32, #tpu.memory_space<hbm>> -> memref<72x128xf32, #tpu.memory_space<hbm>>
      %dma_start3A_590 = tpu.memref_slice %arg9[%dma_start3A_581] : memref<8x!tpu.dma_semaphore, #tpu.memory_space<semaphore_mem>> -> memref<1x!tpu.dma_semaphore, #tpu.memory_space<semaphore_mem>>
      %dma_start3A_591 = tpu.memref_squeeze %dma_start3A_590 : memref<1x!tpu.dma_semaphore, #tpu.memory_space<semaphore_mem>> -> memref<!tpu.dma_semaphore, #tpu.memory_space<semaphore_mem>>
      %dma_start3A_592 = arith.constant 128 : i32
      %dma_start3A_593 = arith.constant 0 : i32
      %dma_start3A_594 = tpu.memref_slice %arg4[%add3A_579, %dma_start3A_592, %dma_start3A_593] : memref<4096x200x128xf32, #tpu.memory_space<hbm>> -> memref<1x72x128xf32, #tpu.memory_space<hbm>>
      %dma_start3A_595 = tpu.memref_squeeze %dma_start3A_594 : memref<1x72x128xf32, #tpu.memory_space<hbm>> -> memref<72x128xf32, #tpu.memory_space<hbm>>
      %dma_start3A_596 = arith.constant 0 : i32
      %dma_start3A_597 = arith.constant 0 : i32
      %dma_start3A_598 = tpu.memref_slice %arg7[%dma_start3A_580, %dma_start3A_596, %dma_start3A_597] : memref<4x72x128xf32, #tpu.memory_space<vmem>> -> memref<1x72x128xf32, #tpu.memory_space<vmem>>
      %dma_start3A_599 = tpu.memref_squeeze %dma_start3A_598 : memref<1x72x128xf32, #tpu.memory_space<vmem>> -> memref<72x128xf32, #tpu.memory_space<vmem>>
      tpu.enqueue_dma source(%dma_start3A_599 : memref<72x128xf32, #tpu.memory_space<vmem>>) target(%dma_start3A_595 : memref<72x128xf32, #tpu.memory_space<hbm>>) target_semaphore(%dma_start3A_591 : memref<!tpu.dma_semaphore, #tpu.memory_space<semaphore_mem>>)
      %rem3A_600 = arith.constant 2 : i32
      %rem3A_601 = arith.remsi %scan3A_255, %rem3A_600 : i32
      %eq3A = arith.constant 1 : i32
      %eq3A_602 = arith.cmpi eq, %rem3A_601, %eq3A : i32
      %add3A_603 = arith.constant 1 : i32
      %add3A_604 = arith.addi %scan3A_255, %add3A_603 : i32
      %lt3A = arith.constant 32 : i32
      %lt3A_605 = arith.cmpi slt, %add3A_604, %lt3A : i32
      %and3A = arith.andi %eq3A_602, %lt3A_605 : i1
      %convert_element_type3A = arith.extui %and3A : i1 to i32
      %cond3A = arith.constant 0 : i32
      %cond3A_606 = arith.cmpi ne, %convert_element_type3A, %cond3A : i32
      scf.if %cond3A_606 {
        %dma_wait3A_635 = arith.constant 0 : i32
        %dma_wait3A_636 = arith.constant 0 : i32
        %dma_wait3A_637 = arith.constant 0 : i32
        %dma_wait3A_638 = tpu.memref_slice %arg5[%dma_wait3A_635, %dma_wait3A_636, %dma_wait3A_637] : memref<2x8x200xi32, #tpu.memory_space<vmem>> -> memref<1x8x200xi32, #tpu.memory_space<vmem>>
        %dma_wait3A_639 = tpu.memref_squeeze %dma_wait3A_638 : memref<1x8x200xi32, #tpu.memory_space<vmem>> -> memref<8x200xi32, #tpu.memory_space<vmem>>
        %dma_wait3A_640 = arith.constant 0 : i32
        %dma_wait3A_641 = tpu.memref_slice %arg3[%mul3A_2, %dma_wait3A_640] : memref<4096x200xi32, #tpu.memory_space<hbm>> -> memref<8x200xi32, #tpu.memory_space<hbm>>
        %dma_wait3A_642 = arith.constant 0 : i32
        %dma_wait3A_643 = arith.constant 0 : i32
        %dma_wait3A_644 = tpu.memref_slice %arg5[%dma_wait3A_635, %dma_wait3A_642, %dma_wait3A_643] : memref<2x8x200xi32, #tpu.memory_space<vmem>> -> memref<1x8x200xi32, #tpu.memory_space<vmem>>
        %dma_wait3A_645 = tpu.memref_squeeze %dma_wait3A_644 : memref<1x8x200xi32, #tpu.memory_space<vmem>> -> memref<8x200xi32, #tpu.memory_space<vmem>>
        %dma_wait3A_646 = arith.constant 0 : i32
        %dma_wait3A_647 = tpu.memref_slice %arg3[%mul3A_2, %dma_wait3A_646] : memref<4096x200xi32, #tpu.memory_space<hbm>> -> memref<8x200xi32, #tpu.memory_space<hbm>>
        tpu.wait_dma2 semaphore(%arg10 : memref<!tpu.dma_semaphore, #tpu.memory_space<semaphore_mem>>) src(%dma_wait3A_647 : memref<8x200xi32, #tpu.memory_space<hbm>>) dst(%dma_wait3A_645 : memref<8x200xi32, #tpu.memory_space<vmem>>)
      } else {
      }
      %add3A_607 = arith.constant 1 : i32
      %add3A_608 = arith.addi %scan3A_255, %add3A_607 : i32
      %lt3A_609 = arith.constant 32 : i32
      %lt3A_610 = arith.cmpi slt, %add3A_608, %lt3A_609 : i32
      %convert_element_type3A_611 = arith.extui %lt3A_610 : i1 to i32
      %cond3A_612 = arith.constant 0 : i32
      %cond3A_613 = arith.cmpi ne, %convert_element_type3A_611, %cond3A_612 : i32
      scf.if %cond3A_613 {
        %dma_wait3A_635 = arith.constant 0 : i32
        %dma_wait3A_636 = arith.constant 0 : i32
        %dma_wait3A_637 = arith.constant 0 : i32
        %dma_wait3A_638 = arith.constant 0 : i32
        %dma_wait3A_639 = arith.constant 0 : i32
        %dma_wait3A_640 = tpu.memref_slice %arg6[%dma_wait3A_635, %dma_wait3A_638, %dma_wait3A_639] : memref<4x128x128xf32, #tpu.memory_space<vmem>> -> memref<1x128x128xf32, #tpu.memory_space<vmem>>
        %dma_wait3A_641 = tpu.memref_squeeze %dma_wait3A_640 : memref<1x128x128xf32, #tpu.memory_space<vmem>> -> memref<128x128xf32, #tpu.memory_space<vmem>>
        %dma_wait3A_642 = arith.constant 0 : i32
        %dma_wait3A_643 = arith.constant 0 : i32
        %dma_wait3A_644 = tpu.memref_slice %arg4[%dma_wait3A_636, %dma_wait3A_642, %dma_wait3A_643] : memref<4096x200x128xf32, #tpu.memory_space<hbm>> -> memref<1x128x128xf32, #tpu.memory_space<hbm>>
        %dma_wait3A_645 = tpu.memref_squeeze %dma_wait3A_644 : memref<1x128x128xf32, #tpu.memory_space<hbm>> -> memref<128x128xf32, #tpu.memory_space<hbm>>
        %dma_wait3A_646 = tpu.memref_slice %arg9[%dma_wait3A_637] : memref<8x!tpu.dma_semaphore, #tpu.memory_space<semaphore_mem>> -> memref<1x!tpu.dma_semaphore, #tpu.memory_space<semaphore_mem>>
        %dma_wait3A_647 = tpu.memref_squeeze %dma_wait3A_646 : memref<1x!tpu.dma_semaphore, #tpu.memory_space<semaphore_mem>> -> memref<!tpu.dma_semaphore, #tpu.memory_space<semaphore_mem>>
        %dma_wait3A_648 = arith.constant 0 : i32
        %dma_wait3A_649 = arith.constant 0 : i32
        %dma_wait3A_650 = tpu.memref_slice %arg4[%dma_wait3A_636, %dma_wait3A_648, %dma_wait3A_649] : memref<4096x200x128xf32, #tpu.memory_space<hbm>> -> memref<1x128x128xf32, #tpu.memory_space<hbm>>
        %dma_wait3A_651 = tpu.memref_squeeze %dma_wait3A_650 : memref<1x128x128xf32, #tpu.memory_space<hbm>> -> memref<128x128xf32, #tpu.memory_space<hbm>>
        %dma_wait3A_652 = arith.constant 0 : i32
        %dma_wait3A_653 = arith.constant 0 : i32
        %dma_wait3A_654 = tpu.memref_slice %arg6[%dma_wait3A_635, %dma_wait3A_652, %dma_wait3A_653] : memref<4x128x128xf32, #tpu.memory_space<vmem>> -> memref<1x128x128xf32, #tpu.memory_space<vmem>>
        %dma_wait3A_655 = tpu.memref_squeeze %dma_wait3A_654 : memref<1x128x128xf32, #tpu.memory_space<vmem>> -> memref<128x128xf32, #tpu.memory_space<vmem>>
        tpu.wait_dma2 semaphore(%dma_wait3A_647 : memref<!tpu.dma_semaphore, #tpu.memory_space<semaphore_mem>>) src(%dma_wait3A_655 : memref<128x128xf32, #tpu.memory_space<vmem>>) dst(%dma_wait3A_651 : memref<128x128xf32, #tpu.memory_space<hbm>>)
        %add3A_656 = arith.constant 1 : i32
        %add3A_657 = arith.addi %scan3A_255, %add3A_656 : i32
        %div3A_658 = arith.constant 2 : i32
        %div3A_659 = arith.divsi %add3A_657, %div3A_658 : i32
        %rem3A_660 = arith.constant 2 : i32
        %rem3A_661 = arith.remsi %div3A_659, %rem3A_660 : i32
        %rem3A_662 = arith.constant 2 : i32
        %rem3A_663 = arith.remsi %add3A_657, %rem3A_662 : i32
        %mul3A_664 = arith.constant 4 : i32
        %mul3A_665 = arith.muli %rem3A_663, %mul3A_664 : i32
        %add3A_666 = arith.constant 0 : i32
        %add3A_667 = arith.addi %mul3A_665, %add3A_666 : i32
        %dma_start3A_668 = arith.constant 0 : i32
        %dma_start3A_669 = arith.constant 0 : i32
        %dma_start3A_670 = arith.constant 0 : i32
        %dma_start3A_671 = arith.constant 0 : i32
        %dma_start3A_672 = tpu.memref_slice %arg6[%dma_start3A_668, %dma_start3A_670, %dma_start3A_671] : memref<4x128x128xf32, #tpu.memory_space<vmem>> -> memref<1x128x128xf32, #tpu.memory_space<vmem>>
        %dma_start3A_673 = tpu.memref_squeeze %dma_start3A_672 : memref<1x128x128xf32, #tpu.memory_space<vmem>> -> memref<128x128xf32, #tpu.memory_space<vmem>>
        %dma_start3A_674 = arith.constant 0 : i32
        %dma_start3A_675 = tpu.memref_slice %arg5[%rem3A_661, %add3A_667, %dma_start3A_674] : memref<2x8x200xi32, #tpu.memory_space<vmem>> -> memref<1x1x128xi32, #tpu.memory_space<vmem>>
        %dma_start3A_676 = tpu.memref_squeeze %dma_start3A_675 : memref<1x1x128xi32, #tpu.memory_space<vmem>> -> memref<128xi32, #tpu.memory_space<vmem>>
        %dma_start3A_677 = arith.constant 0 : i32
        %dma_start3A_678 = arith.constant 0 : i32
        %dma_start3A_679 = tpu.memref_slice %arg2[%dma_start3A_677, %dma_start3A_678] : memref<100000x128xf32, #tpu.memory_space<hbm>> -> memref<100000x128xf32, #tpu.memory_space<hbm>>
        %dma_start3A_680 = tpu.memref_slice %arg8[%dma_start3A_669] : memref<8x!tpu.dma_semaphore, #tpu.memory_space<semaphore_mem>> -> memref<1x!tpu.dma_semaphore, #tpu.memory_space<semaphore_mem>>
        %dma_start3A_681 = tpu.memref_squeeze %dma_start3A_680 : memref<1x!tpu.dma_semaphore, #tpu.memory_space<semaphore_mem>> -> memref<!tpu.dma_semaphore, #tpu.memory_space<semaphore_mem>>
        tpu.enqueue_indirect_dma source(%dma_start3A_679 : memref<100000x128xf32, #tpu.memory_space<hbm>>) target(%dma_start3A_673 : memref<128x128xf32, #tpu.memory_space<vmem>>) offsets(%dma_start3A_676 : memref<128xi32, #tpu.memory_space<vmem>>) semaphore(%dma_start3A_681 : memref<!tpu.dma_semaphore, #tpu.memory_space<semaphore_mem>>)
        %dma_wait3A_682 = arith.constant 0 : i32
        %dma_wait3A_683 = arith.constant 0 : i32
        %dma_wait3A_684 = arith.constant 4 : i32
        %dma_wait3A_685 = arith.constant 0 : i32
        %dma_wait3A_686 = arith.constant 0 : i32
        %dma_wait3A_687 = tpu.memref_slice %arg7[%dma_wait3A_682, %dma_wait3A_685, %dma_wait3A_686] : memref<4x72x128xf32, #tpu.memory_space<vmem>> -> memref<1x72x128xf32, #tpu.memory_space<vmem>>
        %dma_wait3A_688 = tpu.memref_squeeze %dma_wait3A_687 : memref<1x72x128xf32, #tpu.memory_space<vmem>> -> memref<72x128xf32, #tpu.memory_space<vmem>>
        %dma_wait3A_689 = arith.constant 128 : i32
        %dma_wait3A_690 = arith.constant 0 : i32
        %dma_wait3A_691 = tpu.memref_slice %arg4[%dma_wait3A_683, %dma_wait3A_689, %dma_wait3A_690] : memref<4096x200x128xf32, #tpu.memory_space<hbm>> -> memref<1x72x128xf32, #tpu.memory_space<hbm>>
        %dma_wait3A_692 = tpu.memref_squeeze %dma_wait3A_691 : memref<1x72x128xf32, #tpu.memory_space<hbm>> -> memref<72x128xf32, #tpu.memory_space<hbm>>
        %dma_wait3A_693 = tpu.memref_slice %arg9[%dma_wait3A_684] : memref<8x!tpu.dma_semaphore, #tpu.memory_space<semaphore_mem>> -> memref<1x!tpu.dma_semaphore, #tpu.memory_space<semaphore_mem>>
        %dma_wait3A_694 = tpu.memref_squeeze %dma_wait3A_693 : memref<1x!tpu.dma_semaphore, #tpu.memory_space<semaphore_mem>> -> memref<!tpu.dma_semaphore, #tpu.memory_space<semaphore_mem>>
        %dma_wait3A_695 = arith.constant 128 : i32
        %dma_wait3A_696 = arith.constant 0 : i32
        %dma_wait3A_697 = tpu.memref_slice %arg4[%dma_wait3A_683, %dma_wait3A_695, %dma_wait3A_696] : memref<4096x200x128xf32, #tpu.memory_space<hbm>> -> memref<1x72x128xf32, #tpu.memory_space<hbm>>
        %dma_wait3A_698 = tpu.memref_squeeze %dma_wait3A_697 : memref<1x72x128xf32, #tpu.memory_space<hbm>> -> memref<72x128xf32, #tpu.memory_space<hbm>>
        %dma_wait3A_699 = arith.constant 0 : i32
        %dma_wait3A_700 = arith.constant 0 : i32
        %dma_wait3A_701 = tpu.memref_slice %arg7[%dma_wait3A_682, %dma_wait3A_699, %dma_wait3A_700] : memref<4x72x128xf32, #tpu.memory_space<vmem>> -> memref<1x72x128xf32, #tpu.memory_space<vmem>>
        %dma_wait3A_702 = tpu.memref_squeeze %dma_wait3A_701 : memref<1x72x128xf32, #tpu.memory_space<vmem>> -> memref<72x128xf32, #tpu.memory_space<vmem>>
        tpu.wait_dma2 semaphore(%dma_wait3A_694 : memref<!tpu.dma_semaphore, #tpu.memory_space<semaphore_mem>>) src(%dma_wait3A_702 : memref<72x128xf32, #tpu.memory_space<vmem>>) dst(%dma_wait3A_698 : memref<72x128xf32, #tpu.memory_space<hbm>>)
        %add3A_703 = arith.constant 1 : i32
        %add3A_704 = arith.addi %scan3A_255, %add3A_703 : i32
        %div3A_705 = arith.constant 2 : i32
        %div3A_706 = arith.divsi %add3A_704, %div3A_705 : i32
        %rem3A_707 = arith.constant 2 : i32
        %rem3A_708 = arith.remsi %div3A_706, %rem3A_707 : i32
        %rem3A_709 = arith.constant 2 : i32
        %rem3A_710 = arith.remsi %add3A_704, %rem3A_709 : i32
        %mul3A_711 = arith.constant 4 : i32
        %mul3A_712 = arith.muli %rem3A_710, %mul3A_711 : i32
        %add3A_713 = arith.constant 0 : i32
        %add3A_714 = arith.addi %mul3A_712, %add3A_713 : i32
        %dma_start3A_715 = arith.constant 0 : i32
        %dma_start3A_716 = arith.constant 4 : i32
        %dma_start3A_717 = arith.constant 0 : i32
        %dma_start3A_718 = arith.constant 0 : i32
        %dma_start3A_719 = tpu.memref_slice %arg7[%dma_start3A_715, %dma_start3A_717, %dma_start3A_718] : memref<4x72x128xf32, #tpu.memory_space<vmem>> -> memref<1x72x128xf32, #tpu.memory_space<vmem>>
        %dma_start3A_720 = tpu.memref_squeeze %dma_start3A_719 : memref<1x72x128xf32, #tpu.memory_space<vmem>> -> memref<72x128xf32, #tpu.memory_space<vmem>>
        %dma_start3A_721 = arith.constant 128 : i32
        %dma_start3A_722 = tpu.memref_slice %arg5[%rem3A_708, %add3A_714, %dma_start3A_721] : memref<2x8x200xi32, #tpu.memory_space<vmem>> -> memref<1x1x72xi32, #tpu.memory_space<vmem>>
        %dma_start3A_723 = tpu.memref_squeeze %dma_start3A_722 : memref<1x1x72xi32, #tpu.memory_space<vmem>> -> memref<72xi32, #tpu.memory_space<vmem>>
        %dma_start3A_724 = arith.constant 0 : i32
        %dma_start3A_725 = arith.constant 0 : i32
        %dma_start3A_726 = tpu.memref_slice %arg2[%dma_start3A_724, %dma_start3A_725] : memref<100000x128xf32, #tpu.memory_space<hbm>> -> memref<100000x128xf32, #tpu.memory_space<hbm>>
        %dma_start3A_727 = tpu.memref_slice %arg8[%dma_start3A_716] : memref<8x!tpu.dma_semaphore, #tpu.memory_space<semaphore_mem>> -> memref<1x!tpu.dma_semaphore, #tpu.memory_space<semaphore_mem>>
        %dma_start3A_728 = tpu.memref_squeeze %dma_start3A_727 : memref<1x!tpu.dma_semaphore, #tpu.memory_space<semaphore_mem>> -> memref<!tpu.dma_semaphore, #tpu.memory_space<semaphore_mem>>
        tpu.enqueue_indirect_dma source(%dma_start3A_726 : memref<100000x128xf32, #tpu.memory_space<hbm>>) target(%dma_start3A_720 : memref<72x128xf32, #tpu.memory_space<vmem>>) offsets(%dma_start3A_723 : memref<72xi32, #tpu.memory_space<vmem>>) semaphore(%dma_start3A_728 : memref<!tpu.dma_semaphore, #tpu.memory_space<semaphore_mem>>)
        %dma_wait3A_729 = arith.constant 1 : i32
        %dma_wait3A_730 = arith.constant 0 : i32
        %dma_wait3A_731 = arith.constant 1 : i32
        %dma_wait3A_732 = arith.constant 0 : i32
        %dma_wait3A_733 = arith.constant 0 : i32
        %dma_wait3A_734 = tpu.memref_slice %arg6[%dma_wait3A_729, %dma_wait3A_732, %dma_wait3A_733] : memref<4x128x128xf32, #tpu.memory_space<vmem>> -> memref<1x128x128xf32, #tpu.memory_space<vmem>>
        %dma_wait3A_735 = tpu.memref_squeeze %dma_wait3A_734 : memref<1x128x128xf32, #tpu.memory_space<vmem>> -> memref<128x128xf32, #tpu.memory_space<vmem>>
        %dma_wait3A_736 = arith.constant 0 : i32
        %dma_wait3A_737 = arith.constant 0 : i32
        %dma_wait3A_738 = tpu.memref_slice %arg4[%dma_wait3A_730, %dma_wait3A_736, %dma_wait3A_737] : memref<4096x200x128xf32, #tpu.memory_space<hbm>> -> memref<1x128x128xf32, #tpu.memory_space<hbm>>
        %dma_wait3A_739 = tpu.memref_squeeze %dma_wait3A_738 : memref<1x128x128xf32, #tpu.memory_space<hbm>> -> memref<128x128xf32, #tpu.memory_space<hbm>>
        %dma_wait3A_740 = tpu.memref_slice %arg9[%dma_wait3A_731] : memref<8x!tpu.dma_semaphore, #tpu.memory_space<semaphore_mem>> -> memref<1x!tpu.dma_semaphore, #tpu.memory_space<semaphore_mem>>
        %dma_wait3A_741 = tpu.memref_squeeze %dma_wait3A_740 : memref<1x!tpu.dma_semaphore, #tpu.memory_space<semaphore_mem>> -> memref<!tpu.dma_semaphore, #tpu.memory_space<semaphore_mem>>
        %dma_wait3A_742 = arith.constant 0 : i32
        %dma_wait3A_743 = arith.constant 0 : i32
        %dma_wait3A_744 = tpu.memref_slice %arg4[%dma_wait3A_730, %dma_wait3A_742, %dma_wait3A_743] : memref<4096x200x128xf32, #tpu.memory_space<hbm>> -> memref<1x128x128xf32, #tpu.memory_space<hbm>>
        %dma_wait3A_745 = tpu.memref_squeeze %dma_wait3A_744 : memref<1x128x128xf32, #tpu.memory_space<hbm>> -> memref<128x128xf32, #tpu.memory_space<hbm>>
        %dma_wait3A_746 = arith.constant 0 : i32
        %dma_wait3A_747 = arith.constant 0 : i32
        %dma_wait3A_748 = tpu.memref_slice %arg6[%dma_wait3A_729, %dma_wait3A_746, %dma_wait3A_747] : memref<4x128x128xf32, #tpu.memory_space<vmem>> -> memref<1x128x128xf32, #tpu.memory_space<vmem>>
        %dma_wait3A_749 = tpu.memref_squeeze %dma_wait3A_748 : memref<1x128x128xf32, #tpu.memory_space<vmem>> -> memref<128x128xf32, #tpu.memory_space<vmem>>
        tpu.wait_dma2 semaphore(%dma_wait3A_741 : memref<!tpu.dma_semaphore, #tpu.memory_space<semaphore_mem>>) src(%dma_wait3A_749 : memref<128x128xf32, #tpu.memory_space<vmem>>) dst(%dma_wait3A_745 : memref<128x128xf32, #tpu.memory_space<hbm>>)
        %add3A_750 = arith.constant 1 : i32
        %add3A_751 = arith.addi %scan3A_255, %add3A_750 : i32
        %div3A_752 = arith.constant 2 : i32
        %div3A_753 = arith.divsi %add3A_751, %div3A_752 : i32
        %rem3A_754 = arith.constant 2 : i32
        %rem3A_755 = arith.remsi %div3A_753, %rem3A_754 : i32
        %rem3A_756 = arith.constant 2 : i32
        %rem3A_757 = arith.remsi %add3A_751, %rem3A_756 : i32
        %mul3A_758 = arith.constant 4 : i32
        %mul3A_759 = arith.muli %rem3A_757, %mul3A_758 : i32
        %add3A_760 = arith.constant 1 : i32
        %add3A_761 = arith.addi %mul3A_759, %add3A_760 : i32
        %dma_start3A_762 = arith.constant 1 : i32
        %dma_start3A_763 = arith.constant 1 : i32
        %dma_start3A_764 = arith.constant 0 : i32
        %dma_start3A_765 = arith.constant 0 : i32
        %dma_start3A_766 = tpu.memref_slice %arg6[%dma_start3A_762, %dma_start3A_764, %dma_start3A_765] : memref<4x128x128xf32, #tpu.memory_space<vmem>> -> memref<1x128x128xf32, #tpu.memory_space<vmem>>
        %dma_start3A_767 = tpu.memref_squeeze %dma_start3A_766 : memref<1x128x128xf32, #tpu.memory_space<vmem>> -> memref<128x128xf32, #tpu.memory_space<vmem>>
        %dma_start3A_768 = arith.constant 0 : i32
        %dma_start3A_769 = tpu.memref_slice %arg5[%rem3A_755, %add3A_761, %dma_start3A_768] : memref<2x8x200xi32, #tpu.memory_space<vmem>> -> memref<1x1x128xi32, #tpu.memory_space<vmem>>
        %dma_start3A_770 = tpu.memref_squeeze %dma_start3A_769 : memref<1x1x128xi32, #tpu.memory_space<vmem>> -> memref<128xi32, #tpu.memory_space<vmem>>
        %dma_start3A_771 = arith.constant 0 : i32
        %dma_start3A_772 = arith.constant 0 : i32
        %dma_start3A_773 = tpu.memref_slice %arg2[%dma_start3A_771, %dma_start3A_772] : memref<100000x128xf32, #tpu.memory_space<hbm>> -> memref<100000x128xf32, #tpu.memory_space<hbm>>
        %dma_start3A_774 = tpu.memref_slice %arg8[%dma_start3A_763] : memref<8x!tpu.dma_semaphore, #tpu.memory_space<semaphore_mem>> -> memref<1x!tpu.dma_semaphore, #tpu.memory_space<semaphore_mem>>
        %dma_start3A_775 = tpu.memref_squeeze %dma_start3A_774 : memref<1x!tpu.dma_semaphore, #tpu.memory_space<semaphore_mem>> -> memref<!tpu.dma_semaphore, #tpu.memory_space<semaphore_mem>>
        tpu.enqueue_indirect_dma source(%dma_start3A_773 : memref<100000x128xf32, #tpu.memory_space<hbm>>) target(%dma_start3A_767 : memref<128x128xf32, #tpu.memory_space<vmem>>) offsets(%dma_start3A_770 : memref<128xi32, #tpu.memory_space<vmem>>) semaphore(%dma_start3A_775 : memref<!tpu.dma_semaphore, #tpu.memory_space<semaphore_mem>>)
        %dma_wait3A_776 = arith.constant 1 : i32
        %dma_wait3A_777 = arith.constant 0 : i32
        %dma_wait3A_778 = arith.constant 5 : i32
        %dma_wait3A_779 = arith.constant 0 : i32
        %dma_wait3A_780 = arith.constant 0 : i32
        %dma_wait3A_781 = tpu.memref_slice %arg7[%dma_wait3A_776, %dma_wait3A_779, %dma_wait3A_780] : memref<4x72x128xf32, #tpu.memory_space<vmem>> -> memref<1x72x128xf32, #tpu.memory_space<vmem>>
        %dma_wait3A_782 = tpu.memref_squeeze %dma_wait3A_781 : memref<1x72x128xf32, #tpu.memory_space<vmem>> -> memref<72x128xf32, #tpu.memory_space<vmem>>
        %dma_wait3A_783 = arith.constant 128 : i32
        %dma_wait3A_784 = arith.constant 0 : i32
        %dma_wait3A_785 = tpu.memref_slice %arg4[%dma_wait3A_777, %dma_wait3A_783, %dma_wait3A_784] : memref<4096x200x128xf32, #tpu.memory_space<hbm>> -> memref<1x72x128xf32, #tpu.memory_space<hbm>>
        %dma_wait3A_786 = tpu.memref_squeeze %dma_wait3A_785 : memref<1x72x128xf32, #tpu.memory_space<hbm>> -> memref<72x128xf32, #tpu.memory_space<hbm>>
        %dma_wait3A_787 = tpu.memref_slice %arg9[%dma_wait3A_778] : memref<8x!tpu.dma_semaphore, #tpu.memory_space<semaphore_mem>> -> memref<1x!tpu.dma_semaphore, #tpu.memory_space<semaphore_mem>>
        %dma_wait3A_788 = tpu.memref_squeeze %dma_wait3A_787 : memref<1x!tpu.dma_semaphore, #tpu.memory_space<semaphore_mem>> -> memref<!tpu.dma_semaphore, #tpu.memory_space<semaphore_mem>>
        %dma_wait3A_789 = arith.constant 128 : i32
        %dma_wait3A_790 = arith.constant 0 : i32
        %dma_wait3A_791 = tpu.memref_slice %arg4[%dma_wait3A_777, %dma_wait3A_789, %dma_wait3A_790] : memref<4096x200x128xf32, #tpu.memory_space<hbm>> -> memref<1x72x128xf32, #tpu.memory_space<hbm>>
        %dma_wait3A_792 = tpu.memref_squeeze %dma_wait3A_791 : memref<1x72x128xf32, #tpu.memory_space<hbm>> -> memref<72x128xf32, #tpu.memory_space<hbm>>
        %dma_wait3A_793 = arith.constant 0 : i32
        %dma_wait3A_794 = arith.constant 0 : i32
        %dma_wait3A_795 = tpu.memref_slice %arg7[%dma_wait3A_776, %dma_wait3A_793, %dma_wait3A_794] : memref<4x72x128xf32, #tpu.memory_space<vmem>> -> memref<1x72x128xf32, #tpu.memory_space<vmem>>
        %dma_wait3A_796 = tpu.memref_squeeze %dma_wait3A_795 : memref<1x72x128xf32, #tpu.memory_space<vmem>> -> memref<72x128xf32, #tpu.memory_space<vmem>>
        tpu.wait_dma2 semaphore(%dma_wait3A_788 : memref<!tpu.dma_semaphore, #tpu.memory_space<semaphore_mem>>) src(%dma_wait3A_796 : memref<72x128xf32, #tpu.memory_space<vmem>>) dst(%dma_wait3A_792 : memref<72x128xf32, #tpu.memory_space<hbm>>)
        %add3A_797 = arith.constant 1 : i32
        %add3A_798 = arith.addi %scan3A_255, %add3A_797 : i32
        %div3A_799 = arith.constant 2 : i32
        %div3A_800 = arith.divsi %add3A_798, %div3A_799 : i32
        %rem3A_801 = arith.constant 2 : i32
        %rem3A_802 = arith.remsi %div3A_800, %rem3A_801 : i32
        %rem3A_803 = arith.constant 2 : i32
        %rem3A_804 = arith.remsi %add3A_798, %rem3A_803 : i32
        %mul3A_805 = arith.constant 4 : i32
        %mul3A_806 = arith.muli %rem3A_804, %mul3A_805 : i32
        %add3A_807 = arith.constant 1 : i32
        %add3A_808 = arith.addi %mul3A_806, %add3A_807 : i32
        %dma_start3A_809 = arith.constant 1 : i32
        %dma_start3A_810 = arith.constant 5 : i32
        %dma_start3A_811 = arith.constant 0 : i32
        %dma_start3A_812 = arith.constant 0 : i32
        %dma_start3A_813 = tpu.memref_slice %arg7[%dma_start3A_809, %dma_start3A_811, %dma_start3A_812] : memref<4x72x128xf32, #tpu.memory_space<vmem>> -> memref<1x72x128xf32, #tpu.memory_space<vmem>>
        %dma_start3A_814 = tpu.memref_squeeze %dma_start3A_813 : memref<1x72x128xf32, #tpu.memory_space<vmem>> -> memref<72x128xf32, #tpu.memory_space<vmem>>
        %dma_start3A_815 = arith.constant 128 : i32
        %dma_start3A_816 = tpu.memref_slice %arg5[%rem3A_802, %add3A_808, %dma_start3A_815] : memref<2x8x200xi32, #tpu.memory_space<vmem>> -> memref<1x1x72xi32, #tpu.memory_space<vmem>>
        %dma_start3A_817 = tpu.memref_squeeze %dma_start3A_816 : memref<1x1x72xi32, #tpu.memory_space<vmem>> -> memref<72xi32, #tpu.memory_space<vmem>>
        %dma_start3A_818 = arith.constant 0 : i32
        %dma_start3A_819 = arith.constant 0 : i32
        %dma_start3A_820 = tpu.memref_slice %arg2[%dma_start3A_818, %dma_start3A_819] : memref<100000x128xf32, #tpu.memory_space<hbm>> -> memref<100000x128xf32, #tpu.memory_space<hbm>>
        %dma_start3A_821 = tpu.memref_slice %arg8[%dma_start3A_810] : memref<8x!tpu.dma_semaphore, #tpu.memory_space<semaphore_mem>> -> memref<1x!tpu.dma_semaphore, #tpu.memory_space<semaphore_mem>>
        %dma_start3A_822 = tpu.memref_squeeze %dma_start3A_821 : memref<1x!tpu.dma_semaphore, #tpu.memory_space<semaphore_mem>> -> memref<!tpu.dma_semaphore, #tpu.memory_space<semaphore_mem>>
        tpu.enqueue_indirect_dma source(%dma_start3A_820 : memref<100000x128xf32, #tpu.memory_space<hbm>>) target(%dma_start3A_814 : memref<72x128xf32, #tpu.memory_space<vmem>>) offsets(%dma_start3A_817 : memref<72xi32, #tpu.memory_space<vmem>>) semaphore(%dma_start3A_822 : memref<!tpu.dma_semaphore, #tpu.memory_space<semaphore_mem>>)
        %dma_wait3A_823 = arith.constant 2 : i32
        %dma_wait3A_824 = arith.constant 0 : i32
        %dma_wait3A_825 = arith.constant 2 : i32
        %dma_wait3A_826 = arith.constant 0 : i32
        %dma_wait3A_827 = arith.constant 0 : i32
        %dma_wait3A_828 = tpu.memref_slice %arg6[%dma_wait3A_823, %dma_wait3A_826, %dma_wait3A_827] : memref<4x128x128xf32, #tpu.memory_space<vmem>> -> memref<1x128x128xf32, #tpu.memory_space<vmem>>
        %dma_wait3A_829 = tpu.memref_squeeze %dma_wait3A_828 : memref<1x128x128xf32, #tpu.memory_space<vmem>> -> memref<128x128xf32, #tpu.memory_space<vmem>>
        %dma_wait3A_830 = arith.constant 0 : i32
        %dma_wait3A_831 = arith.constant 0 : i32
        %dma_wait3A_832 = tpu.memref_slice %arg4[%dma_wait3A_824, %dma_wait3A_830, %dma_wait3A_831] : memref<4096x200x128xf32, #tpu.memory_space<hbm>> -> memref<1x128x128xf32, #tpu.memory_space<hbm>>
        %dma_wait3A_833 = tpu.memref_squeeze %dma_wait3A_832 : memref<1x128x128xf32, #tpu.memory_space<hbm>> -> memref<128x128xf32, #tpu.memory_space<hbm>>
        %dma_wait3A_834 = tpu.memref_slice %arg9[%dma_wait3A_825] : memref<8x!tpu.dma_semaphore, #tpu.memory_space<semaphore_mem>> -> memref<1x!tpu.dma_semaphore, #tpu.memory_space<semaphore_mem>>
        %dma_wait3A_835 = tpu.memref_squeeze %dma_wait3A_834 : memref<1x!tpu.dma_semaphore, #tpu.memory_space<semaphore_mem>> -> memref<!tpu.dma_semaphore, #tpu.memory_space<semaphore_mem>>
        %dma_wait3A_836 = arith.constant 0 : i32
        %dma_wait3A_837 = arith.constant 0 : i32
        %dma_wait3A_838 = tpu.memref_slice %arg4[%dma_wait3A_824, %dma_wait3A_836, %dma_wait3A_837] : memref<4096x200x128xf32, #tpu.memory_space<hbm>> -> memref<1x128x128xf32, #tpu.memory_space<hbm>>
        %dma_wait3A_839 = tpu.memref_squeeze %dma_wait3A_838 : memref<1x128x128xf32, #tpu.memory_space<hbm>> -> memref<128x128xf32, #tpu.memory_space<hbm>>
        %dma_wait3A_840 = arith.constant 0 : i32
        %dma_wait3A_841 = arith.constant 0 : i32
        %dma_wait3A_842 = tpu.memref_slice %arg6[%dma_wait3A_823, %dma_wait3A_840, %dma_wait3A_841] : memref<4x128x128xf32, #tpu.memory_space<vmem>> -> memref<1x128x128xf32, #tpu.memory_space<vmem>>
        %dma_wait3A_843 = tpu.memref_squeeze %dma_wait3A_842 : memref<1x128x128xf32, #tpu.memory_space<vmem>> -> memref<128x128xf32, #tpu.memory_space<vmem>>
        tpu.wait_dma2 semaphore(%dma_wait3A_835 : memref<!tpu.dma_semaphore, #tpu.memory_space<semaphore_mem>>) src(%dma_wait3A_843 : memref<128x128xf32, #tpu.memory_space<vmem>>) dst(%dma_wait3A_839 : memref<128x128xf32, #tpu.memory_space<hbm>>)
        %add3A_844 = arith.constant 1 : i32
        %add3A_845 = arith.addi %scan3A_255, %add3A_844 : i32
        %div3A_846 = arith.constant 2 : i32
        %div3A_847 = arith.divsi %add3A_845, %div3A_846 : i32
        %rem3A_848 = arith.constant 2 : i32
        %rem3A_849 = arith.remsi %div3A_847, %rem3A_848 : i32
        %rem3A_850 = arith.constant 2 : i32
        %rem3A_851 = arith.remsi %add3A_845, %rem3A_850 : i32
        %mul3A_852 = arith.constant 4 : i32
        %mul3A_853 = arith.muli %rem3A_851, %mul3A_852 : i32
        %add3A_854 = arith.constant 2 : i32
        %add3A_855 = arith.addi %mul3A_853, %add3A_854 : i32
        %dma_start3A_856 = arith.constant 2 : i32
        %dma_start3A_857 = arith.constant 2 : i32
        %dma_start3A_858 = arith.constant 0 : i32
        %dma_start3A_859 = arith.constant 0 : i32
        %dma_start3A_860 = tpu.memref_slice %arg6[%dma_start3A_856, %dma_start3A_858, %dma_start3A_859] : memref<4x128x128xf32, #tpu.memory_space<vmem>> -> memref<1x128x128xf32, #tpu.memory_space<vmem>>
        %dma_start3A_861 = tpu.memref_squeeze %dma_start3A_860 : memref<1x128x128xf32, #tpu.memory_space<vmem>> -> memref<128x128xf32, #tpu.memory_space<vmem>>
        %dma_start3A_862 = arith.constant 0 : i32
        %dma_start3A_863 = tpu.memref_slice %arg5[%rem3A_849, %add3A_855, %dma_start3A_862] : memref<2x8x200xi32, #tpu.memory_space<vmem>> -> memref<1x1x128xi32, #tpu.memory_space<vmem>>
        %dma_start3A_864 = tpu.memref_squeeze %dma_start3A_863 : memref<1x1x128xi32, #tpu.memory_space<vmem>> -> memref<128xi32, #tpu.memory_space<vmem>>
        %dma_start3A_865 = arith.constant 0 : i32
        %dma_start3A_866 = arith.constant 0 : i32
        %dma_start3A_867 = tpu.memref_slice %arg2[%dma_start3A_865, %dma_start3A_866] : memref<100000x128xf32, #tpu.memory_space<hbm>> -> memref<100000x128xf32, #tpu.memory_space<hbm>>
        %dma_start3A_868 = tpu.memref_slice %arg8[%dma_start3A_857] : memref<8x!tpu.dma_semaphore, #tpu.memory_space<semaphore_mem>> -> memref<1x!tpu.dma_semaphore, #tpu.memory_space<semaphore_mem>>
        %dma_start3A_869 = tpu.memref_squeeze %dma_start3A_868 : memref<1x!tpu.dma_semaphore, #tpu.memory_space<semaphore_mem>> -> memref<!tpu.dma_semaphore, #tpu.memory_space<semaphore_mem>>
        tpu.enqueue_indirect_dma source(%dma_start3A_867 : memref<100000x128xf32, #tpu.memory_space<hbm>>) target(%dma_start3A_861 : memref<128x128xf32, #tpu.memory_space<vmem>>) offsets(%dma_start3A_864 : memref<128xi32, #tpu.memory_space<vmem>>) semaphore(%dma_start3A_869 : memref<!tpu.dma_semaphore, #tpu.memory_space<semaphore_mem>>)
        %dma_wait3A_870 = arith.constant 2 : i32
        %dma_wait3A_871 = arith.constant 0 : i32
        %dma_wait3A_872 = arith.constant 6 : i32
        %dma_wait3A_873 = arith.constant 0 : i32
        %dma_wait3A_874 = arith.constant 0 : i32
        %dma_wait3A_875 = tpu.memref_slice %arg7[%dma_wait3A_870, %dma_wait3A_873, %dma_wait3A_874] : memref<4x72x128xf32, #tpu.memory_space<vmem>> -> memref<1x72x128xf32, #tpu.memory_space<vmem>>
        %dma_wait3A_876 = tpu.memref_squeeze %dma_wait3A_875 : memref<1x72x128xf32, #tpu.memory_space<vmem>> -> memref<72x128xf32, #tpu.memory_space<vmem>>
        %dma_wait3A_877 = arith.constant 128 : i32
        %dma_wait3A_878 = arith.constant 0 : i32
        %dma_wait3A_879 = tpu.memref_slice %arg4[%dma_wait3A_871, %dma_wait3A_877, %dma_wait3A_878] : memref<4096x200x128xf32, #tpu.memory_space<hbm>> -> memref<1x72x128xf32, #tpu.memory_space<hbm>>
        %dma_wait3A_880 = tpu.memref_squeeze %dma_wait3A_879 : memref<1x72x128xf32, #tpu.memory_space<hbm>> -> memref<72x128xf32, #tpu.memory_space<hbm>>
        %dma_wait3A_881 = tpu.memref_slice %arg9[%dma_wait3A_872] : memref<8x!tpu.dma_semaphore, #tpu.memory_space<semaphore_mem>> -> memref<1x!tpu.dma_semaphore, #tpu.memory_space<semaphore_mem>>
        %dma_wait3A_882 = tpu.memref_squeeze %dma_wait3A_881 : memref<1x!tpu.dma_semaphore, #tpu.memory_space<semaphore_mem>> -> memref<!tpu.dma_semaphore, #tpu.memory_space<semaphore_mem>>
        %dma_wait3A_883 = arith.constant 128 : i32
        %dma_wait3A_884 = arith.constant 0 : i32
        %dma_wait3A_885 = tpu.memref_slice %arg4[%dma_wait3A_871, %dma_wait3A_883, %dma_wait3A_884] : memref<4096x200x128xf32, #tpu.memory_space<hbm>> -> memref<1x72x128xf32, #tpu.memory_space<hbm>>
        %dma_wait3A_886 = tpu.memref_squeeze %dma_wait3A_885 : memref<1x72x128xf32, #tpu.memory_space<hbm>> -> memref<72x128xf32, #tpu.memory_space<hbm>>
        %dma_wait3A_887 = arith.constant 0 : i32
        %dma_wait3A_888 = arith.constant 0 : i32
        %dma_wait3A_889 = tpu.memref_slice %arg7[%dma_wait3A_870, %dma_wait3A_887, %dma_wait3A_888] : memref<4x72x128xf32, #tpu.memory_space<vmem>> -> memref<1x72x128xf32, #tpu.memory_space<vmem>>
        %dma_wait3A_890 = tpu.memref_squeeze %dma_wait3A_889 : memref<1x72x128xf32, #tpu.memory_space<vmem>> -> memref<72x128xf32, #tpu.memory_space<vmem>>
        tpu.wait_dma2 semaphore(%dma_wait3A_882 : memref<!tpu.dma_semaphore, #tpu.memory_space<semaphore_mem>>) src(%dma_wait3A_890 : memref<72x128xf32, #tpu.memory_space<vmem>>) dst(%dma_wait3A_886 : memref<72x128xf32, #tpu.memory_space<hbm>>)
        %add3A_891 = arith.constant 1 : i32
        %add3A_892 = arith.addi %scan3A_255, %add3A_891 : i32
        %div3A_893 = arith.constant 2 : i32
        %div3A_894 = arith.divsi %add3A_892, %div3A_893 : i32
        %rem3A_895 = arith.constant 2 : i32
        %rem3A_896 = arith.remsi %div3A_894, %rem3A_895 : i32
        %rem3A_897 = arith.constant 2 : i32
        %rem3A_898 = arith.remsi %add3A_892, %rem3A_897 : i32
        %mul3A_899 = arith.constant 4 : i32
        %mul3A_900 = arith.muli %rem3A_898, %mul3A_899 : i32
        %add3A_901 = arith.constant 2 : i32
        %add3A_902 = arith.addi %mul3A_900, %add3A_901 : i32
        %dma_start3A_903 = arith.constant 2 : i32
        %dma_start3A_904 = arith.constant 6 : i32
        %dma_start3A_905 = arith.constant 0 : i32
        %dma_start3A_906 = arith.constant 0 : i32
        %dma_start3A_907 = tpu.memref_slice %arg7[%dma_start3A_903, %dma_start3A_905, %dma_start3A_906] : memref<4x72x128xf32, #tpu.memory_space<vmem>> -> memref<1x72x128xf32, #tpu.memory_space<vmem>>
        %dma_start3A_908 = tpu.memref_squeeze %dma_start3A_907 : memref<1x72x128xf32, #tpu.memory_space<vmem>> -> memref<72x128xf32, #tpu.memory_space<vmem>>
        %dma_start3A_909 = arith.constant 128 : i32
        %dma_start3A_910 = tpu.memref_slice %arg5[%rem3A_896, %add3A_902, %dma_start3A_909] : memref<2x8x200xi32, #tpu.memory_space<vmem>> -> memref<1x1x72xi32, #tpu.memory_space<vmem>>
        %dma_start3A_911 = tpu.memref_squeeze %dma_start3A_910 : memref<1x1x72xi32, #tpu.memory_space<vmem>> -> memref<72xi32, #tpu.memory_space<vmem>>
        %dma_start3A_912 = arith.constant 0 : i32
        %dma_start3A_913 = arith.constant 0 : i32
        %dma_start3A_914 = tpu.memref_slice %arg2[%dma_start3A_912, %dma_start3A_913] : memref<100000x128xf32, #tpu.memory_space<hbm>> -> memref<100000x128xf32, #tpu.memory_space<hbm>>
        %dma_start3A_915 = tpu.memref_slice %arg8[%dma_start3A_904] : memref<8x!tpu.dma_semaphore, #tpu.memory_space<semaphore_mem>> -> memref<1x!tpu.dma_semaphore, #tpu.memory_space<semaphore_mem>>
        %dma_start3A_916 = tpu.memref_squeeze %dma_start3A_915 : memref<1x!tpu.dma_semaphore, #tpu.memory_space<semaphore_mem>> -> memref<!tpu.dma_semaphore, #tpu.memory_space<semaphore_mem>>
        tpu.enqueue_indirect_dma source(%dma_start3A_914 : memref<100000x128xf32, #tpu.memory_space<hbm>>) target(%dma_start3A_908 : memref<72x128xf32, #tpu.memory_space<vmem>>) offsets(%dma_start3A_911 : memref<72xi32, #tpu.memory_space<vmem>>) semaphore(%dma_start3A_916 : memref<!tpu.dma_semaphore, #tpu.memory_space<semaphore_mem>>)
        %dma_wait3A_917 = arith.constant 3 : i32
        %dma_wait3A_918 = arith.constant 0 : i32
        %dma_wait3A_919 = arith.constant 3 : i32
        %dma_wait3A_920 = arith.constant 0 : i32
        %dma_wait3A_921 = arith.constant 0 : i32
        %dma_wait3A_922 = tpu.memref_slice %arg6[%dma_wait3A_917, %dma_wait3A_920, %dma_wait3A_921] : memref<4x128x128xf32, #tpu.memory_space<vmem>> -> memref<1x128x128xf32, #tpu.memory_space<vmem>>
        %dma_wait3A_923 = tpu.memref_squeeze %dma_wait3A_922 : memref<1x128x128xf32, #tpu.memory_space<vmem>> -> memref<128x128xf32, #tpu.memory_space<vmem>>
        %dma_wait3A_924 = arith.constant 0 : i32
        %dma_wait3A_925 = arith.constant 0 : i32
        %dma_wait3A_926 = tpu.memref_slice %arg4[%dma_wait3A_918, %dma_wait3A_924, %dma_wait3A_925] : memref<4096x200x128xf32, #tpu.memory_space<hbm>> -> memref<1x128x128xf32, #tpu.memory_space<hbm>>
        %dma_wait3A_927 = tpu.memref_squeeze %dma_wait3A_926 : memref<1x128x128xf32, #tpu.memory_space<hbm>> -> memref<128x128xf32, #tpu.memory_space<hbm>>
        %dma_wait3A_928 = tpu.memref_slice %arg9[%dma_wait3A_919] : memref<8x!tpu.dma_semaphore, #tpu.memory_space<semaphore_mem>> -> memref<1x!tpu.dma_semaphore, #tpu.memory_space<semaphore_mem>>
        %dma_wait3A_929 = tpu.memref_squeeze %dma_wait3A_928 : memref<1x!tpu.dma_semaphore, #tpu.memory_space<semaphore_mem>> -> memref<!tpu.dma_semaphore, #tpu.memory_space<semaphore_mem>>
        %dma_wait3A_930 = arith.constant 0 : i32
        %dma_wait3A_931 = arith.constant 0 : i32
        %dma_wait3A_932 = tpu.memref_slice %arg4[%dma_wait3A_918, %dma_wait3A_930, %dma_wait3A_931] : memref<4096x200x128xf32, #tpu.memory_space<hbm>> -> memref<1x128x128xf32, #tpu.memory_space<hbm>>
        %dma_wait3A_933 = tpu.memref_squeeze %dma_wait3A_932 : memref<1x128x128xf32, #tpu.memory_space<hbm>> -> memref<128x128xf32, #tpu.memory_space<hbm>>
        %dma_wait3A_934 = arith.constant 0 : i32
        %dma_wait3A_935 = arith.constant 0 : i32
        %dma_wait3A_936 = tpu.memref_slice %arg6[%dma_wait3A_917, %dma_wait3A_934, %dma_wait3A_935] : memref<4x128x128xf32, #tpu.memory_space<vmem>> -> memref<1x128x128xf32, #tpu.memory_space<vmem>>
        %dma_wait3A_937 = tpu.memref_squeeze %dma_wait3A_936 : memref<1x128x128xf32, #tpu.memory_space<vmem>> -> memref<128x128xf32, #tpu.memory_space<vmem>>
        tpu.wait_dma2 semaphore(%dma_wait3A_929 : memref<!tpu.dma_semaphore, #tpu.memory_space<semaphore_mem>>) src(%dma_wait3A_937 : memref<128x128xf32, #tpu.memory_space<vmem>>) dst(%dma_wait3A_933 : memref<128x128xf32, #tpu.memory_space<hbm>>)
        %add3A_938 = arith.constant 1 : i32
        %add3A_939 = arith.addi %scan3A_255, %add3A_938 : i32
        %div3A_940 = arith.constant 2 : i32
        %div3A_941 = arith.divsi %add3A_939, %div3A_940 : i32
        %rem3A_942 = arith.constant 2 : i32
        %rem3A_943 = arith.remsi %div3A_941, %rem3A_942 : i32
        %rem3A_944 = arith.constant 2 : i32
        %rem3A_945 = arith.remsi %add3A_939, %rem3A_944 : i32
        %mul3A_946 = arith.constant 4 : i32
        %mul3A_947 = arith.muli %rem3A_945, %mul3A_946 : i32
        %add3A_948 = arith.constant 3 : i32
        %add3A_949 = arith.addi %mul3A_947, %add3A_948 : i32
        %dma_start3A_950 = arith.constant 3 : i32
        %dma_start3A_951 = arith.constant 3 : i32
        %dma_start3A_952 = arith.constant 0 : i32
        %dma_start3A_953 = arith.constant 0 : i32
        %dma_start3A_954 = tpu.memref_slice %arg6[%dma_start3A_950, %dma_start3A_952, %dma_start3A_953] : memref<4x128x128xf32, #tpu.memory_space<vmem>> -> memref<1x128x128xf32, #tpu.memory_space<vmem>>
        %dma_start3A_955 = tpu.memref_squeeze %dma_start3A_954 : memref<1x128x128xf32, #tpu.memory_space<vmem>> -> memref<128x128xf32, #tpu.memory_space<vmem>>
        %dma_start3A_956 = arith.constant 0 : i32
        %dma_start3A_957 = tpu.memref_slice %arg5[%rem3A_943, %add3A_949, %dma_start3A_956] : memref<2x8x200xi32, #tpu.memory_space<vmem>> -> memref<1x1x128xi32, #tpu.memory_space<vmem>>
        %dma_start3A_958 = tpu.memref_squeeze %dma_start3A_957 : memref<1x1x128xi32, #tpu.memory_space<vmem>> -> memref<128xi32, #tpu.memory_space<vmem>>
        %dma_start3A_959 = arith.constant 0 : i32
        %dma_start3A_960 = arith.constant 0 : i32
        %dma_start3A_961 = tpu.memref_slice %arg2[%dma_start3A_959, %dma_start3A_960] : memref<100000x128xf32, #tpu.memory_space<hbm>> -> memref<100000x128xf32, #tpu.memory_space<hbm>>
        %dma_start3A_962 = tpu.memref_slice %arg8[%dma_start3A_951] : memref<8x!tpu.dma_semaphore, #tpu.memory_space<semaphore_mem>> -> memref<1x!tpu.dma_semaphore, #tpu.memory_space<semaphore_mem>>
        %dma_start3A_963 = tpu.memref_squeeze %dma_start3A_962 : memref<1x!tpu.dma_semaphore, #tpu.memory_space<semaphore_mem>> -> memref<!tpu.dma_semaphore, #tpu.memory_space<semaphore_mem>>
        tpu.enqueue_indirect_dma source(%dma_start3A_961 : memref<100000x128xf32, #tpu.memory_space<hbm>>) target(%dma_start3A_955 : memref<128x128xf32, #tpu.memory_space<vmem>>) offsets(%dma_start3A_958 : memref<128xi32, #tpu.memory_space<vmem>>) semaphore(%dma_start3A_963 : memref<!tpu.dma_semaphore, #tpu.memory_space<semaphore_mem>>)
        %dma_wait3A_964 = arith.constant 3 : i32
        %dma_wait3A_965 = arith.constant 0 : i32
        %dma_wait3A_966 = arith.constant 7 : i32
        %dma_wait3A_967 = arith.constant 0 : i32
        %dma_wait3A_968 = arith.constant 0 : i32
        %dma_wait3A_969 = tpu.memref_slice %arg7[%dma_wait3A_964, %dma_wait3A_967, %dma_wait3A_968] : memref<4x72x128xf32, #tpu.memory_space<vmem>> -> memref<1x72x128xf32, #tpu.memory_space<vmem>>
        %dma_wait3A_970 = tpu.memref_squeeze %dma_wait3A_969 : memref<1x72x128xf32, #tpu.memory_space<vmem>> -> memref<72x128xf32, #tpu.memory_space<vmem>>
        %dma_wait3A_971 = arith.constant 128 : i32
        %dma_wait3A_972 = arith.constant 0 : i32
        %dma_wait3A_973 = tpu.memref_slice %arg4[%dma_wait3A_965, %dma_wait3A_971, %dma_wait3A_972] : memref<4096x200x128xf32, #tpu.memory_space<hbm>> -> memref<1x72x128xf32, #tpu.memory_space<hbm>>
        %dma_wait3A_974 = tpu.memref_squeeze %dma_wait3A_973 : memref<1x72x128xf32, #tpu.memory_space<hbm>> -> memref<72x128xf32, #tpu.memory_space<hbm>>
        %dma_wait3A_975 = tpu.memref_slice %arg9[%dma_wait3A_966] : memref<8x!tpu.dma_semaphore, #tpu.memory_space<semaphore_mem>> -> memref<1x!tpu.dma_semaphore, #tpu.memory_space<semaphore_mem>>
        %dma_wait3A_976 = tpu.memref_squeeze %dma_wait3A_975 : memref<1x!tpu.dma_semaphore, #tpu.memory_space<semaphore_mem>> -> memref<!tpu.dma_semaphore, #tpu.memory_space<semaphore_mem>>
        %dma_wait3A_977 = arith.constant 128 : i32
        %dma_wait3A_978 = arith.constant 0 : i32
        %dma_wait3A_979 = tpu.memref_slice %arg4[%dma_wait3A_965, %dma_wait3A_977, %dma_wait3A_978] : memref<4096x200x128xf32, #tpu.memory_space<hbm>> -> memref<1x72x128xf32, #tpu.memory_space<hbm>>
        %dma_wait3A_980 = tpu.memref_squeeze %dma_wait3A_979 : memref<1x72x128xf32, #tpu.memory_space<hbm>> -> memref<72x128xf32, #tpu.memory_space<hbm>>
        %dma_wait3A_981 = arith.constant 0 : i32
        %dma_wait3A_982 = arith.constant 0 : i32
        %dma_wait3A_983 = tpu.memref_slice %arg7[%dma_wait3A_964, %dma_wait3A_981, %dma_wait3A_982] : memref<4x72x128xf32, #tpu.memory_space<vmem>> -> memref<1x72x128xf32, #tpu.memory_space<vmem>>
        %dma_wait3A_984 = tpu.memref_squeeze %dma_wait3A_983 : memref<1x72x128xf32, #tpu.memory_space<vmem>> -> memref<72x128xf32, #tpu.memory_space<vmem>>
        tpu.wait_dma2 semaphore(%dma_wait3A_976 : memref<!tpu.dma_semaphore, #tpu.memory_space<semaphore_mem>>) src(%dma_wait3A_984 : memref<72x128xf32, #tpu.memory_space<vmem>>) dst(%dma_wait3A_980 : memref<72x128xf32, #tpu.memory_space<hbm>>)
        %add3A_985 = arith.constant 1 : i32
        %add3A_986 = arith.addi %scan3A_255, %add3A_985 : i32
        %div3A_987 = arith.constant 2 : i32
        %div3A_988 = arith.divsi %add3A_986, %div3A_987 : i32
        %rem3A_989 = arith.constant 2 : i32
        %rem3A_990 = arith.remsi %div3A_988, %rem3A_989 : i32
        %rem3A_991 = arith.constant 2 : i32
        %rem3A_992 = arith.remsi %add3A_986, %rem3A_991 : i32
        %mul3A_993 = arith.constant 4 : i32
        %mul3A_994 = arith.muli %rem3A_992, %mul3A_993 : i32
        %add3A_995 = arith.constant 3 : i32
        %add3A_996 = arith.addi %mul3A_994, %add3A_995 : i32
        %dma_start3A_997 = arith.constant 3 : i32
        %dma_start3A_998 = arith.constant 7 : i32
        %dma_start3A_999 = arith.constant 0 : i32
        %dma_start3A_1000 = arith.constant 0 : i32
        %dma_start3A_1001 = tpu.memref_slice %arg7[%dma_start3A_997, %dma_start3A_999, %dma_start3A_1000] : memref<4x72x128xf32, #tpu.memory_space<vmem>> -> memref<1x72x128xf32, #tpu.memory_space<vmem>>
        %dma_start3A_1002 = tpu.memref_squeeze %dma_start3A_1001 : memref<1x72x128xf32, #tpu.memory_space<vmem>> -> memref<72x128xf32, #tpu.memory_space<vmem>>
        %dma_start3A_1003 = arith.constant 128 : i32
        %dma_start3A_1004 = tpu.memref_slice %arg5[%rem3A_990, %add3A_996, %dma_start3A_1003] : memref<2x8x200xi32, #tpu.memory_space<vmem>> -> memref<1x1x72xi32, #tpu.memory_space<vmem>>
        %dma_start3A_1005 = tpu.memref_squeeze %dma_start3A_1004 : memref<1x1x72xi32, #tpu.memory_space<vmem>> -> memref<72xi32, #tpu.memory_space<vmem>>
        %dma_start3A_1006 = arith.constant 0 : i32
        %dma_start3A_1007 = arith.constant 0 : i32
        %dma_start3A_1008 = tpu.memref_slice %arg2[%dma_start3A_1006, %dma_start3A_1007] : memref<100000x128xf32, #tpu.memory_space<hbm>> -> memref<100000x128xf32, #tpu.memory_space<hbm>>
        %dma_start3A_1009 = tpu.memref_slice %arg8[%dma_start3A_998] : memref<8x!tpu.dma_semaphore, #tpu.memory_space<semaphore_mem>> -> memref<1x!tpu.dma_semaphore, #tpu.memory_space<semaphore_mem>>
        %dma_start3A_1010 = tpu.memref_squeeze %dma_start3A_1009 : memref<1x!tpu.dma_semaphore, #tpu.memory_space<semaphore_mem>> -> memref<!tpu.dma_semaphore, #tpu.memory_space<semaphore_mem>>
        tpu.enqueue_indirect_dma source(%dma_start3A_1008 : memref<100000x128xf32, #tpu.memory_space<hbm>>) target(%dma_start3A_1002 : memref<72x128xf32, #tpu.memory_space<vmem>>) offsets(%dma_start3A_1005 : memref<72xi32, #tpu.memory_space<vmem>>) semaphore(%dma_start3A_1010 : memref<!tpu.dma_semaphore, #tpu.memory_space<semaphore_mem>>)
      } else {
      }
      %add3A_614 = arith.constant 1 : i32
      %add3A_615 = arith.addi %scan3A_255, %add3A_614 : i32
      %eq3A_616 = arith.constant 32 : i32
      %eq3A_617 = arith.cmpi eq, %add3A_615, %eq3A_616 : i32
      %convert_element_type3A_618 = arith.extui %eq3A_617 : i1 to i32
      %cond3A_619 = arith.constant 0 : i32
      %cond3A_620 = arith.cmpi ne, %convert_element_type3A_618, %cond3A_619 : i32
      scf.if %cond3A_620 {
        %dma_wait3A_635 = arith.constant 0 : i32
        %dma_wait3A_636 = arith.constant 0 : i32
        %dma_wait3A_637 = arith.constant 0 : i32
        %dma_wait3A_638 = arith.constant 0 : i32
        %dma_wait3A_639 = arith.constant 0 : i32
        %dma_wait3A_640 = tpu.memref_slice %arg6[%dma_wait3A_635, %dma_wait3A_638, %dma_wait3A_639] : memref<4x128x128xf32, #tpu.memory_space<vmem>> -> memref<1x128x128xf32, #tpu.memory_space<vmem>>
        %dma_wait3A_641 = tpu.memref_squeeze %dma_wait3A_640 : memref<1x128x128xf32, #tpu.memory_space<vmem>> -> memref<128x128xf32, #tpu.memory_space<vmem>>
        %dma_wait3A_642 = arith.constant 0 : i32
        %dma_wait3A_643 = arith.constant 0 : i32
        %dma_wait3A_644 = tpu.memref_slice %arg4[%dma_wait3A_636, %dma_wait3A_642, %dma_wait3A_643] : memref<4096x200x128xf32, #tpu.memory_space<hbm>> -> memref<1x128x128xf32, #tpu.memory_space<hbm>>
        %dma_wait3A_645 = tpu.memref_squeeze %dma_wait3A_644 : memref<1x128x128xf32, #tpu.memory_space<hbm>> -> memref<128x128xf32, #tpu.memory_space<hbm>>
        %dma_wait3A_646 = tpu.memref_slice %arg9[%dma_wait3A_637] : memref<8x!tpu.dma_semaphore, #tpu.memory_space<semaphore_mem>> -> memref<1x!tpu.dma_semaphore, #tpu.memory_space<semaphore_mem>>
        %dma_wait3A_647 = tpu.memref_squeeze %dma_wait3A_646 : memref<1x!tpu.dma_semaphore, #tpu.memory_space<semaphore_mem>> -> memref<!tpu.dma_semaphore, #tpu.memory_space<semaphore_mem>>
        %dma_wait3A_648 = arith.constant 0 : i32
        %dma_wait3A_649 = arith.constant 0 : i32
        %dma_wait3A_650 = tpu.memref_slice %arg4[%dma_wait3A_636, %dma_wait3A_648, %dma_wait3A_649] : memref<4096x200x128xf32, #tpu.memory_space<hbm>> -> memref<1x128x128xf32, #tpu.memory_space<hbm>>
        %dma_wait3A_651 = tpu.memref_squeeze %dma_wait3A_650 : memref<1x128x128xf32, #tpu.memory_space<hbm>> -> memref<128x128xf32, #tpu.memory_space<hbm>>
        %dma_wait3A_652 = arith.constant 0 : i32
        %dma_wait3A_653 = arith.constant 0 : i32
        %dma_wait3A_654 = tpu.memref_slice %arg6[%dma_wait3A_635, %dma_wait3A_652, %dma_wait3A_653] : memref<4x128x128xf32, #tpu.memory_space<vmem>> -> memref<1x128x128xf32, #tpu.memory_space<vmem>>
        %dma_wait3A_655 = tpu.memref_squeeze %dma_wait3A_654 : memref<1x128x128xf32, #tpu.memory_space<vmem>> -> memref<128x128xf32, #tpu.memory_space<vmem>>
        tpu.wait_dma2 semaphore(%dma_wait3A_647 : memref<!tpu.dma_semaphore, #tpu.memory_space<semaphore_mem>>) src(%dma_wait3A_655 : memref<128x128xf32, #tpu.memory_space<vmem>>) dst(%dma_wait3A_651 : memref<128x128xf32, #tpu.memory_space<hbm>>)
        %dma_wait3A_656 = arith.constant 0 : i32
        %dma_wait3A_657 = arith.constant 0 : i32
        %dma_wait3A_658 = arith.constant 4 : i32
        %dma_wait3A_659 = arith.constant 0 : i32
        %dma_wait3A_660 = arith.constant 0 : i32
        %dma_wait3A_661 = tpu.memref_slice %arg7[%dma_wait3A_656, %dma_wait3A_659, %dma_wait3A_660] : memref<4x72x128xf32, #tpu.memory_space<vmem>> -> memref<1x72x128xf32, #tpu.memory_space<vmem>>
        %dma_wait3A_662 = tpu.memref_squeeze %dma_wait3A_661 : memref<1x72x128xf32, #tpu.memory_space<vmem>> -> memref<72x128xf32, #tpu.memory_space<vmem>>
        %dma_wait3A_663 = arith.constant 128 : i32
        %dma_wait3A_664 = arith.constant 0 : i32
        %dma_wait3A_665 = tpu.memref_slice %arg4[%dma_wait3A_657, %dma_wait3A_663, %dma_wait3A_664] : memref<4096x200x128xf32, #tpu.memory_space<hbm>> -> memref<1x72x128xf32, #tpu.memory_space<hbm>>
        %dma_wait3A_666 = tpu.memref_squeeze %dma_wait3A_665 : memref<1x72x128xf32, #tpu.memory_space<hbm>> -> memref<72x128xf32, #tpu.memory_space<hbm>>
        %dma_wait3A_667 = tpu.memref_slice %arg9[%dma_wait3A_658] : memref<8x!tpu.dma_semaphore, #tpu.memory_space<semaphore_mem>> -> memref<1x!tpu.dma_semaphore, #tpu.memory_space<semaphore_mem>>
        %dma_wait3A_668 = tpu.memref_squeeze %dma_wait3A_667 : memref<1x!tpu.dma_semaphore, #tpu.memory_space<semaphore_mem>> -> memref<!tpu.dma_semaphore, #tpu.memory_space<semaphore_mem>>
        %dma_wait3A_669 = arith.constant 128 : i32
        %dma_wait3A_670 = arith.constant 0 : i32
        %dma_wait3A_671 = tpu.memref_slice %arg4[%dma_wait3A_657, %dma_wait3A_669, %dma_wait3A_670] : memref<4096x200x128xf32, #tpu.memory_space<hbm>> -> memref<1x72x128xf32, #tpu.memory_space<hbm>>
        %dma_wait3A_672 = tpu.memref_squeeze %dma_wait3A_671 : memref<1x72x128xf32, #tpu.memory_space<hbm>> -> memref<72x128xf32, #tpu.memory_space<hbm>>
        %dma_wait3A_673 = arith.constant 0 : i32
        %dma_wait3A_674 = arith.constant 0 : i32
        %dma_wait3A_675 = tpu.memref_slice %arg7[%dma_wait3A_656, %dma_wait3A_673, %dma_wait3A_674] : memref<4x72x128xf32, #tpu.memory_space<vmem>> -> memref<1x72x128xf32, #tpu.memory_space<vmem>>
        %dma_wait3A_676 = tpu.memref_squeeze %dma_wait3A_675 : memref<1x72x128xf32, #tpu.memory_space<vmem>> -> memref<72x128xf32, #tpu.memory_space<vmem>>
        tpu.wait_dma2 semaphore(%dma_wait3A_668 : memref<!tpu.dma_semaphore, #tpu.memory_space<semaphore_mem>>) src(%dma_wait3A_676 : memref<72x128xf32, #tpu.memory_space<vmem>>) dst(%dma_wait3A_672 : memref<72x128xf32, #tpu.memory_space<hbm>>)
        %dma_wait3A_677 = arith.constant 1 : i32
        %dma_wait3A_678 = arith.constant 0 : i32
        %dma_wait3A_679 = arith.constant 1 : i32
        %dma_wait3A_680 = arith.constant 0 : i32
        %dma_wait3A_681 = arith.constant 0 : i32
        %dma_wait3A_682 = tpu.memref_slice %arg6[%dma_wait3A_677, %dma_wait3A_680, %dma_wait3A_681] : memref<4x128x128xf32, #tpu.memory_space<vmem>> -> memref<1x128x128xf32, #tpu.memory_space<vmem>>
        %dma_wait3A_683 = tpu.memref_squeeze %dma_wait3A_682 : memref<1x128x128xf32, #tpu.memory_space<vmem>> -> memref<128x128xf32, #tpu.memory_space<vmem>>
        %dma_wait3A_684 = arith.constant 0 : i32
        %dma_wait3A_685 = arith.constant 0 : i32
        %dma_wait3A_686 = tpu.memref_slice %arg4[%dma_wait3A_678, %dma_wait3A_684, %dma_wait3A_685] : memref<4096x200x128xf32, #tpu.memory_space<hbm>> -> memref<1x128x128xf32, #tpu.memory_space<hbm>>
        %dma_wait3A_687 = tpu.memref_squeeze %dma_wait3A_686 : memref<1x128x128xf32, #tpu.memory_space<hbm>> -> memref<128x128xf32, #tpu.memory_space<hbm>>
        %dma_wait3A_688 = tpu.memref_slice %arg9[%dma_wait3A_679] : memref<8x!tpu.dma_semaphore, #tpu.memory_space<semaphore_mem>> -> memref<1x!tpu.dma_semaphore, #tpu.memory_space<semaphore_mem>>
        %dma_wait3A_689 = tpu.memref_squeeze %dma_wait3A_688 : memref<1x!tpu.dma_semaphore, #tpu.memory_space<semaphore_mem>> -> memref<!tpu.dma_semaphore, #tpu.memory_space<semaphore_mem>>
        %dma_wait3A_690 = arith.constant 0 : i32
        %dma_wait3A_691 = arith.constant 0 : i32
        %dma_wait3A_692 = tpu.memref_slice %arg4[%dma_wait3A_678, %dma_wait3A_690, %dma_wait3A_691] : memref<4096x200x128xf32, #tpu.memory_space<hbm>> -> memref<1x128x128xf32, #tpu.memory_space<hbm>>
        %dma_wait3A_693 = tpu.memref_squeeze %dma_wait3A_692 : memref<1x128x128xf32, #tpu.memory_space<hbm>> -> memref<128x128xf32, #tpu.memory_space<hbm>>
        %dma_wait3A_694 = arith.constant 0 : i32
        %dma_wait3A_695 = arith.constant 0 : i32
        %dma_wait3A_696 = tpu.memref_slice %arg6[%dma_wait3A_677, %dma_wait3A_694, %dma_wait3A_695] : memref<4x128x128xf32, #tpu.memory_space<vmem>> -> memref<1x128x128xf32, #tpu.memory_space<vmem>>
        %dma_wait3A_697 = tpu.memref_squeeze %dma_wait3A_696 : memref<1x128x128xf32, #tpu.memory_space<vmem>> -> memref<128x128xf32, #tpu.memory_space<vmem>>
        tpu.wait_dma2 semaphore(%dma_wait3A_689 : memref<!tpu.dma_semaphore, #tpu.memory_space<semaphore_mem>>) src(%dma_wait3A_697 : memref<128x128xf32, #tpu.memory_space<vmem>>) dst(%dma_wait3A_693 : memref<128x128xf32, #tpu.memory_space<hbm>>)
        %dma_wait3A_698 = arith.constant 1 : i32
        %dma_wait3A_699 = arith.constant 0 : i32
        %dma_wait3A_700 = arith.constant 5 : i32
        %dma_wait3A_701 = arith.constant 0 : i32
        %dma_wait3A_702 = arith.constant 0 : i32
        %dma_wait3A_703 = tpu.memref_slice %arg7[%dma_wait3A_698, %dma_wait3A_701, %dma_wait3A_702] : memref<4x72x128xf32, #tpu.memory_space<vmem>> -> memref<1x72x128xf32, #tpu.memory_space<vmem>>
        %dma_wait3A_704 = tpu.memref_squeeze %dma_wait3A_703 : memref<1x72x128xf32, #tpu.memory_space<vmem>> -> memref<72x128xf32, #tpu.memory_space<vmem>>
        %dma_wait3A_705 = arith.constant 128 : i32
        %dma_wait3A_706 = arith.constant 0 : i32
        %dma_wait3A_707 = tpu.memref_slice %arg4[%dma_wait3A_699, %dma_wait3A_705, %dma_wait3A_706] : memref<4096x200x128xf32, #tpu.memory_space<hbm>> -> memref<1x72x128xf32, #tpu.memory_space<hbm>>
        %dma_wait3A_708 = tpu.memref_squeeze %dma_wait3A_707 : memref<1x72x128xf32, #tpu.memory_space<hbm>> -> memref<72x128xf32, #tpu.memory_space<hbm>>
        %dma_wait3A_709 = tpu.memref_slice %arg9[%dma_wait3A_700] : memref<8x!tpu.dma_semaphore, #tpu.memory_space<semaphore_mem>> -> memref<1x!tpu.dma_semaphore, #tpu.memory_space<semaphore_mem>>
        %dma_wait3A_710 = tpu.memref_squeeze %dma_wait3A_709 : memref<1x!tpu.dma_semaphore, #tpu.memory_space<semaphore_mem>> -> memref<!tpu.dma_semaphore, #tpu.memory_space<semaphore_mem>>
        %dma_wait3A_711 = arith.constant 128 : i32
        %dma_wait3A_712 = arith.constant 0 : i32
        %dma_wait3A_713 = tpu.memref_slice %arg4[%dma_wait3A_699, %dma_wait3A_711, %dma_wait3A_712] : memref<4096x200x128xf32, #tpu.memory_space<hbm>> -> memref<1x72x128xf32, #tpu.memory_space<hbm>>
        %dma_wait3A_714 = tpu.memref_squeeze %dma_wait3A_713 : memref<1x72x128xf32, #tpu.memory_space<hbm>> -> memref<72x128xf32, #tpu.memory_space<hbm>>
        %dma_wait3A_715 = arith.constant 0 : i32
        %dma_wait3A_716 = arith.constant 0 : i32
        %dma_wait3A_717 = tpu.memref_slice %arg7[%dma_wait3A_698, %dma_wait3A_715, %dma_wait3A_716] : memref<4x72x128xf32, #tpu.memory_space<vmem>> -> memref<1x72x128xf32, #tpu.memory_space<vmem>>
        %dma_wait3A_718 = tpu.memref_squeeze %dma_wait3A_717 : memref<1x72x128xf32, #tpu.memory_space<vmem>> -> memref<72x128xf32, #tpu.memory_space<vmem>>
        tpu.wait_dma2 semaphore(%dma_wait3A_710 : memref<!tpu.dma_semaphore, #tpu.memory_space<semaphore_mem>>) src(%dma_wait3A_718 : memref<72x128xf32, #tpu.memory_space<vmem>>) dst(%dma_wait3A_714 : memref<72x128xf32, #tpu.memory_space<hbm>>)
        %dma_wait3A_719 = arith.constant 2 : i32
        %dma_wait3A_720 = arith.constant 0 : i32
        %dma_wait3A_721 = arith.constant 2 : i32
        %dma_wait3A_722 = arith.constant 0 : i32
        %dma_wait3A_723 = arith.constant 0 : i32
        %dma_wait3A_724 = tpu.memref_slice %arg6[%dma_wait3A_719, %dma_wait3A_722, %dma_wait3A_723] : memref<4x128x128xf32, #tpu.memory_space<vmem>> -> memref<1x128x128xf32, #tpu.memory_space<vmem>>
        %dma_wait3A_725 = tpu.memref_squeeze %dma_wait3A_724 : memref<1x128x128xf32, #tpu.memory_space<vmem>> -> memref<128x128xf32, #tpu.memory_space<vmem>>
        %dma_wait3A_726 = arith.constant 0 : i32
        %dma_wait3A_727 = arith.constant 0 : i32
        %dma_wait3A_728 = tpu.memref_slice %arg4[%dma_wait3A_720, %dma_wait3A_726, %dma_wait3A_727] : memref<4096x200x128xf32, #tpu.memory_space<hbm>> -> memref<1x128x128xf32, #tpu.memory_space<hbm>>
        %dma_wait3A_729 = tpu.memref_squeeze %dma_wait3A_728 : memref<1x128x128xf32, #tpu.memory_space<hbm>> -> memref<128x128xf32, #tpu.memory_space<hbm>>
        %dma_wait3A_730 = tpu.memref_slice %arg9[%dma_wait3A_721] : memref<8x!tpu.dma_semaphore, #tpu.memory_space<semaphore_mem>> -> memref<1x!tpu.dma_semaphore, #tpu.memory_space<semaphore_mem>>
        %dma_wait3A_731 = tpu.memref_squeeze %dma_wait3A_730 : memref<1x!tpu.dma_semaphore, #tpu.memory_space<semaphore_mem>> -> memref<!tpu.dma_semaphore, #tpu.memory_space<semaphore_mem>>
        %dma_wait3A_732 = arith.constant 0 : i32
        %dma_wait3A_733 = arith.constant 0 : i32
        %dma_wait3A_734 = tpu.memref_slice %arg4[%dma_wait3A_720, %dma_wait3A_732, %dma_wait3A_733] : memref<4096x200x128xf32, #tpu.memory_space<hbm>> -> memref<1x128x128xf32, #tpu.memory_space<hbm>>
        %dma_wait3A_735 = tpu.memref_squeeze %dma_wait3A_734 : memref<1x128x128xf32, #tpu.memory_space<hbm>> -> memref<128x128xf32, #tpu.memory_space<hbm>>
        %dma_wait3A_736 = arith.constant 0 : i32
        %dma_wait3A_737 = arith.constant 0 : i32
        %dma_wait3A_738 = tpu.memref_slice %arg6[%dma_wait3A_719, %dma_wait3A_736, %dma_wait3A_737] : memref<4x128x128xf32, #tpu.memory_space<vmem>> -> memref<1x128x128xf32, #tpu.memory_space<vmem>>
        %dma_wait3A_739 = tpu.memref_squeeze %dma_wait3A_738 : memref<1x128x128xf32, #tpu.memory_space<vmem>> -> memref<128x128xf32, #tpu.memory_space<vmem>>
        tpu.wait_dma2 semaphore(%dma_wait3A_731 : memref<!tpu.dma_semaphore, #tpu.memory_space<semaphore_mem>>) src(%dma_wait3A_739 : memref<128x128xf32, #tpu.memory_space<vmem>>) dst(%dma_wait3A_735 : memref<128x128xf32, #tpu.memory_space<hbm>>)
        %dma_wait3A_740 = arith.constant 2 : i32
        %dma_wait3A_741 = arith.constant 0 : i32
        %dma_wait3A_742 = arith.constant 6 : i32
        %dma_wait3A_743 = arith.constant 0 : i32
        %dma_wait3A_744 = arith.constant 0 : i32
        %dma_wait3A_745 = tpu.memref_slice %arg7[%dma_wait3A_740, %dma_wait3A_743, %dma_wait3A_744] : memref<4x72x128xf32, #tpu.memory_space<vmem>> -> memref<1x72x128xf32, #tpu.memory_space<vmem>>
        %dma_wait3A_746 = tpu.memref_squeeze %dma_wait3A_745 : memref<1x72x128xf32, #tpu.memory_space<vmem>> -> memref<72x128xf32, #tpu.memory_space<vmem>>
        %dma_wait3A_747 = arith.constant 128 : i32
        %dma_wait3A_748 = arith.constant 0 : i32
        %dma_wait3A_749 = tpu.memref_slice %arg4[%dma_wait3A_741, %dma_wait3A_747, %dma_wait3A_748] : memref<4096x200x128xf32, #tpu.memory_space<hbm>> -> memref<1x72x128xf32, #tpu.memory_space<hbm>>
        %dma_wait3A_750 = tpu.memref_squeeze %dma_wait3A_749 : memref<1x72x128xf32, #tpu.memory_space<hbm>> -> memref<72x128xf32, #tpu.memory_space<hbm>>
        %dma_wait3A_751 = tpu.memref_slice %arg9[%dma_wait3A_742] : memref<8x!tpu.dma_semaphore, #tpu.memory_space<semaphore_mem>> -> memref<1x!tpu.dma_semaphore, #tpu.memory_space<semaphore_mem>>
        %dma_wait3A_752 = tpu.memref_squeeze %dma_wait3A_751 : memref<1x!tpu.dma_semaphore, #tpu.memory_space<semaphore_mem>> -> memref<!tpu.dma_semaphore, #tpu.memory_space<semaphore_mem>>
        %dma_wait3A_753 = arith.constant 128 : i32
        %dma_wait3A_754 = arith.constant 0 : i32
        %dma_wait3A_755 = tpu.memref_slice %arg4[%dma_wait3A_741, %dma_wait3A_753, %dma_wait3A_754] : memref<4096x200x128xf32, #tpu.memory_space<hbm>> -> memref<1x72x128xf32, #tpu.memory_space<hbm>>
        %dma_wait3A_756 = tpu.memref_squeeze %dma_wait3A_755 : memref<1x72x128xf32, #tpu.memory_space<hbm>> -> memref<72x128xf32, #tpu.memory_space<hbm>>
        %dma_wait3A_757 = arith.constant 0 : i32
        %dma_wait3A_758 = arith.constant 0 : i32
        %dma_wait3A_759 = tpu.memref_slice %arg7[%dma_wait3A_740, %dma_wait3A_757, %dma_wait3A_758] : memref<4x72x128xf32, #tpu.memory_space<vmem>> -> memref<1x72x128xf32, #tpu.memory_space<vmem>>
        %dma_wait3A_760 = tpu.memref_squeeze %dma_wait3A_759 : memref<1x72x128xf32, #tpu.memory_space<vmem>> -> memref<72x128xf32, #tpu.memory_space<vmem>>
        tpu.wait_dma2 semaphore(%dma_wait3A_752 : memref<!tpu.dma_semaphore, #tpu.memory_space<semaphore_mem>>) src(%dma_wait3A_760 : memref<72x128xf32, #tpu.memory_space<vmem>>) dst(%dma_wait3A_756 : memref<72x128xf32, #tpu.memory_space<hbm>>)
        %dma_wait3A_761 = arith.constant 3 : i32
        %dma_wait3A_762 = arith.constant 0 : i32
        %dma_wait3A_763 = arith.constant 3 : i32
        %dma_wait3A_764 = arith.constant 0 : i32
        %dma_wait3A_765 = arith.constant 0 : i32
        %dma_wait3A_766 = tpu.memref_slice %arg6[%dma_wait3A_761, %dma_wait3A_764, %dma_wait3A_765] : memref<4x128x128xf32, #tpu.memory_space<vmem>> -> memref<1x128x128xf32, #tpu.memory_space<vmem>>
        %dma_wait3A_767 = tpu.memref_squeeze %dma_wait3A_766 : memref<1x128x128xf32, #tpu.memory_space<vmem>> -> memref<128x128xf32, #tpu.memory_space<vmem>>
        %dma_wait3A_768 = arith.constant 0 : i32
        %dma_wait3A_769 = arith.constant 0 : i32
        %dma_wait3A_770 = tpu.memref_slice %arg4[%dma_wait3A_762, %dma_wait3A_768, %dma_wait3A_769] : memref<4096x200x128xf32, #tpu.memory_space<hbm>> -> memref<1x128x128xf32, #tpu.memory_space<hbm>>
        %dma_wait3A_771 = tpu.memref_squeeze %dma_wait3A_770 : memref<1x128x128xf32, #tpu.memory_space<hbm>> -> memref<128x128xf32, #tpu.memory_space<hbm>>
        %dma_wait3A_772 = tpu.memref_slice %arg9[%dma_wait3A_763] : memref<8x!tpu.dma_semaphore, #tpu.memory_space<semaphore_mem>> -> memref<1x!tpu.dma_semaphore, #tpu.memory_space<semaphore_mem>>
        %dma_wait3A_773 = tpu.memref_squeeze %dma_wait3A_772 : memref<1x!tpu.dma_semaphore, #tpu.memory_space<semaphore_mem>> -> memref<!tpu.dma_semaphore, #tpu.memory_space<semaphore_mem>>
        %dma_wait3A_774 = arith.constant 0 : i32
        %dma_wait3A_775 = arith.constant 0 : i32
        %dma_wait3A_776 = tpu.memref_slice %arg4[%dma_wait3A_762, %dma_wait3A_774, %dma_wait3A_775] : memref<4096x200x128xf32, #tpu.memory_space<hbm>> -> memref<1x128x128xf32, #tpu.memory_space<hbm>>
        %dma_wait3A_777 = tpu.memref_squeeze %dma_wait3A_776 : memref<1x128x128xf32, #tpu.memory_space<hbm>> -> memref<128x128xf32, #tpu.memory_space<hbm>>
        %dma_wait3A_778 = arith.constant 0 : i32
        %dma_wait3A_779 = arith.constant 0 : i32
        %dma_wait3A_780 = tpu.memref_slice %arg6[%dma_wait3A_761, %dma_wait3A_778, %dma_wait3A_779] : memref<4x128x128xf32, #tpu.memory_space<vmem>> -> memref<1x128x128xf32, #tpu.memory_space<vmem>>
        %dma_wait3A_781 = tpu.memref_squeeze %dma_wait3A_780 : memref<1x128x128xf32, #tpu.memory_space<vmem>> -> memref<128x128xf32, #tpu.memory_space<vmem>>
        tpu.wait_dma2 semaphore(%dma_wait3A_773 : memref<!tpu.dma_semaphore, #tpu.memory_space<semaphore_mem>>) src(%dma_wait3A_781 : memref<128x128xf32, #tpu.memory_space<vmem>>) dst(%dma_wait3A_777 : memref<128x128xf32, #tpu.memory_space<hbm>>)
        %dma_wait3A_782 = arith.constant 3 : i32
        %dma_wait3A_783 = arith.constant 0 : i32
        %dma_wait3A_784 = arith.constant 7 : i32
        %dma_wait3A_785 = arith.constant 0 : i32
        %dma_wait3A_786 = arith.constant 0 : i32
        %dma_wait3A_787 = tpu.memref_slice %arg7[%dma_wait3A_782, %dma_wait3A_785, %dma_wait3A_786] : memref<4x72x128xf32, #tpu.memory_space<vmem>> -> memref<1x72x128xf32, #tpu.memory_space<vmem>>
        %dma_wait3A_788 = tpu.memref_squeeze %dma_wait3A_787 : memref<1x72x128xf32, #tpu.memory_space<vmem>> -> memref<72x128xf32, #tpu.memory_space<vmem>>
        %dma_wait3A_789 = arith.constant 128 : i32
        %dma_wait3A_790 = arith.constant 0 : i32
        %dma_wait3A_791 = tpu.memref_slice %arg4[%dma_wait3A_783, %dma_wait3A_789, %dma_wait3A_790] : memref<4096x200x128xf32, #tpu.memory_space<hbm>> -> memref<1x72x128xf32, #tpu.memory_space<hbm>>
        %dma_wait3A_792 = tpu.memref_squeeze %dma_wait3A_791 : memref<1x72x128xf32, #tpu.memory_space<hbm>> -> memref<72x128xf32, #tpu.memory_space<hbm>>
        %dma_wait3A_793 = tpu.memref_slice %arg9[%dma_wait3A_784] : memref<8x!tpu.dma_semaphore, #tpu.memory_space<semaphore_mem>> -> memref<1x!tpu.dma_semaphore, #tpu.memory_space<semaphore_mem>>
        %dma_wait3A_794 = tpu.memref_squeeze %dma_wait3A_793 : memref<1x!tpu.dma_semaphore, #tpu.memory_space<semaphore_mem>> -> memref<!tpu.dma_semaphore, #tpu.memory_space<semaphore_mem>>
        %dma_wait3A_795 = arith.constant 128 : i32
        %dma_wait3A_796 = arith.constant 0 : i32
        %dma_wait3A_797 = tpu.memref_slice %arg4[%dma_wait3A_783, %dma_wait3A_795, %dma_wait3A_796] : memref<4096x200x128xf32, #tpu.memory_space<hbm>> -> memref<1x72x128xf32, #tpu.memory_space<hbm>>
        %dma_wait3A_798 = tpu.memref_squeeze %dma_wait3A_797 : memref<1x72x128xf32, #tpu.memory_space<hbm>> -> memref<72x128xf32, #tpu.memory_space<hbm>>
        %dma_wait3A_799 = arith.constant 0 : i32
        %dma_wait3A_800 = arith.constant 0 : i32
        %dma_wait3A_801 = tpu.memref_slice %arg7[%dma_wait3A_782, %dma_wait3A_799, %dma_wait3A_800] : memref<4x72x128xf32, #tpu.memory_space<vmem>> -> memref<1x72x128xf32, #tpu.memory_space<vmem>>
        %dma_wait3A_802 = tpu.memref_squeeze %dma_wait3A_801 : memref<1x72x128xf32, #tpu.memory_space<vmem>> -> memref<72x128xf32, #tpu.memory_space<vmem>>
        tpu.wait_dma2 semaphore(%dma_wait3A_794 : memref<!tpu.dma_semaphore, #tpu.memory_space<semaphore_mem>>) src(%dma_wait3A_802 : memref<72x128xf32, #tpu.memory_space<vmem>>) dst(%dma_wait3A_798 : memref<72x128xf32, #tpu.memory_space<hbm>>)
      } else {
      }
      %rem3A_621 = arith.constant 2 : i32
      %rem3A_622 = arith.remsi %scan3A_255, %rem3A_621 : i32
      %eq3A_623 = arith.constant 1 : i32
      %eq3A_624 = arith.cmpi eq, %rem3A_622, %eq3A_623 : i32
      %div3A_625 = arith.constant 2 : i32
      %div3A_626 = arith.divsi %scan3A_255, %div3A_625 : i32
      %add3A_627 = arith.constant 2 : i32
      %add3A_628 = arith.addi %div3A_626, %add3A_627 : i32
      %lt3A_629 = arith.constant 16 : i32
      %lt3A_630 = arith.cmpi slt, %add3A_628, %lt3A_629 : i32
      %and3A_631 = arith.andi %eq3A_624, %lt3A_630 : i1
      %convert_element_type3A_632 = arith.extui %and3A_631 : i1 to i32
      %cond3A_633 = arith.constant 0 : i32
      %cond3A_634 = arith.cmpi ne, %convert_element_type3A_632, %cond3A_633 : i32
      scf.if %cond3A_634 {
        %div3A_635 = arith.constant 2 : i32
        %div3A_636 = arith.divsi %scan3A_255, %div3A_635 : i32
        %add3A_637 = arith.constant 2 : i32
        %add3A_638 = arith.addi %div3A_636, %add3A_637 : i32
        %rem3A_639 = arith.constant 2 : i32
        %rem3A_640 = arith.remsi %add3A_638, %rem3A_639 : i32
        %mul3A_641 = arith.constant 8 : i32
        %mul3A_642 = arith.muli %add3A_638, %mul3A_641 : i32
        %add3A_643 = arith.addi %mul3A_2, %mul3A_642 : i32
        %dma_start3A_644 = arith.constant 0 : i32
        %dma_start3A_645 = arith.constant 0 : i32
        %dma_start3A_646 = tpu.memref_slice %arg5[%rem3A_640, %dma_start3A_644, %dma_start3A_645] : memref<2x8x200xi32, #tpu.memory_space<vmem>> -> memref<1x8x200xi32, #tpu.memory_space<vmem>>
        %dma_start3A_647 = tpu.memref_squeeze %dma_start3A_646 : memref<1x8x200xi32, #tpu.memory_space<vmem>> -> memref<8x200xi32, #tpu.memory_space<vmem>>
        %dma_start3A_648 = arith.constant 0 : i32
        %dma_start3A_649 = tpu.memref_slice %arg3[%add3A_643, %dma_start3A_648] : memref<4096x200xi32, #tpu.memory_space<hbm>> -> memref<8x200xi32, #tpu.memory_space<hbm>>
        %dma_start3A_650 = arith.constant 0 : i32
        %dma_start3A_651 = arith.constant 0 : i32
        %dma_start3A_652 = tpu.memref_slice %arg5[%rem3A_640, %dma_start3A_650, %dma_start3A_651] : memref<2x8x200xi32, #tpu.memory_space<vmem>> -> memref<1x8x200xi32, #tpu.memory_space<vmem>>
        %dma_start3A_653 = tpu.memref_squeeze %dma_start3A_652 : memref<1x8x200xi32, #tpu.memory_space<vmem>> -> memref<8x200xi32, #tpu.memory_space<vmem>>
        %dma_start3A_654 = arith.constant 0 : i32
        %dma_start3A_655 = tpu.memref_slice %arg3[%add3A_643, %dma_start3A_654] : memref<4096x200xi32, #tpu.memory_space<hbm>> -> memref<8x200xi32, #tpu.memory_space<hbm>>
        tpu.enqueue_dma source(%dma_start3A_655 : memref<8x200xi32, #tpu.memory_space<hbm>>) target(%dma_start3A_653 : memref<8x200xi32, #tpu.memory_space<vmem>>) target_semaphore(%arg10 : memref<!tpu.dma_semaphore, #tpu.memory_space<semaphore_mem>>)
      } else {
      }
    }
    %scan3A_254 = arith.constant 32 : i32
    return
  }
}

</mosaic_0001>

<sc_bundles>
// kernel: kernel.4.cloned.1.call-start
scs
__scs_entry_jumppad:
0x0: {  	(pc) =	sbr.rel $0x88, $3  }
0x1: {  	(tag) =	ssettag $0x0;
	lr =	simm.s32 $0x1  }
0x2: {  	[smem:$0x3F9E] =	sst lr;
	_ =	strace $0xD0000000  }
0x3: {  	_ = 	snop  }
0x4: {  	_ = 	snop  }
0x5: {  	_ = 	snop  }
0x6: {  	_ = 	snop  }
0x7: {  	_ = 	snop  }
__scs_overlays_trampoline_lowered:
0x8: {  	[smem:$0x3FAD] =	sst s0  }
0x9: {  	[smem:$0x3FAE] =	sst s1  }
0xa: {  	[smem:$0x3FAF] =	sst s2  }
0xb: {  	[smem:$0x3FB0] =	sst s3  }
0xc: {  	[smem:$0x3FB1] =	sst s4  }
0xd: {  	[smem:$0x3FB2] =	sst s5  }
0xe: {  	[smem:$0x3FB3] =	sst s6  }
0xf: {  	[smem:$0x3FB4] =	sst s7  }
0x10: {  	[smem:$0x3FB5] =	sst s8  }
0x11: {  	[smem:$0x3FB6] =	sst s9;
	s0 =	simm.s32 @!p0 $0x0  }
0x12: {  	s1 =	sld [smem:$0x3F9C];
	s0 =	simm.s32 @p0 $0x1  }
0x13: {  	[smem:$0x3FB7] =	sst s0;
	s0 =	simm.s32 @!p1 $0x0  }
0x14: {  	s2 =	sld [smem:$0x3F9B];
	s0 =	simm.s32 @p1 $0x1  }
0x15: {  	[smem:$0x3FB8] =	sst s0;
	s0 =	simm.s32 @!p2 $0x0  }
0x16: {  	s3 =	sld [smem:$0x3FDB];
	s0 =	simm.s32 @p2 $0x1  }
0x17: {  	s4 =	simm.s32 $0x1BF5;
	[smem:$0x3FBA] =	sst s0  }
0x18: {  	s0 =	sld [smem:$0x3F9D];
	_ =	swait.ge [sflag:s4], $0x0  }
0x19: {  	s7 =	sld [smem:$0x3F9E]  }
0x1a: {  	s8 =	sadd.s32 $0xFFFFE003, lr  }
0x1b: {  	s9 =	sadd.s32 $0xFFFFFEF7, lr;
	s5 =	simm.s32 $0xFFFFFFFF;
	p2 =	slt.u32 s8, $0xFFFFF086  }
0x1c: {  	p1 =	slt.u32 s9, $0xF7A;
	s5 =	simm.s32 @!p2 $0x0  }
0x1d: {  	s5 =	simm.s32 @p1 $0x1;
	p0 =	seq.s32 s7, s2  }
0x1e: {  	s7 =	smul.u32 @!p0 $0xF7A, s2;
	p2 =	seq.s32 @!p0 s5, $0x0  }
0x1f: {  	s9 =	smul.u32 $0xF7A, s1;
	s8 =	simm.s32 @!p0 $0x1BF5;
	p2 =	por !p2, p0  }
0x20: {  	[sflag:s8] =	ssyncset.s32 @!p0 $0xFFFFF086;
	s6 =	sadd.s32 @!p0 s3, s7;
	s7 =	simm.s32 @!p0 $0x108  }
0x21: {  	s3 =	sadd.s32 s3, s9;
	s6 =	sadd.s32 @!p0 $0x88, s6;
	s7 =	simm.s32 @p2 $0x1082  }
0x22: {  	[simem:s7], [sflag:s8] =	dma.local @!p0 [hbm:s6], $0xF7A  }
0x23: {  	s9 =	sor.u32 $0xD0000000, s2;
	s6 =	simm.s32 $0x108;
	_ =	swait.ge @!p0 [sflag:s8], $0x0  }
0x24: {  	s3 =	sadd.s32 $0x88, s3;
	s6 =	simm.s32 @!p1 $0x1082;
	[sflag:s4] =	ssyncset.s32 $0xFFFFF086  }
0x25: {  	[simem:s6], [sflag:s4] =	dma.local [hbm:s3], $0xF7A  }
0x26: {  	[smem:$0x3F9E] =	sst s1;
	(tag) =	ssettag s2;
	_ =	strace s9  }
0x27: {  	s1 =	sld [smem:$0x3FAE]  }
0x28: {  	s2 =	sld [smem:$0x3FAF]  }
0x29: {  	s4 =	sld [smem:$0x3FB1]  }
0x2a: {  	p0 =	seq.s32 s5, $0x0;
	s5 =	sld [smem:$0x3FB2]  }
0x2b: {  	s6 =	sld [smem:$0x3FB3]  }
0x2c: {  	s7 =	sld [smem:$0x3FB4]  }
0x2d: {  	s3 =	simm.s32 $0x108;
	s8 =	sld [smem:$0x3FB5]  }
0x2e: {  	s3 =	simm.s32 @!p0 $0x1082;
	s9 =	sld [smem:$0x3FB6]  }
0x2f: {  	lr =	sadd.s32 s0, s3;
	s0 =	sld [smem:$0x3FAD]  }
0x30: {  	s3 =	sld [smem:$0x3FB0]  }
0x31: {  	[smem:$0x3FB9] =	sst s10  }
0x32: {  	s10 =	sld [smem:$0x3FB7];
	_ =	sdelay $0x3  }
0x33: {  	p0 =	seq.s32 s10, $0x1;
	s10 =	sld [smem:$0x3FB9];
	_ =	sdelay $0x3  }
0x34: {  	[smem:$0x3FB9] =	sst s10  }
0x35: {  	s10 =	sld [smem:$0x3FB8];
	_ =	sdelay $0x3  }
0x36: {  	p1 =	seq.s32 s10, $0x1;
	s10 =	sld [smem:$0x3FB9];
	_ =	sdelay $0x3  }
0x37: {  	[smem:$0x3FB9] =	sst s10  }
0x38: {  	s10 =	sld [smem:$0x3FBA]  }
0x39: {  	_ = 	snop;
	(pc) =	sbr.ind lr, $3  }
0x3a: {  	_ = 	snop  }
0x3b: {  	_ = 	snop  }
0x3c: {  	p2 =	seq.s32 s10, $0x1;
	s10 =	sld [smem:$0x3FB9]  }
0x3d: {  	_ =	shalt  }
0x3e: {  	_ =	shalt  }
0x3f: {  	_ =	shalt  }
0x40: {  	_ =	shalt  }
0x41: {  	_ =	shalt  }
0x42: {  	_ =	shalt  }
0x43: {  	_ =	shalt  }
0x44: {  	_ =	shalt  }
0x45: {  	_ =	shalt  }
0x46: {  	_ =	shalt  }
0x47: {  	_ =	shalt  }
0x48: {  	_ =	shalt  }
0x49: {  	_ =	shalt  }
0x4a: {  	_ =	shalt  }
0x4b: {  	_ =	shalt  }
0x4c: {  	_ =	shalt  }
0x4d: {  	_ =	shalt  }
0x4e: {  	_ =	shalt  }
0x4f: {  	_ =	shalt  }
0x50: {  	_ =	shalt  }
0x51: {  	_ =	shalt  }
0x52: {  	_ =	shalt  }
0x53: {  	_ =	shalt  }
0x54: {  	_ =	shalt  }
0x55: {  	_ =	shalt  }
0x56: {  	_ =	shalt  }
0x57: {  	_ =	shalt  }
0x58: {  	_ =	shalt  }
0x59: {  	_ =	shalt  }
0x5a: {  	_ =	shalt  }
0x5b: {  	_ =	shalt  }
0x5c: {  	_ =	shalt  }
0x5d: {  	_ =	shalt  }
0x5e: {  	_ =	shalt  }
0x5f: {  	_ =	shalt  }
0x60: {  	_ =	shalt  }
0x61: {  	_ =	shalt  }
0x62: {  	_ =	shalt  }
0x63: {  	_ =	shalt  }
0x64: {  	_ =	shalt  }
0x65: {  	_ =	shalt  }
0x66: {  	_ =	shalt  }
0x67: {  	_ =	shalt  }
0x68: {  	_ =	shalt  }
0x69: {  	_ =	shalt  }
0x6a: {  	_ =	shalt  }
0x6b: {  	_ =	shalt  }
0x6c: {  	_ =	shalt  }
0x6d: {  	_ =	shalt  }
0x6e: {  	_ =	shalt  }
0x6f: {  	_ =	shalt  }
0x70: {  	_ =	shalt  }
0x71: {  	_ =	shalt  }
0x72: {  	_ =	shalt  }
0x73: {  	_ =	shalt  }
0x74: {  	_ =	shalt  }
0x75: {  	_ =	shalt  }
0x76: {  	_ =	shalt  }
0x77: {  	_ =	shalt  }
0x78: {  	_ =	shalt  }
0x79: {  	_ =	shalt  }
0x7a: {  	_ =	shalt  }
0x7b: {  	_ =	shalt  }
0x7c: {  	_ =	shalt  }
0x7d: {  	_ =	shalt  }
0x7e: {  	_ =	shalt  }
0x7f: {  	_ =	shalt  }
0x80: {  	_ =	shalt  }
0x81: {  	_ =	shalt  }
0x82: {  	_ =	shalt  }
0x83: {  	_ =	shalt  }
0x84: {  	_ =	shalt  }
0x85: {  	_ =	shalt  }
0x86: {  	_ =	shalt  }
0x87: {  	_ =	shalt  }
.Lfunc_end0:
.L_simem_size_0:
called_computation_lowered:
.L_overlay_start_0:
0x88: {  	s2 =	sld [smem:$0x3FD9]  }
0x89: {  	s3 =	sld [smem:$0x3FFE];
	_ =	sdelay $0x1  }
0x8a: {  	s1 =	srdreg.scid  }
0x8b: {  	s0 =	sand.u32 $0x1, s1  }
0x8c: {  	s14 =	sshll.u32 s0, $0xA;
	s2 =	sadd.s32 s3, s2  }
0x8d: {  	s2 =	sadd.s32 s2, s14  }
0x8e: {  	[smem:$0x3FC5] =	sst s2  }
0x8f: {  	_ = 	snop  }
0x90: {  	s2 =	sld [smem:$0x3FD0];
	_ =	sdelay $0x2  }
0x91: {  	s4 =	simm.s32 $0xB;
	s5 =	simm.s32 $0x10;
	s15 =	sld [smem:$0x3FC7]  }
0x92: {  	[smem:s5], [sflag:s4] =	dma.local [hbm:s2], $0x1  }
0x93: {  	_ =	swait.eq [sflag:s4], $0x1  }
0x94: {  	[sflag:s4] =	ssyncset.done $0x0  }
0x95: {  	[sflag:s4] =	ssyncadd.s32 $0xFFFFFFFF  }
0x96: {  	s16 =	sld [smem:$0x11];
	(tm) =	ssettm $0x1  }
0x97: {  	s17 =	sld [smem:$0x3FFB];
	_ =	sdelay $0x3  }
0x98: {  	_ =	strace s17  }
0x99: {  	s4 =	sld [smem:$0x3FFC];
	_ =	sdelay $0x3  }
0x9a: {  	_ =	strace s4  }
0x9b: {  	s4 =	sld [smem:$0x3FFD];
	_ =	sdelay $0x3  }
0x9c: {  	_ =	strace s4  }
0x9d: {  	_ =	strace $0x8FFFFFFF  }
0x9e: {  	s18 =	sld [smem:$0x3FDB];
	_ =	sdelay $0x1  }
0x9f: {  	s19 =	simm.s32 $_scs_section_size  }
0xa0: {  	s6 =	simm.s32 $_size__tile_overlayer_lowered;
	s7 =	simm.s32 $_tile_overlayer_lowered  }
0xa1: {  	s22 =	simm.s32 $0x1BFF;
	s21 =	sshll.u32 s7, $0x1;
	s4 =	sadd.s32 s19, s18  }
0xa2: {  	s8 =	simm.s32 $0x0;
	s20 =	sshll.u32 s6, $0x1;
	s6 =	sadd.s32 s21, s4  }
0xa3: {  	[timem:s8], [sflag:s22] =	dma.local [hbm:s6], s20  }
0xa4: {  	_ =	swait.ge [sflag:s22], s20  }
0xa5: {  	s5 =	ssub.s32 $0x0, s20;
	[sflag:s22] =	ssyncset.done $0x0  }
0xa6: {  	[sflag:s22] =	ssyncadd.s32 s5;
	_ =	sdelay $0x1  }
0xa7: {  	s23 =	simm.s32 $0x1B8B  }
0xa8: {  	_ =	swait.ge [sflag:s23], $0x1  }
0xa9: {  	[sflag:s23] =	ssyncset.done $0x0  }
0xaa: {  	s25 =	simm.s32 $0x1B8E;
	s24 =	sld [smem:$0x3FFE];
	[sflag:s23] =	ssyncadd.s32 $0xFFFFFFFF  }
0xab: {  	s26 =	simm.s32 $execute0_lowered;
	[smem:$0x3FD2] =	sst s25  }
0xac: {  	s6 =	sshll.u32 s26, $0x1;
	_ =	strace $0x80000046;
	[dreg:$0x1] =	wrdreg $0xFFFFFFFF  }
0xad: {  	s28 =	simm.s32 $_size_execute0_lowered;
	s4 =	sadd.s32 s4, s6;
	[dreg:$0x0] =	wrdreg $0x0  }
0xae: {  	s6 =	sshll.u32 s28, $0x1;
	[dreg:$0x2] =	wrdreg s4  }
0xaf: {  	[dreg:$0x3] =	wrdreg s6  }
0xb0: {  	[dreg:$0x4] =	wrdreg $0xC0  }
0xb1: {  	_ =	task [dreg:s8], $0x5FFFF  }
0xb2: {  	[dreg:$0x1] =	wrdreg $0xFFFFFFFF  }
0xb3: {  	[dreg:$0x0] =	wrdreg $0x60  }
0xb4: {  	[dreg:$0x2] =	wrdreg s15  }
0xb5: {  	[dreg:$0x3] =	wrdreg s16  }
0xb6: {  	[dreg:$0x4] =	wrdreg s24  }
0xb7: {  	[dreg:$0x5] =	wrdreg $0x9  }
0xb8: {  	_ =	task.clear_ibuf [dreg:s8], $0x6FFFF;
	_ =	strace $0x90000046  }
0xb9: {  	s29 =	simm.s32 $0x9;
	_ =	strace $0x80000048  }
0xba: {  	_ =	swait.ge [sflag:s29], $0x1  }
0xbb: {  	[sflag:s29] =	ssyncadd.s32 $0xFFFFFFFF  }
0xbc: {  	_ =	strace $0x90000048  }
0xbd: {  	_ =	sfence  }
0xbe: {  	s30 =	sld [smem:$0x0];
	_ =	sdelay $0x2  }
0xbf: {  	s31 =	sshll.u32 s1, $0xD;
	s1 =	sshrl.u32 s1, $0x2  }
0xc0: {  	s3 =	sand.u32 $0x4000, s31;
	s1 =	sadd.s32 s1, s30  }
0xc1: {  	s0 =	sor.u32 s3, s0;
	s1 =	sshll.u32 s1, $0x11  }
0xc2: {  	s0 =	sor.u32 s1, s0  }
0xc3: {  	s0 =	sadd.s32 $0x8F2B, s0  }
0xc4: {  	[sflag:s0] =	ssyncadd.remote.s32 $0x1  }
0xc5: {  	_ =	sfence.sel $0xFFFF  }
0xc6: {  	[dreg:$0x0] =	wrdreg $0xFFFFFFFF;
	(pc) =	sbr.abs _section_cstart, $3  }
0xc7: {  	[dreg:$0x1] =	wrdreg $0xFFFFFFFF  }
0xc8: {  	_ =	task.clear_ibuf [dreg:s8], $0x2FFFF;
	_ =	strace $0x9FFFFFFF  }
0xc9: {  	(tm) =	ssettm $0x7FFFFFFF  }
tec
execute0_lowered:
.L_overlay_start_1:
0x0: {  	(tag) =	ssettag $0x1  }
0x1: {  	s1 =	rddreg [dreg:$0x0]  }
0x2: {  	s0 =	rddreg [dreg:$0x1]  }
0x3: {  	s2 =	rddreg [dreg:$0x2]  }
0x4: {  	s3 =	srdreg.scid;
	s8 =	stileid.u32  }
0x5: {  	s16 =	simm.s32 $0x6400;
	s17 =	simm.s32 $0x200;
	s18 =	simm.s32 $0x7000  }
0x6: {  	s19 =	simm.s32 $0x280;
	s20 =	simm.s32 $0x7C00;
	s21 =	simm.s32 $0x300  }
0x7: {  	s22 =	simm.s32 $0x8800;
	s23 =	simm.s32 $0x1;
	s24 =	simm.s32 $0x380  }
0x8: {  	s25 =	simm.s32 $0x9400;
	s26 =	simm.s32 $0x10;
	s28 =	simm.s32 $0x0  }
0x9: {  	s4 =	sand.u32 $0x1, s3;
	s3 =	simm.s32 $0x0;
	s5 =	sshll.u32 s8, $0x8  }
0xa: {  	s2 =	sadd.s32 $0xA00, s2;
	s8 =	smul.u32 $0x18000, s8;
	s6 =	sshll.u32 s4, $0x7  }
0xb: {  	[smem:$0x7FF] =	sst s3;
	s7 =	ssub.s32 $0x2, s4;
	s10 =	smul.u32 $0xC000, s4  }
0xc: {  	s5 =	sor.u32 s6, s5;
	_ =	strace $0x80000047;
	s9 =	sshrl.u32 s7, $0x1  }
0xd: {  	s31 =	sadd.s32 s8, s2;
	s8 =	simm.s32 $0x11;
	s6 =	smul.u32 $0x180, s5  }
0xe: {  	s5 =	sshll.u32 s5, $0x4;
	s7 =	ssub.s32 s7, s9;
	s9 =	simm.s32 $0x14  }
0xf: {  	s4 =	sadd.s32 s0, s5;
	s5 =	smax.u32 s7, $0x1;
	s0 =	sadd.s32 s10, s31  }
0x10: {  	s10 =	simm.s32 $0x4000;
	s6 =	sadd.s32 s2, s6;
	s7 =	sadd.s32 $0x180, s0  }
.LBB2_1:
0x11: {  	[tilespmem:s3], [sflag:$0x11] =	stream.linear.gather [hbm4b:s4+s3], $0x4000, $0x38;
	[tilespmem:$0xA000] =	vst v63  }
0x12: {  	_ =	swait.ge [sflag:s8], $0x4000  }
0x13: {  	[sflag:s8] =	ssyncset.done $0x0  }
0x14: {  	[sflag:s8] =	ssyncadd.s32 $0xFFFFC000  }
0x15: {  	[tilespmem:s10], [sflag:$0x1] =	stream.indirect.gather [hbm4b:s1+s9], $0x80, s3, s9, $0xb8;
	[tilespmem:$0xA000] =	vst v63  }
0x16: {  	s0 =	simm.s32 $0x80;
	s2 =	simm.s32 $0x4C00  }
0x17: {  	[tilespmem:s2], [sflag:$0x2] =	stream.indirect.gather [hbm4b:s1+s9], $0x80, s0, s9, $0xb8;
	[tilespmem:$0xA000] =	vst v63  }
0x18: {  	s11 =	simm.s32 $0x100;
	s12 =	simm.s32 $0x5800  }
0x19: {  	[tilespmem:s12], [sflag:$0x3] =	stream.indirect.gather [hbm4b:s1+s9], $0x80, s11, s9, $0xb8;
	[tilespmem:$0xA000] =	vst v63  }
0x1a: {  	s13 =	simm.s32 $0x180  }
0x1b: {  	[tilespmem:s16], [sflag:$0x4] =	stream.indirect.gather [hbm4b:s1+s9], $0x80, s13, s9, $0xb8;
	[tilespmem:$0xA000] =	vst v63  }
0x1c: {  	_ = 	snop  }
0x1d: {  	[tilespmem:s18], [sflag:$0x5] =	stream.indirect.gather [hbm4b:s1+s9], $0x80, s17, s9, $0xb8;
	[tilespmem:$0xA000] =	vst v63  }
0x1e: {  	_ = 	snop  }
0x1f: {  	[tilespmem:s20], [sflag:$0x6] =	stream.indirect.gather [hbm4b:s1+s9], $0x80, s19, s9, $0xb8;
	[tilespmem:$0xA000] =	vst v63  }
0x20: {  	_ = 	snop  }
0x21: {  	[tilespmem:s22], [sflag:$0x7] =	stream.indirect.gather [hbm4b:s1+s9], $0x80, s21, s9, $0xb8;
	[tilespmem:$0xA000] =	vst v63  }
0x22: {  	s14 =	simm.s32 $0x8;
	_ =	swait.ge [sflag:s23], $0xA00  }
0x23: {  	s15 =	simm.s32 $0x1;
	s29 =	simm.s32 $0x400;
	[sflag:s23] =	ssyncset.done $0x0  }
0x24: {  	s30 =	simm.s32 $0x9;
	s2 =	sand.u32 $0x7, s15;
	[sflag:s23] =	ssyncadd.s32 $0xFFFFF600  }
0x25: {  	[hbm4b:s6+s3] =	stream.linear.scatter [tilespmem:s10], [sflag:$0x9], $0xA00, $0x38;
	[tilespmem:$0xA000] =	vst v63  }
0x26: {  	p0 =	por $0x0, $0x0;
	s11 =	sadd.s32 $0x1, s2;
	s12 =	smul.u32 $0x3000, s2  }
0x27: {  	[tilespmem:s25], [sflag:$0x8] =	stream.indirect.gather [hbm4b:s1+s9], $0x80, s24, s9, $0xb8;
	[tilespmem:$0xA000] =	vst v63  }
0x28: {  	s0 =	sand.u32 $0x7, s14;
	s2 =	sadd.s32 $0x9, s2;
	_ =	swait.ge [sflag:s11], $0xA00  }
0x29: {  	s13 =	sadd.s32 $0x9, s0;
	s12 =	sshrl.u32 s12, $0x2;
	[sflag:s11] =	ssyncset.done $0x0  }
0x2a: {  	s12 =	sadd.s32 $0x4000, s12;
	[sflag:s11] =	ssyncadd.s32 $0xFFFFF600;
	s11 =	smul.u32 @!p0 $0x3000, s0  }
0x2b: {  	[hbm4b:s7+s3] =	stream.linear.scatter [tilespmem:s12], [sflag:s2], $0xA00, $0x38;
	[tilespmem:$0xA000] =	vst v63  }
0x2c: {  	s31 =	sadd.s32 $0x180, s7;
	s2 =	sadd.s32 @!p0 $0x1, s0;
	_ =	swait.ge [sflag:s13], $0xA00  }
0x2d: {  	s12 =	simm.s32 @!p0 $0x14;
	s11 =	sshrl.u32 @!p0 s11, $0x2;
	[sflag:s13] =	ssyncset.done $0x0  }
0x2e: {  	s0 =	simm.s32 $0x480;
	s11 =	sadd.s32 @!p0 $0x4000, s11;
	[sflag:s13] =	ssyncadd.s32 $0xFFFFF600  }
.LBB2_2:
0x2f: {  	[tilespmem:s11], [sflag:s2] =	stream.indirect.gather @!p0 [hbm4b:s1+s12], $0x80, s29, s12, $0xb8;
	[tilespmem:$0xA000] =	vst v63  }
0x30: {  	s2 =	smov.u32 s30;
	s29 =	smov.u32 s0  }
0x31: {  	s30 =	sadd.s32 $0x1, s30;
	s11 =	sadd.s32 $0xFFFFFFF9, s2  }
0x32: {  	s2 =	sand.u32 $0x7, s2;
	p1 =	sne.s32 s30, $0x87;
	s12 =	sand.u32 $0x7, s11  }
0x33: {  	s13 =	sadd.s32 $0x1, s12;
	s14 =	sadd.s32 $0x9, s12;
	s12 =	smul.u32 $0x3000, s12  }
0x34: {  	s15 =	sadd.s32 $0x9, s2;
	p0 =	sgt.u32 s11, $0x78;
	_ =	swait.ge [sflag:s13], $0xA00  }
0x35: {  	[sflag:s13] =	ssyncset.done $0x0;
	s11 =	sshrl.u32 s12, $0x2;
	s12 =	smul.u32 @!p0 $0x3000, s2  }
.Ltmp0:
0x36: {  	[sflag:s13] =	ssyncadd.s32 $0xFFFFF600;
	s11 =	sadd.s32 $0x4000, s11;
	(pc) =	sbr.rel @p1 .LBB2_2-.Ltmp0, $4  }
0x37: {  	[hbm4b:s31+s3] =	stream.linear.scatter [tilespmem:s11], [sflag:s14], $0xA00, $0x38;
	[tilespmem:$0xA000] =	vst v63  }
0x38: {  	s2 =	sadd.s32 @!p0 $0x1, s2;
	s11 =	sshrl.u32 @!p0 s12, $0x2;
	_ =	swait.ge [sflag:s15], $0xA00  }
0x39: {  	s31 =	sadd.s32 $0x180, s31;
	s11 =	sadd.s32 @!p0 $0x4000, s11;
	[sflag:s15] =	ssyncset.done $0x0  }
0x3a: {  	s0 =	sadd.s32 $0x80, s0;
	s12 =	simm.s32 @!p0 $0x14;
	[sflag:s15] =	ssyncadd.s32 $0xFFFFF600  }
0x3b: {  	[tilespmem:s11], [sflag:s2] =	stream.indirect.gather @!p0 [hbm4b:s1+s12], $0x80, s29, s12, $0xb8;
	[tilespmem:$0xA000] =	vst v63  }
0x3c: {  	s28 =	sadd.s32 $0x1, s28  }
0x3d: {  	p0 =	sne.s32 s28, s5  }
.Ltmp1:
0x3e: {  	_ = 	snop;
	(pc) =	sbr.rel @p0 .LBB2_1-.Ltmp1, $4  }
0x3f: {  	_ = 	snop  }
0x40: {  	_ =	swait.ge [sflag:s26], $0xA00  }
0x41: {  	[sflag:s26] =	ssyncset.done $0x0  }
0x42: {  	[sflag:s26] =	ssyncadd.s32 $0xFFFFF600  }
0x43: {  	_ =	sfence.sel $0x180000  }
0x44: {  	[bflag:$0x0] =	sbarrier.arrive $0xFFFF  }
0x45: {  	_ =	strace $0x90000047  }
0x46: {  	s0 =	stileid.u32;
	[bflag:$0x2] =	sbarrier.arrive $0xFFFF  }
0x47: {  	p0 =	sne.s32 s0, $0x0;
	s0 =	rddreg [dreg:$0x3]  }
0x48: {  	s0 =	sadd.s32 @!p0 $0x100000, s0  }
0x49: {  	[sflag:s0] =	ssyncadd.tile.s32 @!p0 $0x1;
	_ =	shalt  }
.Lfunc_end2:
_tile_overlayer_lowered:
.L_overlay_start_2:
0x4a: {  	(tag) =	ssettag $0x2  }
0x4b: {  	s0 =	rddreg [dreg:$0x0];
	s2 =	stileid.u32  }
0x4c: {  	s1 =	rddreg [dreg:$0x1];
	p0 =	sne.s32 s2, $0x0  }
0x4d: {  	s3 =	rddreg [dreg:$0x2];
	[bflag:$0x3] =	sbarrier.arrive $0xFFFF;
	s2 =	simm.s32 @!p0 $0x1C11  }
0x4e: {  	[timem:s3], [sflag:s2] =	dma.local @!p0 [hbm:s0], s1  }
0x4f: {  	s0 =	simm.s32 @!p0 $0x11  }
0x50: {  	_ =	swait.ge @!p0 [sflag:s0], s1  }
0x51: {  	s1 =	ssub.s32 @!p0 $0x0, s1;
	[sflag:s0] =	ssyncset.done @!p0 $0x0  }
0x52: {  	[sflag:s0] =	ssyncadd.s32 @!p0 s1  }
0x53: {  	[bflag:$0x3] =	sbarrier.arrive $0xFFFF  }
0x54: {  	_ =	shalt  }

// kernel: kernel.7.cloned.1.call-start
scs
__scs_entry_jumppad:
0x0: {  	(pc) =	sbr.rel $0x88, $3  }
0x1: {  	(tag) =	ssettag $0x0;
	lr =	simm.s32 $0x1  }
0x2: {  	[smem:$0x3F9E] =	sst lr;
	_ =	strace $0xD0000000  }
0x3: {  	_ = 	snop  }
0x4: {  	_ = 	snop  }
0x5: {  	_ = 	snop  }
0x6: {  	_ = 	snop  }
0x7: {  	_ = 	snop  }
__scs_overlays_trampoline_lowered:
0x8: {  	[smem:$0x3FAD] =	sst s0  }
0x9: {  	[smem:$0x3FAE] =	sst s1  }
0xa: {  	[smem:$0x3FAF] =	sst s2  }
0xb: {  	[smem:$0x3FB0] =	sst s3  }
0xc: {  	[smem:$0x3FB1] =	sst s4  }
0xd: {  	[smem:$0x3FB2] =	sst s5  }
0xe: {  	[smem:$0x3FB3] =	sst s6  }
0xf: {  	[smem:$0x3FB4] =	sst s7  }
0x10: {  	[smem:$0x3FB5] =	sst s8  }
0x11: {  	[smem:$0x3FB6] =	sst s9;
	s0 =	simm.s32 @!p0 $0x0  }
0x12: {  	s1 =	sld [smem:$0x3F9C];
	s0 =	simm.s32 @p0 $0x1  }
0x13: {  	[smem:$0x3FB7] =	sst s0;
	s0 =	simm.s32 @!p1 $0x0  }
0x14: {  	s2 =	sld [smem:$0x3F9B];
	s0 =	simm.s32 @p1 $0x1  }
0x15: {  	[smem:$0x3FB8] =	sst s0;
	s0 =	simm.s32 @!p2 $0x0  }
0x16: {  	s3 =	sld [smem:$0x3FDB];
	s0 =	simm.s32 @p2 $0x1  }
0x17: {  	s4 =	simm.s32 $0x1BF5;
	[smem:$0x3FBA] =	sst s0  }
0x18: {  	s0 =	sld [smem:$0x3F9D];
	_ =	swait.ge [sflag:s4], $0x0  }
0x19: {  	s7 =	sld [smem:$0x3F9E]  }
0x1a: {  	s8 =	sadd.s32 $0xFFFFE003, lr  }
0x1b: {  	s9 =	sadd.s32 $0xFFFFFEF7, lr;
	s5 =	simm.s32 $0xFFFFFFFF;
	p2 =	slt.u32 s8, $0xFFFFF086  }
0x1c: {  	p1 =	slt.u32 s9, $0xF7A;
	s5 =	simm.s32 @!p2 $0x0  }
0x1d: {  	s5 =	simm.s32 @p1 $0x1;
	p0 =	seq.s32 s7, s2  }
0x1e: {  	s7 =	smul.u32 @!p0 $0xF7A, s2;
	p2 =	seq.s32 @!p0 s5, $0x0  }
0x1f: {  	s9 =	smul.u32 $0xF7A, s1;
	s8 =	simm.s32 @!p0 $0x1BF5;
	p2 =	por !p2, p0  }
0x20: {  	[sflag:s8] =	ssyncset.s32 @!p0 $0xFFFFF086;
	s6 =	sadd.s32 @!p0 s3, s7;
	s7 =	simm.s32 @!p0 $0x108  }
0x21: {  	s3 =	sadd.s32 s3, s9;
	s6 =	sadd.s32 @!p0 $0x88, s6;
	s7 =	simm.s32 @p2 $0x1082  }
0x22: {  	[simem:s7], [sflag:s8] =	dma.local @!p0 [hbm:s6], $0xF7A  }
0x23: {  	s9 =	sor.u32 $0xD0000000, s2;
	s6 =	simm.s32 $0x108;
	_ =	swait.ge @!p0 [sflag:s8], $0x0  }
0x24: {  	s3 =	sadd.s32 $0x88, s3;
	s6 =	simm.s32 @!p1 $0x1082;
	[sflag:s4] =	ssyncset.s32 $0xFFFFF086  }
0x25: {  	[simem:s6], [sflag:s4] =	dma.local [hbm:s3], $0xF7A  }
0x26: {  	[smem:$0x3F9E] =	sst s1;
	(tag) =	ssettag s2;
	_ =	strace s9  }
0x27: {  	s1 =	sld [smem:$0x3FAE]  }
0x28: {  	s2 =	sld [smem:$0x3FAF]  }
0x29: {  	s4 =	sld [smem:$0x3FB1]  }
0x2a: {  	p0 =	seq.s32 s5, $0x0;
	s5 =	sld [smem:$0x3FB2]  }
0x2b: {  	s6 =	sld [smem:$0x3FB3]  }
0x2c: {  	s7 =	sld [smem:$0x3FB4]  }
0x2d: {  	s3 =	simm.s32 $0x108;
	s8 =	sld [smem:$0x3FB5]  }
0x2e: {  	s3 =	simm.s32 @!p0 $0x1082;
	s9 =	sld [smem:$0x3FB6]  }
0x2f: {  	lr =	sadd.s32 s0, s3;
	s0 =	sld [smem:$0x3FAD]  }
0x30: {  	s3 =	sld [smem:$0x3FB0]  }
0x31: {  	[smem:$0x3FB9] =	sst s10  }
0x32: {  	s10 =	sld [smem:$0x3FB7];
	_ =	sdelay $0x3  }
0x33: {  	p0 =	seq.s32 s10, $0x1;
	s10 =	sld [smem:$0x3FB9];
	_ =	sdelay $0x3  }
0x34: {  	[smem:$0x3FB9] =	sst s10  }
0x35: {  	s10 =	sld [smem:$0x3FB8];
	_ =	sdelay $0x3  }
0x36: {  	p1 =	seq.s32 s10, $0x1;
	s10 =	sld [smem:$0x3FB9];
	_ =	sdelay $0x3  }
0x37: {  	[smem:$0x3FB9] =	sst s10  }
0x38: {  	s10 =	sld [smem:$0x3FBA]  }
0x39: {  	_ = 	snop;
	(pc) =	sbr.ind lr, $3  }
0x3a: {  	_ = 	snop  }
0x3b: {  	_ = 	snop  }
0x3c: {  	p2 =	seq.s32 s10, $0x1;
	s10 =	sld [smem:$0x3FB9]  }
0x3d: {  	_ =	shalt  }
0x3e: {  	_ =	shalt  }
0x3f: {  	_ =	shalt  }
0x40: {  	_ =	shalt  }
0x41: {  	_ =	shalt  }
0x42: {  	_ =	shalt  }
0x43: {  	_ =	shalt  }
0x44: {  	_ =	shalt  }
0x45: {  	_ =	shalt  }
0x46: {  	_ =	shalt  }
0x47: {  	_ =	shalt  }
0x48: {  	_ =	shalt  }
0x49: {  	_ =	shalt  }
0x4a: {  	_ =	shalt  }
0x4b: {  	_ =	shalt  }
0x4c: {  	_ =	shalt  }
0x4d: {  	_ =	shalt  }
0x4e: {  	_ =	shalt  }
0x4f: {  	_ =	shalt  }
0x50: {  	_ =	shalt  }
0x51: {  	_ =	shalt  }
0x52: {  	_ =	shalt  }
0x53: {  	_ =	shalt  }
0x54: {  	_ =	shalt  }
0x55: {  	_ =	shalt  }
0x56: {  	_ =	shalt  }
0x57: {  	_ =	shalt  }
0x58: {  	_ =	shalt  }
0x59: {  	_ =	shalt  }
0x5a: {  	_ =	shalt  }
0x5b: {  	_ =	shalt  }
0x5c: {  	_ =	shalt  }
0x5d: {  	_ =	shalt  }
0x5e: {  	_ =	shalt  }
0x5f: {  	_ =	shalt  }
0x60: {  	_ =	shalt  }
0x61: {  	_ =	shalt  }
0x62: {  	_ =	shalt  }
0x63: {  	_ =	shalt  }
0x64: {  	_ =	shalt  }
0x65: {  	_ =	shalt  }
0x66: {  	_ =	shalt  }
0x67: {  	_ =	shalt  }
0x68: {  	_ =	shalt  }
0x69: {  	_ =	shalt  }
0x6a: {  	_ =	shalt  }
0x6b: {  	_ =	shalt  }
0x6c: {  	_ =	shalt  }
0x6d: {  	_ =	shalt  }
0x6e: {  	_ =	shalt  }
0x6f: {  	_ =	shalt  }
0x70: {  	_ =	shalt  }
0x71: {  	_ =	shalt  }
0x72: {  	_ =	shalt  }
0x73: {  	_ =	shalt  }
0x74: {  	_ =	shalt  }
0x75: {  	_ =	shalt  }
0x76: {  	_ =	shalt  }
0x77: {  	_ =	shalt  }
0x78: {  	_ =	shalt  }
0x79: {  	_ =	shalt  }
0x7a: {  	_ =	shalt  }
0x7b: {  	_ =	shalt  }
0x7c: {  	_ =	shalt  }
0x7d: {  	_ =	shalt  }
0x7e: {  	_ =	shalt  }
0x7f: {  	_ =	shalt  }
0x80: {  	_ =	shalt  }
0x81: {  	_ =	shalt  }
0x82: {  	_ =	shalt  }
0x83: {  	_ =	shalt  }
0x84: {  	_ =	shalt  }
0x85: {  	_ =	shalt  }
0x86: {  	_ =	shalt  }
0x87: {  	_ =	shalt  }
.Lfunc_end0:
.L_simem_size_0:
called_computation.1_lowered:
.L_overlay_start_0:
0x88: {  	s2 =	sld [smem:$0x3FD9]  }
0x89: {  	s3 =	sld [smem:$0x3FFE];
	_ =	sdelay $0x1  }
0x8a: {  	s1 =	srdreg.scid  }
0x8b: {  	s0 =	sand.u32 $0x1, s1  }
0x8c: {  	s15 =	sshll.u32 s0, $0xA;
	s2 =	sadd.s32 s3, s2  }
0x8d: {  	s2 =	sadd.s32 s2, s15  }
0x8e: {  	[smem:$0x3FC5] =	sst s2  }
0x8f: {  	_ = 	snop  }
0x90: {  	s16 =	sld [smem:$0x3FD0];
	_ =	sdelay $0x2  }
0x91: {  	s4 =	simm.s32 $0xB;
	s5 =	simm.s32 $0x10;
	s2 =	sld [smem:$0x3FC7]  }
0x92: {  	[smem:s5], [sflag:s4] =	dma.local [hbm:s16], $0x1  }
0x93: {  	_ =	swait.eq [sflag:s4], $0x1  }
0x94: {  	[sflag:s4] =	ssyncset.done $0x0  }
0x95: {  	[sflag:s4] =	ssyncadd.s32 $0xFFFFFFFF  }
0x96: {  	s17 =	sld [smem:$0x10];
	(tm) =	ssettm $0x1  }
0x97: {  	s18 =	sld [smem:$0x3FFB];
	_ =	sdelay $0x3  }
0x98: {  	_ =	strace s18  }
0x99: {  	s3 =	sld [smem:$0x3FFC];
	_ =	sdelay $0x3  }
0x9a: {  	_ =	strace s3  }
0x9b: {  	s3 =	sld [smem:$0x3FFD];
	_ =	sdelay $0x3  }
0x9c: {  	_ =	strace s3  }
0x9d: {  	_ =	strace $0x8FFFFFFF  }
0x9e: {  	s19 =	sld [smem:$0x3FDB];
	_ =	sdelay $0x1  }
0x9f: {  	s20 =	simm.s32 $_scs_section_size  }
0xa0: {  	s6 =	simm.s32 $_size__tile_overlayer_lowered;
	s7 =	simm.s32 $_tile_overlayer_lowered  }
0xa1: {  	s8 =	simm.s32 $0x1BFF;
	s21 =	sshll.u32 s7, $0x1;
	s5 =	sadd.s32 s20, s19  }
0xa2: {  	s22 =	simm.s32 $0x0;
	s6 =	sshll.u32 s6, $0x1;
	s7 =	sadd.s32 s21, s5  }
0xa3: {  	[timem:s22], [sflag:s8] =	dma.local [hbm:s7], s6  }
0xa4: {  	_ =	swait.ge [sflag:s8], s6  }
0xa5: {  	s6 =	ssub.s32 $0x0, s6;
	[sflag:s8] =	ssyncset.done $0x0  }
0xa6: {  	[sflag:s8] =	ssyncadd.s32 s6;
	_ =	sdelay $0x1  }
0xa7: {  	s23 =	simm.s32 $0x1B8B  }
0xa8: {  	_ =	swait.ge [sflag:s23], $0x1  }
0xa9: {  	[sflag:s23] =	ssyncset.done $0x0  }
0xaa: {  	[sflag:s23] =	ssyncadd.s32 $0xFFFFFFFF  }
0xab: {  	s6 =	sld [smem:$0x0]  }
0xac: {  	s7 =	sand.u32 $0xFFFFFFFE, s1  }
0xad: {  	p0 =	sne.s32 s1, s7  }
0xae: {  	s7 =	sshll.u32 @p0 s7, $0xE  }
0xaf: {  	s7 =	sadd.s32 @p0 $0x11B8D, s7;
	s8 =	sshll.u32 @p0 s6, $0x11  }
0xb0: {  	s7 =	sor.u32 @p0 s8, s7  }
0xb1: {  	[sflag:s7] =	ssyncadd.remote.s32 @p0 $0x1;
	_ =	sdelay $0x1  }
0xb2: {  	s7 =	simm.s32 @p0 $0x1B8D  }
0xb3: {  	_ =	swait.eq @p0 [sflag:s7], $0x1  }
0xb4: {  	[sflag:s7] =	ssyncadd.s32 @p0 $0xFFFFFFFF  }
0xb5: {  	s8 =	sshll.u32 @!p0 s1, $0xE  }
0xb6: {  	s8 =	sor.u32 @!p0 $0x4000, s8;
	s7 =	simm.s32 @!p0 $0x1B8D  }
0xb7: {  	s6 =	sshll.u32 @!p0 s6, $0x11;
	s8 =	sadd.s32 @!p0 $0x11B8D, s8;
	_ =	swait.eq @!p0 [sflag:s7], $0x1  }
0xb8: {  	s6 =	sor.u32 @!p0 s6, s8;
	[sflag:s7] =	ssyncadd.s32 @!p0 $0xFFFFFFFF  }
0xb9: {  	s25 =	simm.s32 $0x1B8E;
	s24 =	sld [smem:$0x3FFE];
	[sflag:s6] =	ssyncadd.remote.s32 @!p0 $0x1  }
0xba: {  	s26 =	simm.s32 $execute0_lowered;
	[smem:$0x3FD2] =	sst s25  }
0xbb: {  	s7 =	sshll.u32 s26, $0x1;
	_ =	strace $0x80000049;
	[dreg:$0x1] =	wrdreg $0xFFFFFFFF  }
0xbc: {  	s28 =	simm.s32 $_size_execute0_lowered;
	s5 =	sadd.s32 s5, s7;
	[dreg:$0x0] =	wrdreg $0x0  }
0xbd: {  	s7 =	sshll.u32 s28, $0x1;
	[dreg:$0x2] =	wrdreg s5  }
0xbe: {  	[dreg:$0x3] =	wrdreg s7  }
0xbf: {  	[dreg:$0x4] =	wrdreg $0xC0  }
0xc0: {  	_ =	task [dreg:s22], $0x5FFFF  }
0xc1: {  	[dreg:$0x1] =	wrdreg $0xFFFFFFFF  }
0xc2: {  	[dreg:$0x0] =	wrdreg $0x60  }
0xc3: {  	[dreg:$0x2] =	wrdreg s2  }
0xc4: {  	[dreg:$0x3] =	wrdreg s24  }
0xc5: {  	[dreg:$0x4] =	wrdreg s17  }
0xc6: {  	[dreg:$0x5] =	wrdreg $0xA  }
0xc7: {  	_ =	task.clear_ibuf [dreg:s22], $0x6FFFF;
	_ =	strace $0x90000049  }
0xc8: {  	s29 =	simm.s32 $0xA;
	_ =	strace $0x8000004B  }
0xc9: {  	_ =	swait.ge [sflag:s29], $0x1  }
0xca: {  	[sflag:s29] =	ssyncadd.s32 $0xFFFFFFFF  }
0xcb: {  	_ =	strace $0x9000004B  }
0xcc: {  	_ =	sfence  }
0xcd: {  	s30 =	sld [smem:$0x0];
	_ =	sdelay $0x2  }
0xce: {  	s31 =	sshll.u32 s1, $0xD;
	s1 =	sshrl.u32 s1, $0x2  }
0xcf: {  	s4 =	sand.u32 $0x4000, s31;
	s1 =	sadd.s32 s1, s30  }
0xd0: {  	s0 =	sor.u32 s4, s0;
	s1 =	sshll.u32 s1, $0x11  }
0xd1: {  	s0 =	sor.u32 s1, s0  }
0xd2: {  	s0 =	sadd.s32 $0x8F2B, s0  }
0xd3: {  	[sflag:s0] =	ssyncadd.remote.s32 $0x1  }
0xd4: {  	_ =	sfence.sel $0xFFFF  }
0xd5: {  	[dreg:$0x0] =	wrdreg $0xFFFFFFFF;
	(pc) =	sbr.abs _section_cstart, $3  }
0xd6: {  	[dreg:$0x1] =	wrdreg $0xFFFFFFFF  }
0xd7: {  	_ =	task.clear_ibuf [dreg:s22], $0x2FFFF;
	_ =	strace $0x9FFFFFFF  }
0xd8: {  	(tm) =	ssettm $0x7FFFFFFF  }
0xd9: {  	_ =	shalt  }
tec
execute0_lowered:
.L_overlay_start_1:
0x0: {  	(tag) =	ssettag $0x1  }
0x1: {  	s1 =	rddreg [dreg:$0x0]  }
0x2: {  	s0 =	rddreg [dreg:$0x1]  }
0x3: {  	s2 =	rddreg [dreg:$0x2]  }
0x4: {  	s3 =	simm.s32 $0x0;
	s4 =	srdreg.scid;
	s7 =	stileid.u32  }
0x5: {  	s28 =	simm.s32 $0x17C00;
	s29 =	simm.s32 $0x6;
	s31 =	simm.s32 $0x3  }
0x6: {  	s30 =	simm.s32 $0x17C00;
	[smem:$0x7FF] =	sst s3;
	s4 =	sand.u32 $0x1, s4  }
0x7: {  	s5 =	sshll.u32 s7, $0xD;
	s7 =	smul.u32 $0x640000, s7;
	s6 =	sshll.u32 s4, $0xC  }
0x8: {  	s8 =	ssub.s32 $0x2, s4;
	s4 =	smul.u32 $0x320000, s4;
	_ =	strace $0x8000004A  }
0x9: {  	s5 =	sor.u32 s6, s5;
	s9 =	sshrl.u32 s8, $0x1;
	s6 =	simm.s32 $0x9  }
0xa: {  	s0 =	sadd.s32 s5, s0;
	s5 =	ssub.s32 s8, s9;
	s4 =	sadd.s32 s4, s7  }
0xb: {  	s7 =	simm.s32 $0xA;
	s8 =	simm.s32 $0xE;
	s9 =	simm.s32 $0xB  }
0xc: {  	s10 =	sadd.s32 $0x180A00, s0;
	s11 =	sadd.s32 $0x180B00, s0;
	s5 =	smax.u32 s5, $0x1  }
0xd: {  	s12 =	sor.u32 $0x12C00, s4;
	s0 =	sadd.s32 $0x180C00, s0;
	s14 =	sor.u32 $0x16C00, s4  }
0xe: {  	s16 =	sor.u32 $0xC800, s4;
	s18 =	sor.u32 $0x10800, s4;
	[dreg:$0x4] =	wrdreg s10  }
0xf: {  	s20 =	sor.u32 $0x6400, s4;
	s22 =	sor.u32 $0xA400, s4;
	[dreg:$0x5] =	wrdreg s11  }
0x10: {  	s24 =	sor.u32 $0x4000, s4;
	s4 =	sshrl.u32 s4, $0x3;
	[dreg:$0x6] =	wrdreg s5  }
0x11: {  	[dreg:$0x7] =	wrdreg s0;
	s13 =	sshrl.u32 s12, $0x3;
	s15 =	sshrl.u32 s14, $0x3  }
0x12: {  	s17 =	sshrl.u32 s16, $0x3;
	s19 =	sshrl.u32 s18, $0x3;
	s21 =	sshrl.u32 s20, $0x3  }
0x13: {  	s23 =	sshrl.u32 s22, $0x3;
	s25 =	sshrl.u32 s24, $0x3;
	s26 =	sadd.s32 s4, s2  }
0x14: {  	s18 =	simm.s32 $0x9000;
	s20 =	simm.s32 $0xD000;
	s22 =	simm.s32 $0x1  }
0x15: {  	s24 =	simm.s32 $0x5;
	s4 =	simm.s32 $0x4;
	s5 =	simm.s32 $0x8  }
0x16: {  	s16 =	simm.s32 $0xD;
	s10 =	simm.s32 $0xF;
	s11 =	simm.s32 $0xC  }
0x17: {  	s12 =	simm.s32 $0x10;
	s0 =	sadd.s32 s13, s2;
	[dreg:$0xf] =	wrdreg s26  }
0x18: {  	s14 =	simm.s32 $0x0;
	[dreg:$0x8] =	wrdreg s0;
	s0 =	sadd.s32 s15, s2  }
0x19: {  	s26 =	simm.s32 $0x2;
	[dreg:$0x9] =	wrdreg s0;
	s0 =	sadd.s32 s17, s2  }
0x1a: {  	s15 =	simm.s32 $0x13400;
	s17 =	simm.s32 $0x80;
	[dreg:$0xa] =	wrdreg s0  }
.Ltmp0:
0x1b: {  	s0 =	sadd.s32 s19, s2;
	s19 =	simm.s32 $0x48;
	(pc) =	sbr.rel .LBB2_1-.Ltmp0, $4  }
0x1c: {  	[dreg:$0xb] =	wrdreg s0;
	s0 =	sadd.s32 s21, s2;
	s21 =	simm.s32 $0x11000  }
0x1d: {  	[dreg:$0xc] =	wrdreg s0;
	s0 =	sadd.s32 s23, s2;
	s23 =	simm.s32 $0x1000  }
0x1e: {  	[dreg:$0xd] =	wrdreg s0;
	s0 =	sadd.s32 s25, s2;
	s25 =	simm.s32 $0x5000  }
0x1f: {  	s2 =	simm.s32 $0x7;
	[dreg:$0xe] =	wrdreg s0;
	s0 =	simm.s32 $0x15800  }
.LBB2_3:
0x20: {  	_ =	swait.ge [sflag:s16], $0x2400  }
0x21: {  	[sflag:s16] =	ssyncset.done $0x0  }
0x22: {  	[sflag:s16] =	ssyncadd.s32 $0xFFFFDC00  }
0x23: {  	_ =	swait.ge [sflag:s7], $0x4000  }
0x24: {  	[sflag:s7] =	ssyncset.done $0x0  }
0x25: {  	[sflag:s7] =	ssyncadd.s32 $0xFFFFC000  }
0x26: {  	_ =	swait.ge [sflag:s8], $0x2400  }
0x27: {  	[sflag:s8] =	ssyncset.done $0x0  }
0x28: {  	[sflag:s8] =	ssyncadd.s32 $0xFFFFDC00  }
0x29: {  	_ =	swait.ge [sflag:s9], $0x4000  }
0x2a: {  	[sflag:s9] =	ssyncset.done $0x0  }
0x2b: {  	[sflag:s9] =	ssyncadd.s32 $0xFFFFC000  }
0x2c: {  	_ =	swait.ge [sflag:s10], $0x2400  }
0x2d: {  	[sflag:s10] =	ssyncset.done $0x0  }
0x2e: {  	[sflag:s10] =	ssyncadd.s32 $0xFFFFDC00  }
0x2f: {  	_ =	swait.ge [sflag:s11], $0x4000  }
0x30: {  	[sflag:s11] =	ssyncset.done $0x0  }
0x31: {  	[sflag:s11] =	ssyncadd.s32 $0xFFFFC000  }
0x32: {  	_ =	swait.ge [sflag:s12], $0x2400  }
0x33: {  	[sflag:s12] =	ssyncset.done $0x0  }
0x34: {  	[sflag:s12] =	ssyncadd.s32 $0xFFFFDC00  }
.LBB2_5:
0x35: {  	s14 =	rddreg [dreg:$0x10]  }
0x36: {  	s13 =	rddreg [dreg:$0x6];
	s14 =	sadd.s32 $0x1, s14  }
0x37: {  	p0 =	sne.s32 s14, s13  }
.Ltmp1:
0x38: {  	_ = 	snop;
	(pc) =	sbr.rel @!p0 .LBB2_6-.Ltmp1, $3  }
0x39: {  	_ =	sdelay $0x1  }
0x3a: {  	s15 =	simm.s32 $0x13400;
	s18 =	simm.s32 $0x9000  }
0x3b: {  	s0 =	simm.s32 $0x15800;
	s20 =	simm.s32 $0xD000;
	s28 =	simm.s32 $0x17C00  }
.LBB2_1:
0x3c: {  	[dreg:$0x10] =	wrdreg s14  }
0x3d: {  	s13 =	rddreg [dreg:$0x4];
	s14 =	simm.s32 $0x11  }
0x3e: {  	[tilespmem:s3], [sflag:$0x11] =	stream.linear.gather [hbm4b:s13+s3], $0x800, $0x38;
	[tilespmem:$0x1A000] =	vst v63  }
0x3f: {  	_ =	swait.ge [sflag:s14], $0x800  }
0x40: {  	[sflag:s14] =	ssyncset.done $0x0  }
0x41: {  	[sflag:s14] =	ssyncadd.s32 $0xFFFFF800  }
0x42: {  	[tilespmem:s23], [sflag:$0x1] =	stream.indirect.gather [hbm4b:s1+s17], $0x80, s3, s17, $0xb8;
	[tilespmem:$0x1A000] =	vst v63  }
0x43: {  	s13 =	simm.s32 $0x400  }
0x44: {  	[tilespmem:s21], [sflag:$0x5] =	stream.indirect.gather [hbm4b:s1+s19], $0x80, s13, s19, $0xb8;
	[tilespmem:$0x1A000] =	vst v63  }
0x45: {  	_ = 	snop  }
0x46: {  	[tilespmem:s25], [sflag:$0x2] =	stream.indirect.gather [hbm4b:s1+s17], $0x80, s17, s17, $0xb8;
	[tilespmem:$0x1A000] =	vst v63  }
0x47: {  	s14 =	simm.s32 $0x480  }
0x48: {  	[tilespmem:s15], [sflag:$0x6] =	stream.indirect.gather [hbm4b:s1+s19], $0x80, s14, s19, $0xb8;
	[tilespmem:$0x1A000] =	vst v63  }
0x49: {  	s15 =	simm.s32 $0x100  }
0x4a: {  	[tilespmem:s18], [sflag:$0x3] =	stream.indirect.gather [hbm4b:s1+s17], $0x80, s15, s17, $0xb8;
	[tilespmem:$0x1A000] =	vst v63  }
0x4b: {  	s18 =	simm.s32 $0x500  }
0x4c: {  	[tilespmem:s0], [sflag:$0x7] =	stream.indirect.gather [hbm4b:s1+s19], $0x80, s18, s19, $0xb8;
	[tilespmem:$0x1A000] =	vst v63  }
0x4d: {  	s14 =	simm.s32 $0x180  }
0x4e: {  	[tilespmem:s20], [sflag:$0x4] =	stream.indirect.gather [hbm4b:s1+s17], $0x80, s14, s17, $0xb8;
	[tilespmem:$0x1A000] =	vst v63  }
0x4f: {  	s15 =	simm.s32 $0x580  }
0x50: {  	[tilespmem:s28], [sflag:$0x8] =	stream.indirect.gather [hbm4b:s1+s19], $0x80, s15, s19, $0xb8;
	[tilespmem:$0x1A000] =	vst v63  }
0x51: {  	s18 =	rddreg [dreg:$0x5];
	s20 =	simm.s32 $0x800;
	s14 =	simm.s32 $0x200  }
0x52: {  	[tilespmem:s20], [sflag:$0x11] =	stream.linear.gather [hbm4b:s18+s3], $0x800, $0x38;
	[tilespmem:$0x1A000] =	vst v63  }
0x53: {  	s15 =	simm.s32 $0x0;
	s28 =	simm.s32 $0xD000;
	s18 =	simm.s32 $0x0  }
.LBB2_2:
0x54: {  	_ =	swait.ge [sflag:s22], $0x4000  }
0x55: {  	[sflag:s22] =	ssyncset.done $0x0;
	s20 =	rddreg [dreg:$0xf]  }
0x56: {  	[sflag:s22] =	ssyncadd.s32 $0xFFFFC000;
	s20 =	sadd.s32 s15, s20  }
0x57: {  	[hbm4b:s20+s3] =	stream.linear.scatter [tilespmem:s23], [sflag:$0x9], $0x4000, $0x38;
	[tilespmem:$0x1A000] =	vst v63  }
0x58: {  	_ =	swait.ge [sflag:s24], $0x2400  }
0x59: {  	[sflag:s24] =	ssyncset.done $0x0;
	s0 =	rddreg [dreg:$0xe]  }
0x5a: {  	[sflag:s24] =	ssyncadd.s32 $0xFFFFDC00;
	s20 =	sadd.s32 s15, s0  }
0x5b: {  	[hbm4b:s20+s3] =	stream.linear.scatter [tilespmem:s21], [sflag:$0xD], $0x2400, $0x38;
	[tilespmem:$0x1A000] =	vst v63  }
0x5c: {  	_ =	swait.ge [sflag:s26], $0x4000  }
0x5d: {  	[sflag:s26] =	ssyncset.done $0x0;
	s0 =	rddreg [dreg:$0xc]  }
0x5e: {  	[sflag:s26] =	ssyncadd.s32 $0xFFFFC000;
	s20 =	sadd.s32 s15, s0  }
0x5f: {  	[hbm4b:s20+s3] =	stream.linear.scatter [tilespmem:s25], [sflag:$0xA], $0x4000, $0x38;
	[tilespmem:$0x1A000] =	vst v63  }
0x60: {  	_ =	swait.ge [sflag:s29], $0x2400  }
0x61: {  	[sflag:s29] =	ssyncset.done $0x0;
	s0 =	rddreg [dreg:$0xd]  }
0x62: {  	[sflag:s29] =	ssyncadd.s32 $0xFFFFDC00;
	s20 =	sadd.s32 s15, s0;
	s0 =	simm.s32 $0x13400  }
0x63: {  	[hbm4b:s20+s3] =	stream.linear.scatter [tilespmem:s0], [sflag:$0xE], $0x2400, $0x38;
	[tilespmem:$0x1A000] =	vst v63  }
0x64: {  	_ =	swait.ge [sflag:s31], $0x4000  }
0x65: {  	[sflag:s31] =	ssyncset.done $0x0;
	s0 =	rddreg [dreg:$0xa]  }
0x66: {  	[sflag:s31] =	ssyncadd.s32 $0xFFFFC000;
	s20 =	sadd.s32 s15, s0;
	s0 =	simm.s32 $0x9000  }
0x67: {  	[hbm4b:s20+s3] =	stream.linear.scatter [tilespmem:s0], [sflag:$0xB], $0x4000, $0x38;
	[tilespmem:$0x1A000] =	vst v63  }
0x68: {  	_ =	swait.ge [sflag:s2], $0x2400  }
0x69: {  	[sflag:s2] =	ssyncset.done $0x0;
	s0 =	rddreg [dreg:$0xb]  }
0x6a: {  	[sflag:s2] =	ssyncadd.s32 $0xFFFFDC00;
	s20 =	sadd.s32 s15, s0;
	s0 =	simm.s32 $0x15800  }
0x6b: {  	[hbm4b:s20+s3] =	stream.linear.scatter [tilespmem:s0], [sflag:$0xF], $0x2400, $0x38;
	[tilespmem:$0x1A000] =	vst v63  }
0x6c: {  	_ =	swait.ge [sflag:s4], $0x4000  }
0x6d: {  	[sflag:s4] =	ssyncset.done $0x0;
	s0 =	rddreg [dreg:$0x8]  }
0x6e: {  	[sflag:s4] =	ssyncadd.s32 $0xFFFFC000;
	s20 =	sadd.s32 s15, s0  }
0x6f: {  	[hbm4b:s20+s3] =	stream.linear.scatter [tilespmem:s28], [sflag:$0xC], $0x4000, $0x38;
	[tilespmem:$0x1A000] =	vst v63  }
0x70: {  	_ =	swait.ge [sflag:s5], $0x2400  }
0x71: {  	[sflag:s5] =	ssyncset.done $0x0;
	s0 =	rddreg [dreg:$0x9]  }
0x72: {  	[sflag:s5] =	ssyncadd.s32 $0xFFFFDC00;
	s20 =	sadd.s32 s15, s0;
	s0 =	sand.u32 $0x1, s18  }
0x73: {  	[hbm4b:s20+s3] =	stream.linear.scatter [tilespmem:s30], [sflag:$0x10], $0x2400, $0x38;
	[tilespmem:$0x1A000] =	vst v63  }
0x74: {  	p1 =	seq.s32 s15, $0x60E00;
	p0 =	seq.s32 s0, $0x1  }
0x75: {  	p1 =	por !p0, p1  }
0x76: {  	s20 =	simm.s32 @!p1 $0x11  }
0x77: {  	_ =	swait.ge @!p1 [sflag:s20], $0x800  }
0x78: {  	[sflag:s20] =	ssyncset.done @!p1 $0x0  }
0x79: {  	[sflag:s20] =	ssyncadd.s32 @!p1 $0xFFFFF800;
	p1 =	sne.s32 s15, $0x60E00  }
.Ltmp2:
0x7a: {  	_ = 	snop;
	(pc) =	sbr.rel @!p1 .LBB2_3-.Ltmp2, $4  }
0x7b: {  	_ = 	snop  }
0x7c: {  	_ =	swait.ge [sflag:s6], $0x4000  }
0x7d: {  	[sflag:s6] =	ssyncset.done $0x0  }
0x7e: {  	[sflag:s6] =	ssyncadd.s32 $0xFFFFC000  }
0x7f: {  	s20 =	sand.u32 $0x800, s13;
	s21 =	sand.u32 $0x200, s14  }
0x80: {  	s20 =	sor.u32 s21, s20  }
0x81: {  	[tilespmem:s23], [sflag:$0x1] =	stream.indirect.gather [hbm4b:s1+s17], $0x80, s20, s17, $0xb8;
	[tilespmem:$0x1A000] =	vst v63  }
0x82: {  	_ =	swait.ge [sflag:s16], $0x2400  }
0x83: {  	[sflag:s16] =	ssyncset.done $0x0  }
0x84: {  	s25 =	simm.s32 $0x11000;
	s21 =	sor.u32 $0x400, s20;
	[sflag:s16] =	ssyncadd.s32 $0xFFFFDC00  }
0x85: {  	[tilespmem:s25], [sflag:$0x5] =	stream.indirect.gather [hbm4b:s1+s19], $0x80, s21, s19, $0xb8;
	[tilespmem:$0x1A000] =	vst v63  }
0x86: {  	_ =	swait.ge [sflag:s7], $0x4000  }
0x87: {  	[sflag:s7] =	ssyncset.done $0x0  }
0x88: {  	s0 =	sor.u32 $0x80, s20;
	s25 =	simm.s32 $0x5000;
	[sflag:s7] =	ssyncadd.s32 $0xFFFFC000  }
0x89: {  	[tilespmem:s25], [sflag:$0x2] =	stream.indirect.gather [hbm4b:s1+s17], $0x80, s0, s17, $0xb8;
	[tilespmem:$0x1A000] =	vst v63  }
0x8a: {  	_ =	swait.ge [sflag:s8], $0x2400  }
0x8b: {  	[sflag:s8] =	ssyncset.done $0x0  }
0x8c: {  	s23 =	sor.u32 $0x480, s20;
	s0 =	simm.s32 $0x13400;
	[sflag:s8] =	ssyncadd.s32 $0xFFFFDC00  }
0x8d: {  	[tilespmem:s0], [sflag:$0x6] =	stream.indirect.gather [hbm4b:s1+s19], $0x80, s23, s19, $0xb8;
	[tilespmem:$0x1A000] =	vst v63  }
0x8e: {  	_ =	swait.ge [sflag:s9], $0x4000  }
0x8f: {  	[sflag:s9] =	ssyncset.done $0x0  }
0x90: {  	s0 =	sor.u32 $0x100, s20;
	s23 =	simm.s32 $0x9000;
	[sflag:s9] =	ssyncadd.s32 $0xFFFFC000  }
0x91: {  	[tilespmem:s23], [sflag:$0x3] =	stream.indirect.gather [hbm4b:s1+s17], $0x80, s0, s17, $0xb8;
	[tilespmem:$0x1A000] =	vst v63  }
0x92: {  	_ =	swait.ge [sflag:s10], $0x2400  }
0x93: {  	[sflag:s10] =	ssyncset.done $0x0  }
0x94: {  	s0 =	sor.u32 $0x500, s20;
	s23 =	simm.s32 $0x15800;
	[sflag:s10] =	ssyncadd.s32 $0xFFFFDC00  }
0x95: {  	[tilespmem:s23], [sflag:$0x7] =	stream.indirect.gather [hbm4b:s1+s19], $0x80, s0, s19, $0xb8;
	[tilespmem:$0x1A000] =	vst v63  }
0x96: {  	_ =	swait.ge [sflag:s11], $0x4000  }
0x97: {  	[sflag:s11] =	ssyncset.done $0x0  }
0x98: {  	s23 =	sor.u32 $0x180, s20;
	[sflag:s11] =	ssyncadd.s32 $0xFFFFC000  }
0x99: {  	[tilespmem:s28], [sflag:$0x4] =	stream.indirect.gather [hbm4b:s1+s17], $0x80, s23, s17, $0xb8;
	[tilespmem:$0x1A000] =	vst v63  }
0x9a: {  	_ =	swait.ge [sflag:s12], $0x2400  }
0x9b: {  	p1 =	sgt.u32 s18, $0x1B;
	p0 =	por !p0, !p0;
	[sflag:s12] =	ssyncset.done $0x0  }
0x9c: {  	p0 =	por p1, p0;
	s20 =	sor.u32 $0x580, s20;
	[sflag:s12] =	ssyncadd.s32 $0xFFFFDC00  }
0x9d: {  	[tilespmem:s30], [sflag:$0x8] =	stream.indirect.gather [hbm4b:s1+s19], $0x80, s20, s19, $0xb8;
	[tilespmem:$0x1A000] =	vst v63  }
0x9e: {  	s15 =	sadd.s32 $0x3200, s15;
	s20 =	sshll.u32 @!p0 s18, $0x7  }
0x9f: {  	s21 =	sshll.u32 @!p0 s18, $0xA;
	s23 =	rddreg [dreg:$0x7];
	s20 =	sand.u32 @!p0 $0xFFFFFF00, s20  }
0xa0: {  	s21 =	sand.u32 @!p0 $0x800, s21;
	s20 =	sadd.s32 @!p0 s23, s20;
	s23 =	simm.s32 @!p0 $0x0  }
0xa1: {  	[tilespmem:s21], [sflag:$0x11] =	stream.linear.gather @!p0 [hbm4b:s20+s23], $0x800, $0x38;
	[tilespmem:$0x1A000] =	vst v63  }
0xa2: {  	p0 =	sne.s32 s15, $0x64000  }
.Ltmp3:
0xa3: {  	_ = 	snop;
	(pc) =	sbr.rel @p0 .LBB2_2-.Ltmp3, $4  }
.Ltmp4:
0xa4: {  	_ = 	snop;
	(pc) =	sbr.rel @!p0 .LBB2_5-.Ltmp4, $4  }
0xa5: {  	_ = 	snop  }
0xa6: {  	s14 =	sadd.s32 $0x200, s14;
	s13 =	sadd.s32 $0x400, s13  }
0xa7: {  	s18 =	sadd.s32 $0x1, s18;
	s21 =	simm.s32 $0x11000;
	s23 =	simm.s32 $0x1000  }
0xa8: {  	_ = 	snop  }
.LBB2_6:
0xa9: {  	_ =	sfence.sel $0x180000  }
0xaa: {  	[bflag:$0x0] =	sbarrier.arrive $0xFFFF  }
0xab: {  	_ =	strace $0x9000004A  }
0xac: {  	s0 =	stileid.u32;
	[bflag:$0x2] =	sbarrier.arrive $0xFFFF  }
0xad: {  	p0 =	sne.s32 s0, $0x0;
	s0 =	rddreg [dreg:$0x3]  }
0xae: {  	s0 =	sadd.s32 @!p0 $0x100000, s0  }
0xaf: {  	[sflag:s0] =	ssyncadd.tile.s32 @!p0 $0x1;
	_ =	shalt  }
.Lfunc_end2:
_tile_overlayer_lowered:
.L_overlay_start_2:
0xb0: {  	(tag) =	ssettag $0x2  }
0xb1: {  	s0 =	rddreg [dreg:$0x0];
	s2 =	stileid.u32  }
0xb2: {  	s1 =	rddreg [dreg:$0x1];
	p0 =	sne.s32 s2, $0x0  }
0xb3: {  	s3 =	rddreg [dreg:$0x2];
	[bflag:$0x3] =	sbarrier.arrive $0xFFFF;
	s2 =	simm.s32 @!p0 $0x1C12  }
0xb4: {  	[timem:s3], [sflag:s2] =	dma.local @!p0 [hbm:s0], s1  }
0xb5: {  	s0 =	simm.s32 @!p0 $0x12  }
0xb6: {  	_ =	swait.ge @!p0 [sflag:s0], s1  }
0xb7: {  	s1 =	ssub.s32 @!p0 $0x0, s1;
	[sflag:s0] =	ssyncset.done @!p0 $0x0  }
0xb8: {  	[sflag:s0] =	ssyncadd.s32 @!p0 s1  }
0xb9: {  	[bflag:$0x3] =	sbarrier.arrive $0xFFFF  }
0xba: {  	_ =	shalt  }

</sc_bundles>
